<compile_context>
chip_gen: v7x
topology: tpu7x:2x2x1
jax: 0.10.2.dev20260603
libtpu: 0.0.44.dev20260713+nightly
codegen_flags: <defaults>
</compile_context>

<pallas_src>
import functools

import jax
import jax.numpy as jnp
from jax import lax
from jax.experimental import pallas as pl
from jax.experimental.pallas import tpu as pltpu
from jax.experimental.pallas import tpu_sc as plsc

NUM_P = 10000
NUM_T = 10000
NUM_E = 320000
NUM_LE = 100000
H = 128

NC = 2
NS = 16
L = 16

K = 128
EDGES_PER_TILE = NUM_E // NS
DEPTH = 4
NCHUNK = -(-EDGES_PER_TILE // (K * DEPTH)) * DEPTH

EPAD = NS * NCHUNK * K
NROWS = ((max(NUM_P, NUM_T) + 1 + NS - 1) // NS + 7) // 8 * 8 * NS
RPT = NROWS // NS
GARB = NUM_T

NW = NC * NS
CK = 128
CCHUNK = -(-NUM_LE // (NW * CK))
LE_PER_W = CCHUNK * CK
LEPAD = NW * LE_PER_W

_mesh = plsc.VectorSubcoreMesh(core_axis_name="c", subcore_axis_name="s")


HH = H // 2


def _make_seg_pass(with_counts):
    out_type = [jax.ShapeDtypeStruct((2, NC, NROWS, HH), jnp.float32)]
    scratch = [
        pltpu.VMEM((NCHUNK, K), jnp.int32),
        pltpu.VMEM((NCHUNK, K), jnp.int32),
        *[pltpu.VMEM((K, HH), jnp.float32) for _ in range(DEPTH)],
        pltpu.VMEM_SHARED((NROWS, HH), jnp.float32),
        *[pltpu.SemaphoreType.DMA for _ in range(DEPTH)],
    ]
    if with_counts:
        out_type.append(jax.ShapeDtypeStruct((NC, NROWS, L), jnp.float32))
        scratch += [
            pltpu.VMEM((K, L), jnp.float32),
            pltpu.VMEM_SHARED((NROWS, L), jnp.float32),
        ]

    def body(tabL, tabR, gidx_h, sidx_h, zacc, zcnt, ones_h, *rest):
        if with_counts:
            (acc_o, cnt_o, gidx_v, sidx_v, *bufs, acc_sh), sems, (ones_v, cnt_sh) = (
                rest[:4 + DEPTH + 1], rest[4 + DEPTH + 1:4 + 2 * DEPTH + 1],
                rest[4 + 2 * DEPTH + 1:])
        else:
            (acc_o, gidx_v, sidx_v, *bufs, acc_sh), sems = (
                rest[:3 + DEPTH + 1], rest[3 + DEPTH + 1:])
        c = lax.axis_index("c")
        s = lax.axis_index("s")
        r0 = s * RPT
        if with_counts:
            pltpu.sync_copy(zcnt.at[pl.ds(r0, RPT)], cnt_sh.at[pl.ds(r0, RPT)])
            pltpu.sync_copy(ones_h, ones_v)
        pltpu.sync_copy(gidx_h.at[c, s], gidx_v)
        pltpu.sync_copy(sidx_h.at[c, s], sidx_v)

        for half, table in enumerate((tabL, tabR)):
            pltpu.sync_copy(zacc.at[pl.ds(r0, RPT)], acc_sh.at[pl.ds(r0, RPT)])
            plsc.subcore_barrier()

            def scatter(j, buf):
                pltpu.sync_copy(buf, acc_sh.at[sidx_v.at[j]], add=True)
                if with_counts and half == 0:
                    pltpu.sync_copy(ones_v, cnt_sh.at[sidx_v.at[j]], add=True)

            for r in range(DEPTH):
                pltpu.async_copy(table.at[gidx_v.at[r]], bufs[r], sems[r])

            def step(i, carry):
                for r in range(DEPTH):
                    j = DEPTH * i + r
                    pltpu.make_async_copy(table.at[gidx_v.at[j]], bufs[r],
                                          sems[r]).wait()
                    scatter(j, bufs[r])

                    @pl.when(j + DEPTH < NCHUNK)
                    def _():
                        pltpu.async_copy(table.at[gidx_v.at[j + DEPTH]],
                                         bufs[r], sems[r])
                return carry

            lax.fori_loop(0, NCHUNK // DEPTH, step, 0)
            plsc.subcore_barrier()
            pltpu.sync_copy(acc_sh.at[pl.ds(r0, RPT)],
                            acc_o.at[half, c, pl.ds(r0, RPT)])
            plsc.subcore_barrier()
        if with_counts:
            pltpu.sync_copy(cnt_sh.at[pl.ds(r0, RPT)], cnt_o.at[c, pl.ds(r0, RPT)])

    return pl.kernel(body, out_type=out_type, mesh=_mesh,
                     scratch_types=scratch,
                     compiler_params=pltpu.CompilerParams(
                         use_tc_tiling_on_sc=False))


BR = 1000


def _make_tc_layer(relu):

    def body(accT, cntT, xT, WTl, WTr, bT,
             accP, cntP, xP, WPl, WPr, bP, hT, hP):
        dn = (((1,), (1,)), ((), ()))
        aggT = accT[...] / jnp.maximum(cntT[...], 1.0)
        t = (lax.dot_general(aggT, WTl[...], dn,
                             preferred_element_type=jnp.float32)
             + bT[...]
             + lax.dot_general(xT[...], WTr[...], dn,
                               preferred_element_type=jnp.float32))
        aggP = accP[...] / jnp.maximum(cntP[...], 1.0)
        p = (lax.dot_general(aggP, WPl[...], dn,
                             preferred_element_type=jnp.float32)
             + bP[...]
             + lax.dot_general(xP[...], WPr[...], dn,
                               preferred_element_type=jnp.float32))
        if relu:
            t = jnp.maximum(t, 0.0)
            p = jnp.maximum(p, 0.0)
        hT[...] = t
        hP[...] = p

    rows = pl.BlockSpec((BR, H), lambda i: (i, 0))
    col = pl.BlockSpec((BR, 1), lambda i: (i, 0))
    w = pl.BlockSpec((H, H), lambda i: (0, 0))
    b = pl.BlockSpec((1, H), lambda i: (0, 0))
    return pl.pallas_call(
        body,
        grid=(NUM_T // BR,),
        in_specs=[rows, col, rows, w, w, b, rows, col, rows, w, w, b],
        out_specs=[rows, rows],
        out_shape=[jax.ShapeDtypeStruct((NUM_T, H), jnp.float32),
                   jax.ShapeDtypeStruct((NUM_P, H), jnp.float32)],
    )


def _classifier_body(htab, idxA_h, idxB_h, out_h,
                     idxA_v, idxB_v, bufA, bufB, out_v, semA, semB):
    c = lax.axis_index("c")
    s = lax.axis_index("s")
    wid = s * NC + c
    pltpu.sync_copy(idxA_h.at[wid], idxA_v)
    pltpu.sync_copy(idxB_h.at[wid], idxB_v)

    def chunk(j, carry):
        ca = pltpu.async_copy(htab.at[idxA_v.at[j]], bufA, semA)
        cb = pltpu.async_copy(htab.at[idxB_v.at[j]], bufB, semB)
        ca.wait()
        cb.wait()

        def edge(e, carry2):
            acc = bufA[e, pl.ds(0, L)] * bufB[e, pl.ds(0, L)]
            for q in range(1, H // L):
                acc = acc + bufA[e, pl.ds(q * L, L)] * bufB[e, pl.ds(q * L, L)]
            out_v[j * CK + e, :] = acc
            return carry2

        lax.fori_loop(0, CK, edge, 0)
        return carry

    lax.fori_loop(0, CCHUNK, chunk, 0)
    pltpu.sync_copy(out_v, out_h.at[pl.ds(wid * LE_PER_W, LE_PER_W)])


_classifier = pl.kernel(
    _classifier_body,
    out_type=[jax.ShapeDtypeStruct((LEPAD, L), jnp.float32)],
    mesh=_mesh,
    scratch_types=[
        pltpu.VMEM((CCHUNK, CK), jnp.int32),
        pltpu.VMEM((CCHUNK, CK), jnp.int32),
        pltpu.VMEM((CK, H), jnp.float32),
        pltpu.VMEM((CK, H), jnp.float32),
        pltpu.VMEM((LE_PER_W, L), jnp.float32),
        pltpu.SemaphoreType.DMA,
        pltpu.SemaphoreType.DMA,
    ],
    compiler_params=pltpu.CompilerParams(use_tc_tiling_on_sc=False),
)


def _reduce_body(part, out):
    out[...] = jnp.sum(part[...], axis=1, keepdims=True)


_reduce16 = pl.pallas_call(
    _reduce_body,
    grid=(LEPAD // 12800,),
    in_specs=[pl.BlockSpec((12800, L), lambda i: (i, 0))],
    out_specs=pl.BlockSpec((12800, 1), lambda i: (i, 0)),
    out_shape=jax.ShapeDtypeStruct((LEPAD, 1), jnp.float32),
)

_seg_pass_counts = _make_seg_pass(True)
_seg_pass_plain = _make_seg_pass(False)
_tc_layer_relu = _make_tc_layer(True)
_tc_layer_lin = _make_tc_layer(False)


def _pad_to(x, n, val):
    return jnp.concatenate(
        [x, jnp.full((n - x.shape[0],), val, x.dtype)])


def kernel(playlist_node_id, track_node_id, edge_index_pt, edge_index_tp,
           edge_label_index, playlist_emb, track_emb,
           W1_pt_l, W1_pt_r, W1_tp_l, W1_tp_r,
           W2_pt_l, W2_pt_r, W2_tp_l, W2_tp_r,
           b1_pt_l, b1_tp_l, b2_pt_l, b2_tp_l):
    xP = playlist_emb
    xT = track_emb

    g0 = _pad_to(edge_index_pt[0], EPAD, 0)
    d0 = _pad_to(edge_index_pt[1], EPAD, GARB)
    g1 = _pad_to(edge_index_tp[0] + NUM_P, EPAD, 0)
    d1 = _pad_to(edge_index_tp[1], EPAD, GARB)
    gidx = jnp.stack([g0, g1]).reshape(NC, NS, NCHUNK, K)
    sidx = jnp.stack([d0, d1]).reshape(NC, NS, NCHUNK, K)

    zacc = jnp.zeros((NROWS, HH), jnp.float32)
    zcnt = jnp.zeros((NROWS, L), jnp.float32)
    ones = jnp.ones((K, L), jnp.float32)

    def _acc_halves(acc, c, n):
        return jnp.concatenate([acc[0, c, :n], acc[1, c, :n]], axis=1)

    table1 = jnp.concatenate([xP, xT], axis=0)
    acc1, cnt1 = _seg_pass_counts(table1[:, :HH], table1[:, HH:],
                                  gidx, sidx, zacc, zcnt, ones)
    cntT = cnt1[0, :NUM_T, 0:1]
    cntP = cnt1[1, :NUM_P, 0:1]
    b1_pt = b1_pt_l.reshape(1, H)
    b1_tp = b1_tp_l.reshape(1, H)
    hT1, hP1 = _tc_layer_relu(_acc_halves(acc1, 0, NUM_T), cntT, xT,
                              W1_pt_l, W1_pt_r, b1_pt,
                              _acc_halves(acc1, 1, NUM_P), cntP, xP,
                              W1_tp_l, W1_tp_r, b1_tp)

    table2 = jnp.concatenate([hP1, hT1], axis=0)
    (acc2,) = _seg_pass_plain(table2[:, :HH], table2[:, HH:],
                              gidx, sidx, zacc, zcnt, ones)
    b2_pt = b2_pt_l.reshape(1, H)
    b2_tp = b2_tp_l.reshape(1, H)
    hT2, hP2 = _tc_layer_lin(_acc_halves(acc2, 0, NUM_T), cntT, hT1,
                             W2_pt_l, W2_pt_r, b2_pt,
                             _acc_halves(acc2, 1, NUM_P), cntP, hP1,
                             W2_tp_l, W2_tp_r, b2_tp)

    htab = jnp.concatenate([hP2, hT2], axis=0)
    la = _pad_to(edge_label_index[0], LEPAD, 0).reshape(NW, CCHUNK, CK)
    lb = (_pad_to(edge_label_index[1], LEPAD, 0) + NUM_P).reshape(
        NW, CCHUNK, CK)
    (partials,) = _classifier(htab, la, lb)
    scores = _reduce16(partials)
    return scores[:NUM_LE, 0]

# --- scband reference (transcript-rebuilt; emitter-appended) ---
"""Pipeline reference for scband-model-72499047956494 (READ-ONLY COPY).

The authoritative reference and input builder live on the scoring server;
editing this copy changes nothing except your own understanding.
"""

import jax, jax.numpy as jnp
import numpy as np

NUM_PLAYLISTS = 10000
NUM_TRACKS = 10000
NUM_EDGES = 320000
NUM_LABEL_EDGES = 100000
HIDDEN = 128


def _sage_conv(x_src, x_dst, edge_index, num_dst, W_l, b_l, W_r):
    # PyG SAGEConv with mean aggregation:
    # out = lin_l(mean_{j in N(i)} x_j) + lin_r(x_i)
    src = edge_index[0]
    dst = edge_index[1]
    msg = x_src[src]
    agg_sum = jax.ops.segment_sum(msg, dst, num_segments=num_dst)
    cnt = jax.ops.segment_sum(jnp.ones((edge_index.shape[1],), x_src.dtype), dst, num_segments=num_dst)
    agg_mean = agg_sum / jnp.clip(cnt, 1.0)[:, None]
    return agg_mean @ W_l.T + b_l + x_dst @ W_r.T


def setup_inputs(seed: int = 0):
    key = jax.random.key(seed)
    ks = jax.random.split(key, 18)
    scale = 1.0 / np.sqrt(HIDDEN)
    inp = {}
    inp['playlist_node_id'] = jnp.arange(NUM_PLAYLISTS, dtype=jnp.int32)
    inp['track_node_id'] = jnp.arange(NUM_TRACKS, dtype=jnp.int32)
    ei = jax.random.randint(ks[0], (2, NUM_EDGES), 0, NUM_PLAYLISTS, dtype=jnp.int32)
    inp['edge_index_pt'] = ei
    # ToUndirected adds the reverse ('track','rev_has','playlist') edge type
    inp['edge_index_tp'] = ei[::-1]
    inp['edge_label_index'] = jax.random.randint(ks[1], (2, NUM_LABEL_EDGES), 0, NUM_TRACKS, dtype=jnp.int32)
    inp['playlist_emb'] = jax.random.normal(ks[2], (NUM_PLAYLISTS, HIDDEN), dtype=jnp.float32)
    inp['track_emb'] = jax.random.normal(ks[3], (NUM_TRACKS, HIDDEN), dtype=jnp.float32)
    wnames = ['W1_pt_l', 'W1_pt_r', 'W1_tp_l', 'W1_tp_r', 'W2_pt_l', 'W2_pt_r', 'W2_tp_l', 'W2_tp_r']
    for i, n in enumerate(wnames):
        inp[n] = jax.random.normal(ks[4 + i], (HIDDEN, HIDDEN), dtype=jnp.float32) * scale
    for n in ['b1_pt_l', 'b1_tp_l', 'b2_pt_l', 'b2_tp_l']:
        inp[n] = jnp.zeros((HIDDEN,), dtype=jnp.float32)
    return inp


def reference(playlist_node_id, track_node_id, edge_index_pt, edge_index_tp, edge_label_index, playlist_emb, track_emb, W1_pt_l, W1_pt_r, W1_tp_l, W1_tp_r, W2_pt_l, W2_pt_r, W2_tp_l, W2_tp_r, b1_pt_l, b1_tp_l, b2_pt_l, b2_tp_l):
    # embedding lookups for each node type
    x_playlist = playlist_emb[playlist_node_id]
    x_track = track_emb[track_node_id]
    # hetero GNN layer 1 (one SAGEConv per edge type) + ReLU
    h_track = _sage_conv(x_playlist, x_track, edge_index_pt, NUM_TRACKS, W1_pt_l, b1_pt_l, W1_pt_r)
    h_playlist = _sage_conv(x_track, x_playlist, edge_index_tp, NUM_PLAYLISTS, W1_tp_l, b1_tp_l, W1_tp_r)
    x_track1 = jax.nn.relu(h_track)
    x_playlist1 = jax.nn.relu(h_playlist)
    # hetero GNN layer 2 (no activation)
    h_track2 = _sage_conv(x_playlist1, x_track1, edge_index_pt, NUM_TRACKS, W2_pt_l, b2_pt_l, W2_pt_r)
    h_playlist2 = _sage_conv(x_track1, x_playlist1, edge_index_tp, NUM_PLAYLISTS, W2_tp_l, b2_tp_l, W2_tp_r)
    # Classifier: dot product over label edges
    edge_feat_playlist = h_playlist2[edge_label_index[0]]
    edge_feat_track = h_track2[edge_label_index[1]]
    return (edge_feat_playlist * edge_feat_track).sum(axis=-1)

if __name__ == "__main__":
    import jax
    _d = setup_inputs()
    print(jax.jit(kernel)(*tuple(_d.values())))

</pallas_src>

<mosaic_0001>
#map = affine_map<(d0, d1) -> (0, 0)>
#map1 = affine_map<(d0, d1) -> (0, 0, 0, 0)>
module attributes {stable_mosaic.version = 14 : i64} {
  func.func @body(%arg0: i32, %arg1: i32, %arg2: memref<20000x64xf32, #tpu.memory_space<hbm>>, %arg3: memref<20000x64xf32, #tpu.memory_space<hbm>>, %arg4: memref<2x16x160x128xi32, #tpu.memory_space<hbm>>, %arg5: memref<2x16x160x128xi32, #tpu.memory_space<hbm>>, %arg6: memref<10112x64xf32, #tpu.memory_space<hbm>>, %arg7: memref<10112x16xf32, #tpu.memory_space<hbm>>, %arg8: memref<128x16xf32, #tpu.memory_space<hbm>>, %arg9: memref<2x2x10112x64xf32, #tpu.memory_space<hbm>>, %arg10: memref<160x128xi32, #tpu.memory_space<vmem>>, %arg11: memref<160x128xi32, #tpu.memory_space<vmem>>, %arg12: memref<128x64xf32, #tpu.memory_space<vmem>>, %arg13: memref<128x64xf32, #tpu.memory_space<vmem>>, %arg14: memref<128x64xf32, #tpu.memory_space<vmem>>, %arg15: memref<128x64xf32, #tpu.memory_space<vmem>>, %arg16: memref<10112x64xf32, #tpu.memory_space<vmem_shared>>, %arg17: memref<!tpu.dma_semaphore, #tpu.memory_space<semaphore_mem>>, %arg18: memref<!tpu.dma_semaphore, #tpu.memory_space<semaphore_mem>>, %arg19: memref<!tpu.dma_semaphore, #tpu.memory_space<semaphore_mem>>, %arg20: memref<!tpu.dma_semaphore, #tpu.memory_space<semaphore_mem>>) attributes {dimension_semantics = [#tpu.dimension_semantics<core_parallel>, #tpu.dimension_semantics<subcore_parallel>], iteration_bounds = array<i64: 2, 16>, scalar_prefetch = 0 : i64, scratch_operands = 11 : i64, tpu.core_type = #tpu.core_type<sc_vector_subcore>, window_params = [{transform_indices = #map}, {transform_indices = #map}, {transform_indices = #map1}, {transform_indices = #map1}, {transform_indices = #map}, {transform_indices = #map}, {transform_indices = #map}, {transform_indices = #map1}]} {
    %mul3A = arith.constant 632 : i32
    %mul3A_0 = arith.muli %arg1, %mul3A : i32
    "tpu.region"() ({
      %run_scoped3A_73 = tpu.sem_alloc : memref<!tpu.dma_semaphore, #tpu.memory_space<semaphore_mem>>
      %dma_start3A_74 = arith.constant 0 : i32
      %dma_start3A_75 = arith.constant 0 : i32
      %dma_start3A_76 = tpu.memref_slice %arg4[%arg0, %arg1, %dma_start3A_74, %dma_start3A_75] : memref<2x16x160x128xi32, #tpu.memory_space<hbm>> -> memref<1x1x160x128xi32, #tpu.memory_space<hbm>>
      %dma_start3A_77 = tpu.memref_squeeze %dma_start3A_76 : memref<1x1x160x128xi32, #tpu.memory_space<hbm>> -> memref<160x128xi32, #tpu.memory_space<hbm>>
      %dma_start3A_78 = arith.constant 0 : i32
      %dma_start3A_79 = arith.constant 0 : i32
      %dma_start3A_80 = tpu.memref_slice %arg4[%arg0, %arg1, %dma_start3A_78, %dma_start3A_79] : memref<2x16x160x128xi32, #tpu.memory_space<hbm>> -> memref<1x1x160x128xi32, #tpu.memory_space<hbm>>
      %dma_start3A_81 = tpu.memref_squeeze %dma_start3A_80 : memref<1x1x160x128xi32, #tpu.memory_space<hbm>> -> memref<160x128xi32, #tpu.memory_space<hbm>>
      tpu.enqueue_dma source(%dma_start3A_81 : memref<160x128xi32, #tpu.memory_space<hbm>>) target(%arg10 : memref<160x128xi32, #tpu.memory_space<vmem>>) target_semaphore(%run_scoped3A_73 : memref<!tpu.dma_semaphore, #tpu.memory_space<semaphore_mem>>)
      %dma_wait3A = arith.constant 0 : i32
      %dma_wait3A_82 = arith.constant 0 : i32
      %dma_wait3A_83 = tpu.memref_slice %arg4[%arg0, %arg1, %dma_wait3A, %dma_wait3A_82] : memref<2x16x160x128xi32, #tpu.memory_space<hbm>> -> memref<1x1x160x128xi32, #tpu.memory_space<hbm>>
      %dma_wait3A_84 = tpu.memref_squeeze %dma_wait3A_83 : memref<1x1x160x128xi32, #tpu.memory_space<hbm>> -> memref<160x128xi32, #tpu.memory_space<hbm>>
      %dma_wait3A_85 = arith.constant 0 : i32
      %dma_wait3A_86 = arith.constant 0 : i32
      %dma_wait3A_87 = tpu.memref_slice %arg4[%arg0, %arg1, %dma_wait3A_85, %dma_wait3A_86] : memref<2x16x160x128xi32, #tpu.memory_space<hbm>> -> memref<1x1x160x128xi32, #tpu.memory_space<hbm>>
      %dma_wait3A_88 = tpu.memref_squeeze %dma_wait3A_87 : memref<1x1x160x128xi32, #tpu.memory_space<hbm>> -> memref<160x128xi32, #tpu.memory_space<hbm>>
      tpu.wait_dma2 semaphore(%run_scoped3A_73 : memref<!tpu.dma_semaphore, #tpu.memory_space<semaphore_mem>>) src(%dma_wait3A_88 : memref<160x128xi32, #tpu.memory_space<hbm>>) dst(%arg10 : memref<160x128xi32, #tpu.memory_space<vmem>>)
      tpu.yield
    }) : () -> ()
    "tpu.region"() ({
      %run_scoped3A_73 = tpu.sem_alloc : memref<!tpu.dma_semaphore, #tpu.memory_space<semaphore_mem>>
      %dma_start3A_74 = arith.constant 0 : i32
      %dma_start3A_75 = arith.constant 0 : i32
      %dma_start3A_76 = tpu.memref_slice %arg5[%arg0, %arg1, %dma_start3A_74, %dma_start3A_75] : memref<2x16x160x128xi32, #tpu.memory_space<hbm>> -> memref<1x1x160x128xi32, #tpu.memory_space<hbm>>
      %dma_start3A_77 = tpu.memref_squeeze %dma_start3A_76 : memref<1x1x160x128xi32, #tpu.memory_space<hbm>> -> memref<160x128xi32, #tpu.memory_space<hbm>>
      %dma_start3A_78 = arith.constant 0 : i32
      %dma_start3A_79 = arith.constant 0 : i32
      %dma_start3A_80 = tpu.memref_slice %arg5[%arg0, %arg1, %dma_start3A_78, %dma_start3A_79] : memref<2x16x160x128xi32, #tpu.memory_space<hbm>> -> memref<1x1x160x128xi32, #tpu.memory_space<hbm>>
      %dma_start3A_81 = tpu.memref_squeeze %dma_start3A_80 : memref<1x1x160x128xi32, #tpu.memory_space<hbm>> -> memref<160x128xi32, #tpu.memory_space<hbm>>
      tpu.enqueue_dma source(%dma_start3A_81 : memref<160x128xi32, #tpu.memory_space<hbm>>) target(%arg11 : memref<160x128xi32, #tpu.memory_space<vmem>>) target_semaphore(%run_scoped3A_73 : memref<!tpu.dma_semaphore, #tpu.memory_space<semaphore_mem>>)
      %dma_wait3A = arith.constant 0 : i32
      %dma_wait3A_82 = arith.constant 0 : i32
      %dma_wait3A_83 = tpu.memref_slice %arg5[%arg0, %arg1, %dma_wait3A, %dma_wait3A_82] : memref<2x16x160x128xi32, #tpu.memory_space<hbm>> -> memref<1x1x160x128xi32, #tpu.memory_space<hbm>>
      %dma_wait3A_84 = tpu.memref_squeeze %dma_wait3A_83 : memref<1x1x160x128xi32, #tpu.memory_space<hbm>> -> memref<160x128xi32, #tpu.memory_space<hbm>>
      %dma_wait3A_85 = arith.constant 0 : i32
      %dma_wait3A_86 = arith.constant 0 : i32
      %dma_wait3A_87 = tpu.memref_slice %arg5[%arg0, %arg1, %dma_wait3A_85, %dma_wait3A_86] : memref<2x16x160x128xi32, #tpu.memory_space<hbm>> -> memref<1x1x160x128xi32, #tpu.memory_space<hbm>>
      %dma_wait3A_88 = tpu.memref_squeeze %dma_wait3A_87 : memref<1x1x160x128xi32, #tpu.memory_space<hbm>> -> memref<160x128xi32, #tpu.memory_space<hbm>>
      tpu.wait_dma2 semaphore(%run_scoped3A_73 : memref<!tpu.dma_semaphore, #tpu.memory_space<semaphore_mem>>) src(%dma_wait3A_88 : memref<160x128xi32, #tpu.memory_space<hbm>>) dst(%arg11 : memref<160x128xi32, #tpu.memory_space<vmem>>)
      tpu.yield
    }) : () -> ()
    "tpu.region"() ({
      %run_scoped3A_73 = tpu.sem_alloc : memref<!tpu.dma_semaphore, #tpu.memory_space<semaphore_mem>>
      %dma_start3A_74 = arith.constant 0 : i32
      %dma_start3A_75 = tpu.memref_slice %arg16[%mul3A_0, %dma_start3A_74] : memref<10112x64xf32, #tpu.memory_space<vmem_shared>> -> memref<632x64xf32, #tpu.memory_space<vmem_shared>>
      %dma_start3A_76 = arith.constant 0 : i32
      %dma_start3A_77 = tpu.memref_slice %arg6[%mul3A_0, %dma_start3A_76] : memref<10112x64xf32, #tpu.memory_space<hbm>> -> memref<632x64xf32, #tpu.memory_space<hbm>>
      tpu.enqueue_dma source(%dma_start3A_77 : memref<632x64xf32, #tpu.memory_space<hbm>>) target(%dma_start3A_75 : memref<632x64xf32, #tpu.memory_space<vmem_shared>>) target_semaphore(%run_scoped3A_73 : memref<!tpu.dma_semaphore, #tpu.memory_space<semaphore_mem>>)
      %dma_wait3A = arith.constant 0 : i32
      %dma_wait3A_78 = tpu.memref_slice %arg16[%mul3A_0, %dma_wait3A] : memref<10112x64xf32, #tpu.memory_space<vmem_shared>> -> memref<632x64xf32, #tpu.memory_space<vmem_shared>>
      %dma_wait3A_79 = arith.constant 0 : i32
      %dma_wait3A_80 = tpu.memref_slice %arg6[%mul3A_0, %dma_wait3A_79] : memref<10112x64xf32, #tpu.memory_space<hbm>> -> memref<632x64xf32, #tpu.memory_space<hbm>>
      tpu.wait_dma2 semaphore(%run_scoped3A_73 : memref<!tpu.dma_semaphore, #tpu.memory_space<semaphore_mem>>) src(%dma_wait3A_80 : memref<632x64xf32, #tpu.memory_space<hbm>>) dst(%dma_wait3A_78 : memref<632x64xf32, #tpu.memory_space<vmem_shared>>)
      tpu.yield
    }) : () -> ()
    %barrier3A = arith.constant 0 : index
    tpu.barrier barrier_id(%barrier3A)
    %dma_start3A = arith.constant 0 : i32
    %dma_start3A_1 = arith.constant 0 : i32
    %dma_start3A_2 = tpu.memref_slice %arg10[%dma_start3A, %dma_start3A_1] : memref<160x128xi32, #tpu.memory_space<vmem>> -> memref<1x128xi32, #tpu.memory_space<vmem>>
    %dma_start3A_3 = tpu.memref_squeeze %dma_start3A_2 : memref<1x128xi32, #tpu.memory_space<vmem>> -> memref<128xi32, #tpu.memory_space<vmem>>
    %dma_start3A_4 = arith.constant 0 : i32
    %dma_start3A_5 = arith.constant 0 : i32
    %dma_start3A_6 = tpu.memref_slice %arg2[%dma_start3A_4, %dma_start3A_5] : memref<20000x64xf32, #tpu.memory_space<hbm>> -> memref<20000x64xf32, #tpu.memory_space<hbm>>
    tpu.enqueue_indirect_dma source(%dma_start3A_6 : memref<20000x64xf32, #tpu.memory_space<hbm>>) target(%arg12 : memref<128x64xf32, #tpu.memory_space<vmem>>) offsets(%dma_start3A_3 : memref<128xi32, #tpu.memory_space<vmem>>) semaphore(%arg17 : memref<!tpu.dma_semaphore, #tpu.memory_space<semaphore_mem>>)
    %dma_start3A_7 = arith.constant 1 : i32
    %dma_start3A_8 = arith.constant 0 : i32
    %dma_start3A_9 = tpu.memref_slice %arg10[%dma_start3A_7, %dma_start3A_8] : memref<160x128xi32, #tpu.memory_space<vmem>> -> memref<1x128xi32, #tpu.memory_space<vmem>>
    %dma_start3A_10 = tpu.memref_squeeze %dma_start3A_9 : memref<1x128xi32, #tpu.memory_space<vmem>> -> memref<128xi32, #tpu.memory_space<vmem>>
    %dma_start3A_11 = arith.constant 0 : i32
    %dma_start3A_12 = arith.constant 0 : i32
    %dma_start3A_13 = tpu.memref_slice %arg2[%dma_start3A_11, %dma_start3A_12] : memref<20000x64xf32, #tpu.memory_space<hbm>> -> memref<20000x64xf32, #tpu.memory_space<hbm>>
    tpu.enqueue_indirect_dma source(%dma_start3A_13 : memref<20000x64xf32, #tpu.memory_space<hbm>>) target(%arg13 : memref<128x64xf32, #tpu.memory_space<vmem>>) offsets(%dma_start3A_10 : memref<128xi32, #tpu.memory_space<vmem>>) semaphore(%arg18 : memref<!tpu.dma_semaphore, #tpu.memory_space<semaphore_mem>>)
    %dma_start3A_14 = arith.constant 2 : i32
    %dma_start3A_15 = arith.constant 0 : i32
    %dma_start3A_16 = tpu.memref_slice %arg10[%dma_start3A_14, %dma_start3A_15] : memref<160x128xi32, #tpu.memory_space<vmem>> -> memref<1x128xi32, #tpu.memory_space<vmem>>
    %dma_start3A_17 = tpu.memref_squeeze %dma_start3A_16 : memref<1x128xi32, #tpu.memory_space<vmem>> -> memref<128xi32, #tpu.memory_space<vmem>>
    %dma_start3A_18 = arith.constant 0 : i32
    %dma_start3A_19 = arith.constant 0 : i32
    %dma_start3A_20 = tpu.memref_slice %arg2[%dma_start3A_18, %dma_start3A_19] : memref<20000x64xf32, #tpu.memory_space<hbm>> -> memref<20000x64xf32, #tpu.memory_space<hbm>>
    tpu.enqueue_indirect_dma source(%dma_start3A_20 : memref<20000x64xf32, #tpu.memory_space<hbm>>) target(%arg14 : memref<128x64xf32, #tpu.memory_space<vmem>>) offsets(%dma_start3A_17 : memref<128xi32, #tpu.memory_space<vmem>>) semaphore(%arg19 : memref<!tpu.dma_semaphore, #tpu.memory_space<semaphore_mem>>)
    %dma_start3A_21 = arith.constant 3 : i32
    %dma_start3A_22 = arith.constant 0 : i32
    %dma_start3A_23 = tpu.memref_slice %arg10[%dma_start3A_21, %dma_start3A_22] : memref<160x128xi32, #tpu.memory_space<vmem>> -> memref<1x128xi32, #tpu.memory_space<vmem>>
    %dma_start3A_24 = tpu.memref_squeeze %dma_start3A_23 : memref<1x128xi32, #tpu.memory_space<vmem>> -> memref<128xi32, #tpu.memory_space<vmem>>
    %dma_start3A_25 = arith.constant 0 : i32
    %dma_start3A_26 = arith.constant 0 : i32
    %dma_start3A_27 = tpu.memref_slice %arg2[%dma_start3A_25, %dma_start3A_26] : memref<20000x64xf32, #tpu.memory_space<hbm>> -> memref<20000x64xf32, #tpu.memory_space<hbm>>
    tpu.enqueue_indirect_dma source(%dma_start3A_27 : memref<20000x64xf32, #tpu.memory_space<hbm>>) target(%arg15 : memref<128x64xf32, #tpu.memory_space<vmem>>) offsets(%dma_start3A_24 : memref<128xi32, #tpu.memory_space<vmem>>) semaphore(%arg20 : memref<!tpu.dma_semaphore, #tpu.memory_space<semaphore_mem>>)
    %scan3A = arith.constant 0 : i32
    %scan3A_28 = arith.constant 0 : i32
    %scan3A_29 = arith.constant 40 : i32
    %scan3A_30 = arith.addi %scan3A_28, %scan3A_29 : i32
    %scan3A_31 = arith.constant 1 : i32
    scf.for %scan3A_73 = %scan3A_28 to %scan3A_30 step %scan3A_31  : i32 {
      %mul3A_74 = arith.constant 4 : i32
      %mul3A_75 = arith.muli %mul3A_74, %scan3A_73 : i32
      %add3A = arith.constant 0 : i32
      %add3A_76 = arith.addi %mul3A_75, %add3A : i32
      %dma_wait3A = arith.constant 0 : i32
      %dma_wait3A_77 = tpu.memref_slice %arg10[%add3A_76, %dma_wait3A] : memref<160x128xi32, #tpu.memory_space<vmem>> -> memref<1x128xi32, #tpu.memory_space<vmem>>
      %dma_wait3A_78 = tpu.memref_squeeze %dma_wait3A_77 : memref<1x128xi32, #tpu.memory_space<vmem>> -> memref<128xi32, #tpu.memory_space<vmem>>
      %dma_wait3A_79 = arith.constant 0 : i32
      %dma_wait3A_80 = arith.constant 0 : i32
      %dma_wait3A_81 = tpu.memref_slice %arg2[%dma_wait3A_79, %dma_wait3A_80] : memref<20000x64xf32, #tpu.memory_space<hbm>> -> memref<20000x64xf32, #tpu.memory_space<hbm>>
      tpu.wait_indirect_dma semaphore(%arg17 : memref<!tpu.dma_semaphore, #tpu.memory_space<semaphore_mem>>) src(%dma_wait3A_81 : memref<20000x64xf32, #tpu.memory_space<hbm>>) dst(%arg12 : memref<128x64xf32, #tpu.memory_space<vmem>>)
      "tpu.region"() ({
        %run_scoped3A_137 = tpu.sem_alloc : memref<!tpu.dma_semaphore, #tpu.memory_space<semaphore_mem>>
        %dma_start3A_138 = arith.constant 0 : i32
        %dma_start3A_139 = tpu.memref_slice %arg11[%add3A_76, %dma_start3A_138] : memref<160x128xi32, #tpu.memory_space<vmem>> -> memref<1x128xi32, #tpu.memory_space<vmem>>
        %dma_start3A_140 = tpu.memref_squeeze %dma_start3A_139 : memref<1x128xi32, #tpu.memory_space<vmem>> -> memref<128xi32, #tpu.memory_space<vmem>>
        %dma_start3A_141 = arith.constant 0 : i32
        %dma_start3A_142 = arith.constant 0 : i32
        %dma_start3A_143 = tpu.memref_slice %arg16[%dma_start3A_141, %dma_start3A_142] : memref<10112x64xf32, #tpu.memory_space<vmem_shared>> -> memref<10112x64xf32, #tpu.memory_space<vmem_shared>>
        tpu.enqueue_indirect_dma source(%arg12 : memref<128x64xf32, #tpu.memory_space<vmem>>) target(%dma_start3A_143 : memref<10112x64xf32, #tpu.memory_space<vmem_shared>>) offsets(%dma_start3A_140 : memref<128xi32, #tpu.memory_space<vmem>>) semaphore(%run_scoped3A_137 : memref<!tpu.dma_semaphore, #tpu.memory_space<semaphore_mem>>) {add = true}
        %dma_wait3A_144 = arith.constant 0 : i32
        %dma_wait3A_145 = tpu.memref_slice %arg11[%add3A_76, %dma_wait3A_144] : memref<160x128xi32, #tpu.memory_space<vmem>> -> memref<1x128xi32, #tpu.memory_space<vmem>>
        %dma_wait3A_146 = tpu.memref_squeeze %dma_wait3A_145 : memref<1x128xi32, #tpu.memory_space<vmem>> -> memref<128xi32, #tpu.memory_space<vmem>>
        %dma_wait3A_147 = arith.constant 0 : i32
        %dma_wait3A_148 = arith.constant 0 : i32
        %dma_wait3A_149 = tpu.memref_slice %arg16[%dma_wait3A_147, %dma_wait3A_148] : memref<10112x64xf32, #tpu.memory_space<vmem_shared>> -> memref<10112x64xf32, #tpu.memory_space<vmem_shared>>
        tpu.wait_indirect_dma semaphore(%run_scoped3A_137 : memref<!tpu.dma_semaphore, #tpu.memory_space<semaphore_mem>>) src(%arg12 : memref<128x64xf32, #tpu.memory_space<vmem>>) dst(%dma_wait3A_149 : memref<10112x64xf32, #tpu.memory_space<vmem_shared>>)
        tpu.yield
      }) : () -> ()
      %add3A_82 = arith.constant 4 : i32
      %add3A_83 = arith.addi %add3A_76, %add3A_82 : i32
      %lt3A = arith.constant 160 : i32
      %lt3A_84 = arith.cmpi slt, %add3A_83, %lt3A : i32
      %convert_element_type3A = arith.extui %lt3A_84 : i1 to i32
      %cond3A = arith.constant 0 : i32
      %cond3A_85 = arith.cmpi ne, %convert_element_type3A, %cond3A : i32
      scf.if %cond3A_85 {
        %add3A_137 = arith.constant 4 : i32
        %add3A_138 = arith.addi %add3A_76, %add3A_137 : i32
        %dma_start3A_139 = arith.constant 0 : i32
        %dma_start3A_140 = tpu.memref_slice %arg10[%add3A_138, %dma_start3A_139] : memref<160x128xi32, #tpu.memory_space<vmem>> -> memref<1x128xi32, #tpu.memory_space<vmem>>
        %dma_start3A_141 = tpu.memref_squeeze %dma_start3A_140 : memref<1x128xi32, #tpu.memory_space<vmem>> -> memref<128xi32, #tpu.memory_space<vmem>>
        %dma_start3A_142 = arith.constant 0 : i32
        %dma_start3A_143 = arith.constant 0 : i32
        %dma_start3A_144 = tpu.memref_slice %arg2[%dma_start3A_142, %dma_start3A_143] : memref<20000x64xf32, #tpu.memory_space<hbm>> -> memref<20000x64xf32, #tpu.memory_space<hbm>>
        tpu.enqueue_indirect_dma source(%dma_start3A_144 : memref<20000x64xf32, #tpu.memory_space<hbm>>) target(%arg12 : memref<128x64xf32, #tpu.memory_space<vmem>>) offsets(%dma_start3A_141 : memref<128xi32, #tpu.memory_space<vmem>>) semaphore(%arg17 : memref<!tpu.dma_semaphore, #tpu.memory_space<semaphore_mem>>)
      } else {
      }
      %mul3A_86 = arith.constant 4 : i32
      %mul3A_87 = arith.muli %mul3A_86, %scan3A_73 : i32
      %add3A_88 = arith.constant 1 : i32
      %add3A_89 = arith.addi %mul3A_87, %add3A_88 : i32
      %dma_wait3A_90 = arith.constant 0 : i32
      %dma_wait3A_91 = tpu.memref_slice %arg10[%add3A_89, %dma_wait3A_90] : memref<160x128xi32, #tpu.memory_space<vmem>> -> memref<1x128xi32, #tpu.memory_space<vmem>>
      %dma_wait3A_92 = tpu.memref_squeeze %dma_wait3A_91 : memref<1x128xi32, #tpu.memory_space<vmem>> -> memref<128xi32, #tpu.memory_space<vmem>>
      %dma_wait3A_93 = arith.constant 0 : i32
      %dma_wait3A_94 = arith.constant 0 : i32
      %dma_wait3A_95 = tpu.memref_slice %arg2[%dma_wait3A_93, %dma_wait3A_94] : memref<20000x64xf32, #tpu.memory_space<hbm>> -> memref<20000x64xf32, #tpu.memory_space<hbm>>
      tpu.wait_indirect_dma semaphore(%arg18 : memref<!tpu.dma_semaphore, #tpu.memory_space<semaphore_mem>>) src(%dma_wait3A_95 : memref<20000x64xf32, #tpu.memory_space<hbm>>) dst(%arg13 : memref<128x64xf32, #tpu.memory_space<vmem>>)
      "tpu.region"() ({
        %run_scoped3A_137 = tpu.sem_alloc : memref<!tpu.dma_semaphore, #tpu.memory_space<semaphore_mem>>
        %dma_start3A_138 = arith.constant 0 : i32
        %dma_start3A_139 = tpu.memref_slice %arg11[%add3A_89, %dma_start3A_138] : memref<160x128xi32, #tpu.memory_space<vmem>> -> memref<1x128xi32, #tpu.memory_space<vmem>>
        %dma_start3A_140 = tpu.memref_squeeze %dma_start3A_139 : memref<1x128xi32, #tpu.memory_space<vmem>> -> memref<128xi32, #tpu.memory_space<vmem>>
        %dma_start3A_141 = arith.constant 0 : i32
        %dma_start3A_142 = arith.constant 0 : i32
        %dma_start3A_143 = tpu.memref_slice %arg16[%dma_start3A_141, %dma_start3A_142] : memref<10112x64xf32, #tpu.memory_space<vmem_shared>> -> memref<10112x64xf32, #tpu.memory_space<vmem_shared>>
        tpu.enqueue_indirect_dma source(%arg13 : memref<128x64xf32, #tpu.memory_space<vmem>>) target(%dma_start3A_143 : memref<10112x64xf32, #tpu.memory_space<vmem_shared>>) offsets(%dma_start3A_140 : memref<128xi32, #tpu.memory_space<vmem>>) semaphore(%run_scoped3A_137 : memref<!tpu.dma_semaphore, #tpu.memory_space<semaphore_mem>>) {add = true}
        %dma_wait3A_144 = arith.constant 0 : i32
        %dma_wait3A_145 = tpu.memref_slice %arg11[%add3A_89, %dma_wait3A_144] : memref<160x128xi32, #tpu.memory_space<vmem>> -> memref<1x128xi32, #tpu.memory_space<vmem>>
        %dma_wait3A_146 = tpu.memref_squeeze %dma_wait3A_145 : memref<1x128xi32, #tpu.memory_space<vmem>> -> memref<128xi32, #tpu.memory_space<vmem>>
        %dma_wait3A_147 = arith.constant 0 : i32
        %dma_wait3A_148 = arith.constant 0 : i32
        %dma_wait3A_149 = tpu.memref_slice %arg16[%dma_wait3A_147, %dma_wait3A_148] : memref<10112x64xf32, #tpu.memory_space<vmem_shared>> -> memref<10112x64xf32, #tpu.memory_space<vmem_shared>>
        tpu.wait_indirect_dma semaphore(%run_scoped3A_137 : memref<!tpu.dma_semaphore, #tpu.memory_space<semaphore_mem>>) src(%arg13 : memref<128x64xf32, #tpu.memory_space<vmem>>) dst(%dma_wait3A_149 : memref<10112x64xf32, #tpu.memory_space<vmem_shared>>)
        tpu.yield
      }) : () -> ()
      %add3A_96 = arith.constant 4 : i32
      %add3A_97 = arith.addi %add3A_89, %add3A_96 : i32
      %lt3A_98 = arith.constant 160 : i32
      %lt3A_99 = arith.cmpi slt, %add3A_97, %lt3A_98 : i32
      %convert_element_type3A_100 = arith.extui %lt3A_99 : i1 to i32
      %cond3A_101 = arith.constant 0 : i32
      %cond3A_102 = arith.cmpi ne, %convert_element_type3A_100, %cond3A_101 : i32
      scf.if %cond3A_102 {
        %add3A_137 = arith.constant 4 : i32
        %add3A_138 = arith.addi %add3A_89, %add3A_137 : i32
        %dma_start3A_139 = arith.constant 0 : i32
        %dma_start3A_140 = tpu.memref_slice %arg10[%add3A_138, %dma_start3A_139] : memref<160x128xi32, #tpu.memory_space<vmem>> -> memref<1x128xi32, #tpu.memory_space<vmem>>
        %dma_start3A_141 = tpu.memref_squeeze %dma_start3A_140 : memref<1x128xi32, #tpu.memory_space<vmem>> -> memref<128xi32, #tpu.memory_space<vmem>>
        %dma_start3A_142 = arith.constant 0 : i32
        %dma_start3A_143 = arith.constant 0 : i32
        %dma_start3A_144 = tpu.memref_slice %arg2[%dma_start3A_142, %dma_start3A_143] : memref<20000x64xf32, #tpu.memory_space<hbm>> -> memref<20000x64xf32, #tpu.memory_space<hbm>>
        tpu.enqueue_indirect_dma source(%dma_start3A_144 : memref<20000x64xf32, #tpu.memory_space<hbm>>) target(%arg13 : memref<128x64xf32, #tpu.memory_space<vmem>>) offsets(%dma_start3A_141 : memref<128xi32, #tpu.memory_space<vmem>>) semaphore(%arg18 : memref<!tpu.dma_semaphore, #tpu.memory_space<semaphore_mem>>)
      } else {
      }
      %mul3A_103 = arith.constant 4 : i32
      %mul3A_104 = arith.muli %mul3A_103, %scan3A_73 : i32
      %add3A_105 = arith.constant 2 : i32
      %add3A_106 = arith.addi %mul3A_104, %add3A_105 : i32
      %dma_wait3A_107 = arith.constant 0 : i32
      %dma_wait3A_108 = tpu.memref_slice %arg10[%add3A_106, %dma_wait3A_107] : memref<160x128xi32, #tpu.memory_space<vmem>> -> memref<1x128xi32, #tpu.memory_space<vmem>>
      %dma_wait3A_109 = tpu.memref_squeeze %dma_wait3A_108 : memref<1x128xi32, #tpu.memory_space<vmem>> -> memref<128xi32, #tpu.memory_space<vmem>>
      %dma_wait3A_110 = arith.constant 0 : i32
      %dma_wait3A_111 = arith.constant 0 : i32
      %dma_wait3A_112 = tpu.memref_slice %arg2[%dma_wait3A_110, %dma_wait3A_111] : memref<20000x64xf32, #tpu.memory_space<hbm>> -> memref<20000x64xf32, #tpu.memory_space<hbm>>
      tpu.wait_indirect_dma semaphore(%arg19 : memref<!tpu.dma_semaphore, #tpu.memory_space<semaphore_mem>>) src(%dma_wait3A_112 : memref<20000x64xf32, #tpu.memory_space<hbm>>) dst(%arg14 : memref<128x64xf32, #tpu.memory_space<vmem>>)
      "tpu.region"() ({
        %run_scoped3A_137 = tpu.sem_alloc : memref<!tpu.dma_semaphore, #tpu.memory_space<semaphore_mem>>
        %dma_start3A_138 = arith.constant 0 : i32
        %dma_start3A_139 = tpu.memref_slice %arg11[%add3A_106, %dma_start3A_138] : memref<160x128xi32, #tpu.memory_space<vmem>> -> memref<1x128xi32, #tpu.memory_space<vmem>>
        %dma_start3A_140 = tpu.memref_squeeze %dma_start3A_139 : memref<1x128xi32, #tpu.memory_space<vmem>> -> memref<128xi32, #tpu.memory_space<vmem>>
        %dma_start3A_141 = arith.constant 0 : i32
        %dma_start3A_142 = arith.constant 0 : i32
        %dma_start3A_143 = tpu.memref_slice %arg16[%dma_start3A_141, %dma_start3A_142] : memref<10112x64xf32, #tpu.memory_space<vmem_shared>> -> memref<10112x64xf32, #tpu.memory_space<vmem_shared>>
        tpu.enqueue_indirect_dma source(%arg14 : memref<128x64xf32, #tpu.memory_space<vmem>>) target(%dma_start3A_143 : memref<10112x64xf32, #tpu.memory_space<vmem_shared>>) offsets(%dma_start3A_140 : memref<128xi32, #tpu.memory_space<vmem>>) semaphore(%run_scoped3A_137 : memref<!tpu.dma_semaphore, #tpu.memory_space<semaphore_mem>>) {add = true}
        %dma_wait3A_144 = arith.constant 0 : i32
        %dma_wait3A_145 = tpu.memref_slice %arg11[%add3A_106, %dma_wait3A_144] : memref<160x128xi32, #tpu.memory_space<vmem>> -> memref<1x128xi32, #tpu.memory_space<vmem>>
        %dma_wait3A_146 = tpu.memref_squeeze %dma_wait3A_145 : memref<1x128xi32, #tpu.memory_space<vmem>> -> memref<128xi32, #tpu.memory_space<vmem>>
        %dma_wait3A_147 = arith.constant 0 : i32
        %dma_wait3A_148 = arith.constant 0 : i32
        %dma_wait3A_149 = tpu.memref_slice %arg16[%dma_wait3A_147, %dma_wait3A_148] : memref<10112x64xf32, #tpu.memory_space<vmem_shared>> -> memref<10112x64xf32, #tpu.memory_space<vmem_shared>>
        tpu.wait_indirect_dma semaphore(%run_scoped3A_137 : memref<!tpu.dma_semaphore, #tpu.memory_space<semaphore_mem>>) src(%arg14 : memref<128x64xf32, #tpu.memory_space<vmem>>) dst(%dma_wait3A_149 : memref<10112x64xf32, #tpu.memory_space<vmem_shared>>)
        tpu.yield
      }) : () -> ()
      %add3A_113 = arith.constant 4 : i32
      %add3A_114 = arith.addi %add3A_106, %add3A_113 : i32
      %lt3A_115 = arith.constant 160 : i32
      %lt3A_116 = arith.cmpi slt, %add3A_114, %lt3A_115 : i32
      %convert_element_type3A_117 = arith.extui %lt3A_116 : i1 to i32
      %cond3A_118 = arith.constant 0 : i32
      %cond3A_119 = arith.cmpi ne, %convert_element_type3A_117, %cond3A_118 : i32
      scf.if %cond3A_119 {
        %add3A_137 = arith.constant 4 : i32
        %add3A_138 = arith.addi %add3A_106, %add3A_137 : i32
        %dma_start3A_139 = arith.constant 0 : i32
        %dma_start3A_140 = tpu.memref_slice %arg10[%add3A_138, %dma_start3A_139] : memref<160x128xi32, #tpu.memory_space<vmem>> -> memref<1x128xi32, #tpu.memory_space<vmem>>
        %dma_start3A_141 = tpu.memref_squeeze %dma_start3A_140 : memref<1x128xi32, #tpu.memory_space<vmem>> -> memref<128xi32, #tpu.memory_space<vmem>>
        %dma_start3A_142 = arith.constant 0 : i32
        %dma_start3A_143 = arith.constant 0 : i32
        %dma_start3A_144 = tpu.memref_slice %arg2[%dma_start3A_142, %dma_start3A_143] : memref<20000x64xf32, #tpu.memory_space<hbm>> -> memref<20000x64xf32, #tpu.memory_space<hbm>>
        tpu.enqueue_indirect_dma source(%dma_start3A_144 : memref<20000x64xf32, #tpu.memory_space<hbm>>) target(%arg14 : memref<128x64xf32, #tpu.memory_space<vmem>>) offsets(%dma_start3A_141 : memref<128xi32, #tpu.memory_space<vmem>>) semaphore(%arg19 : memref<!tpu.dma_semaphore, #tpu.memory_space<semaphore_mem>>)
      } else {
      }
      %mul3A_120 = arith.constant 4 : i32
      %mul3A_121 = arith.muli %mul3A_120, %scan3A_73 : i32
      %add3A_122 = arith.constant 3 : i32
      %add3A_123 = arith.addi %mul3A_121, %add3A_122 : i32
      %dma_wait3A_124 = arith.constant 0 : i32
      %dma_wait3A_125 = tpu.memref_slice %arg10[%add3A_123, %dma_wait3A_124] : memref<160x128xi32, #tpu.memory_space<vmem>> -> memref<1x128xi32, #tpu.memory_space<vmem>>
      %dma_wait3A_126 = tpu.memref_squeeze %dma_wait3A_125 : memref<1x128xi32, #tpu.memory_space<vmem>> -> memref<128xi32, #tpu.memory_space<vmem>>
      %dma_wait3A_127 = arith.constant 0 : i32
      %dma_wait3A_128 = arith.constant 0 : i32
      %dma_wait3A_129 = tpu.memref_slice %arg2[%dma_wait3A_127, %dma_wait3A_128] : memref<20000x64xf32, #tpu.memory_space<hbm>> -> memref<20000x64xf32, #tpu.memory_space<hbm>>
      tpu.wait_indirect_dma semaphore(%arg20 : memref<!tpu.dma_semaphore, #tpu.memory_space<semaphore_mem>>) src(%dma_wait3A_129 : memref<20000x64xf32, #tpu.memory_space<hbm>>) dst(%arg15 : memref<128x64xf32, #tpu.memory_space<vmem>>)
      "tpu.region"() ({
        %run_scoped3A_137 = tpu.sem_alloc : memref<!tpu.dma_semaphore, #tpu.memory_space<semaphore_mem>>
        %dma_start3A_138 = arith.constant 0 : i32
        %dma_start3A_139 = tpu.memref_slice %arg11[%add3A_123, %dma_start3A_138] : memref<160x128xi32, #tpu.memory_space<vmem>> -> memref<1x128xi32, #tpu.memory_space<vmem>>
        %dma_start3A_140 = tpu.memref_squeeze %dma_start3A_139 : memref<1x128xi32, #tpu.memory_space<vmem>> -> memref<128xi32, #tpu.memory_space<vmem>>
        %dma_start3A_141 = arith.constant 0 : i32
        %dma_start3A_142 = arith.constant 0 : i32
        %dma_start3A_143 = tpu.memref_slice %arg16[%dma_start3A_141, %dma_start3A_142] : memref<10112x64xf32, #tpu.memory_space<vmem_shared>> -> memref<10112x64xf32, #tpu.memory_space<vmem_shared>>
        tpu.enqueue_indirect_dma source(%arg15 : memref<128x64xf32, #tpu.memory_space<vmem>>) target(%dma_start3A_143 : memref<10112x64xf32, #tpu.memory_space<vmem_shared>>) offsets(%dma_start3A_140 : memref<128xi32, #tpu.memory_space<vmem>>) semaphore(%run_scoped3A_137 : memref<!tpu.dma_semaphore, #tpu.memory_space<semaphore_mem>>) {add = true}
        %dma_wait3A_144 = arith.constant 0 : i32
        %dma_wait3A_145 = tpu.memref_slice %arg11[%add3A_123, %dma_wait3A_144] : memref<160x128xi32, #tpu.memory_space<vmem>> -> memref<1x128xi32, #tpu.memory_space<vmem>>
        %dma_wait3A_146 = tpu.memref_squeeze %dma_wait3A_145 : memref<1x128xi32, #tpu.memory_space<vmem>> -> memref<128xi32, #tpu.memory_space<vmem>>
        %dma_wait3A_147 = arith.constant 0 : i32
        %dma_wait3A_148 = arith.constant 0 : i32
        %dma_wait3A_149 = tpu.memref_slice %arg16[%dma_wait3A_147, %dma_wait3A_148] : memref<10112x64xf32, #tpu.memory_space<vmem_shared>> -> memref<10112x64xf32, #tpu.memory_space<vmem_shared>>
        tpu.wait_indirect_dma semaphore(%run_scoped3A_137 : memref<!tpu.dma_semaphore, #tpu.memory_space<semaphore_mem>>) src(%arg15 : memref<128x64xf32, #tpu.memory_space<vmem>>) dst(%dma_wait3A_149 : memref<10112x64xf32, #tpu.memory_space<vmem_shared>>)
        tpu.yield
      }) : () -> ()
      %add3A_130 = arith.constant 4 : i32
      %add3A_131 = arith.addi %add3A_123, %add3A_130 : i32
      %lt3A_132 = arith.constant 160 : i32
      %lt3A_133 = arith.cmpi slt, %add3A_131, %lt3A_132 : i32
      %convert_element_type3A_134 = arith.extui %lt3A_133 : i1 to i32
      %cond3A_135 = arith.constant 0 : i32
      %cond3A_136 = arith.cmpi ne, %convert_element_type3A_134, %cond3A_135 : i32
      scf.if %cond3A_136 {
        %add3A_137 = arith.constant 4 : i32
        %add3A_138 = arith.addi %add3A_123, %add3A_137 : i32
        %dma_start3A_139 = arith.constant 0 : i32
        %dma_start3A_140 = tpu.memref_slice %arg10[%add3A_138, %dma_start3A_139] : memref<160x128xi32, #tpu.memory_space<vmem>> -> memref<1x128xi32, #tpu.memory_space<vmem>>
        %dma_start3A_141 = tpu.memref_squeeze %dma_start3A_140 : memref<1x128xi32, #tpu.memory_space<vmem>> -> memref<128xi32, #tpu.memory_space<vmem>>
        %dma_start3A_142 = arith.constant 0 : i32
        %dma_start3A_143 = arith.constant 0 : i32
        %dma_start3A_144 = tpu.memref_slice %arg2[%dma_start3A_142, %dma_start3A_143] : memref<20000x64xf32, #tpu.memory_space<hbm>> -> memref<20000x64xf32, #tpu.memory_space<hbm>>
        tpu.enqueue_indirect_dma source(%dma_start3A_144 : memref<20000x64xf32, #tpu.memory_space<hbm>>) target(%arg15 : memref<128x64xf32, #tpu.memory_space<vmem>>) offsets(%dma_start3A_141 : memref<128xi32, #tpu.memory_space<vmem>>) semaphore(%arg20 : memref<!tpu.dma_semaphore, #tpu.memory_space<semaphore_mem>>)
      } else {
      }
    }
    %scan3A_32 = arith.constant 40 : i32
    %barrier3A_33 = arith.constant 0 : index
    tpu.barrier barrier_id(%barrier3A_33)
    %run_scoped3A = arith.constant 0 : i32
    "tpu.region"() ({
      %run_scoped3A_73 = tpu.sem_alloc : memref<!tpu.dma_semaphore, #tpu.memory_space<semaphore_mem>>
      %dma_start3A_74 = arith.constant 0 : i32
      %dma_start3A_75 = tpu.memref_slice %arg9[%run_scoped3A, %arg0, %mul3A_0, %dma_start3A_74] : memref<2x2x10112x64xf32, #tpu.memory_space<hbm>> -> memref<1x1x632x64xf32, #tpu.memory_space<hbm>>
      %dma_start3A_76 = tpu.memref_squeeze %dma_start3A_75 : memref<1x1x632x64xf32, #tpu.memory_space<hbm>> -> memref<632x64xf32, #tpu.memory_space<hbm>>
      %dma_start3A_77 = arith.constant 0 : i32
      %dma_start3A_78 = tpu.memref_slice %arg16[%mul3A_0, %dma_start3A_77] : memref<10112x64xf32, #tpu.memory_space<vmem_shared>> -> memref<632x64xf32, #tpu.memory_space<vmem_shared>>
      tpu.enqueue_dma source(%dma_start3A_78 : memref<632x64xf32, #tpu.memory_space<vmem_shared>>) target(%dma_start3A_76 : memref<632x64xf32, #tpu.memory_space<hbm>>) target_semaphore(%run_scoped3A_73 : memref<!tpu.dma_semaphore, #tpu.memory_space<semaphore_mem>>)
      %dma_wait3A = arith.constant 0 : i32
      %dma_wait3A_79 = tpu.memref_slice %arg9[%run_scoped3A, %arg0, %mul3A_0, %dma_wait3A] : memref<2x2x10112x64xf32, #tpu.memory_space<hbm>> -> memref<1x1x632x64xf32, #tpu.memory_space<hbm>>
      %dma_wait3A_80 = tpu.memref_squeeze %dma_wait3A_79 : memref<1x1x632x64xf32, #tpu.memory_space<hbm>> -> memref<632x64xf32, #tpu.memory_space<hbm>>
      %dma_wait3A_81 = arith.constant 0 : i32
      %dma_wait3A_82 = tpu.memref_slice %arg16[%mul3A_0, %dma_wait3A_81] : memref<10112x64xf32, #tpu.memory_space<vmem_shared>> -> memref<632x64xf32, #tpu.memory_space<vmem_shared>>
      tpu.wait_dma2 semaphore(%run_scoped3A_73 : memref<!tpu.dma_semaphore, #tpu.memory_space<semaphore_mem>>) src(%dma_wait3A_82 : memref<632x64xf32, #tpu.memory_space<vmem_shared>>) dst(%dma_wait3A_80 : memref<632x64xf32, #tpu.memory_space<hbm>>)
      tpu.yield
    }) : () -> ()
    %barrier3A_34 = arith.constant 0 : index
    tpu.barrier barrier_id(%barrier3A_34)
    "tpu.region"() ({
      %run_scoped3A_73 = tpu.sem_alloc : memref<!tpu.dma_semaphore, #tpu.memory_space<semaphore_mem>>
      %dma_start3A_74 = arith.constant 0 : i32
      %dma_start3A_75 = tpu.memref_slice %arg16[%mul3A_0, %dma_start3A_74] : memref<10112x64xf32, #tpu.memory_space<vmem_shared>> -> memref<632x64xf32, #tpu.memory_space<vmem_shared>>
      %dma_start3A_76 = arith.constant 0 : i32
      %dma_start3A_77 = tpu.memref_slice %arg6[%mul3A_0, %dma_start3A_76] : memref<10112x64xf32, #tpu.memory_space<hbm>> -> memref<632x64xf32, #tpu.memory_space<hbm>>
      tpu.enqueue_dma source(%dma_start3A_77 : memref<632x64xf32, #tpu.memory_space<hbm>>) target(%dma_start3A_75 : memref<632x64xf32, #tpu.memory_space<vmem_shared>>) target_semaphore(%run_scoped3A_73 : memref<!tpu.dma_semaphore, #tpu.memory_space<semaphore_mem>>)
      %dma_wait3A = arith.constant 0 : i32
      %dma_wait3A_78 = tpu.memref_slice %arg16[%mul3A_0, %dma_wait3A] : memref<10112x64xf32, #tpu.memory_space<vmem_shared>> -> memref<632x64xf32, #tpu.memory_space<vmem_shared>>
      %dma_wait3A_79 = arith.constant 0 : i32
      %dma_wait3A_80 = tpu.memref_slice %arg6[%mul3A_0, %dma_wait3A_79] : memref<10112x64xf32, #tpu.memory_space<hbm>> -> memref<632x64xf32, #tpu.memory_space<hbm>>
      tpu.wait_dma2 semaphore(%run_scoped3A_73 : memref<!tpu.dma_semaphore, #tpu.memory_space<semaphore_mem>>) src(%dma_wait3A_80 : memref<632x64xf32, #tpu.memory_space<hbm>>) dst(%dma_wait3A_78 : memref<632x64xf32, #tpu.memory_space<vmem_shared>>)
      tpu.yield
    }) : () -> ()
    %barrier3A_35 = arith.constant 0 : index
    tpu.barrier barrier_id(%barrier3A_35)
    %dma_start3A_36 = arith.constant 0 : i32
    %dma_start3A_37 = arith.constant 0 : i32
    %dma_start3A_38 = tpu.memref_slice %arg10[%dma_start3A_36, %dma_start3A_37] : memref<160x128xi32, #tpu.memory_space<vmem>> -> memref<1x128xi32, #tpu.memory_space<vmem>>
    %dma_start3A_39 = tpu.memref_squeeze %dma_start3A_38 : memref<1x128xi32, #tpu.memory_space<vmem>> -> memref<128xi32, #tpu.memory_space<vmem>>
    %dma_start3A_40 = arith.constant 0 : i32
    %dma_start3A_41 = arith.constant 0 : i32
    %dma_start3A_42 = tpu.memref_slice %arg3[%dma_start3A_40, %dma_start3A_41] : memref<20000x64xf32, #tpu.memory_space<hbm>> -> memref<20000x64xf32, #tpu.memory_space<hbm>>
    tpu.enqueue_indirect_dma source(%dma_start3A_42 : memref<20000x64xf32, #tpu.memory_space<hbm>>) target(%arg12 : memref<128x64xf32, #tpu.memory_space<vmem>>) offsets(%dma_start3A_39 : memref<128xi32, #tpu.memory_space<vmem>>) semaphore(%arg17 : memref<!tpu.dma_semaphore, #tpu.memory_space<semaphore_mem>>)
    %dma_start3A_43 = arith.constant 1 : i32
    %dma_start3A_44 = arith.constant 0 : i32
    %dma_start3A_45 = tpu.memref_slice %arg10[%dma_start3A_43, %dma_start3A_44] : memref<160x128xi32, #tpu.memory_space<vmem>> -> memref<1x128xi32, #tpu.memory_space<vmem>>
    %dma_start3A_46 = tpu.memref_squeeze %dma_start3A_45 : memref<1x128xi32, #tpu.memory_space<vmem>> -> memref<128xi32, #tpu.memory_space<vmem>>
    %dma_start3A_47 = arith.constant 0 : i32
    %dma_start3A_48 = arith.constant 0 : i32
    %dma_start3A_49 = tpu.memref_slice %arg3[%dma_start3A_47, %dma_start3A_48] : memref<20000x64xf32, #tpu.memory_space<hbm>> -> memref<20000x64xf32, #tpu.memory_space<hbm>>
    tpu.enqueue_indirect_dma source(%dma_start3A_49 : memref<20000x64xf32, #tpu.memory_space<hbm>>) target(%arg13 : memref<128x64xf32, #tpu.memory_space<vmem>>) offsets(%dma_start3A_46 : memref<128xi32, #tpu.memory_space<vmem>>) semaphore(%arg18 : memref<!tpu.dma_semaphore, #tpu.memory_space<semaphore_mem>>)
    %dma_start3A_50 = arith.constant 2 : i32
    %dma_start3A_51 = arith.constant 0 : i32
    %dma_start3A_52 = tpu.memref_slice %arg10[%dma_start3A_50, %dma_start3A_51] : memref<160x128xi32, #tpu.memory_space<vmem>> -> memref<1x128xi32, #tpu.memory_space<vmem>>
    %dma_start3A_53 = tpu.memref_squeeze %dma_start3A_52 : memref<1x128xi32, #tpu.memory_space<vmem>> -> memref<128xi32, #tpu.memory_space<vmem>>
    %dma_start3A_54 = arith.constant 0 : i32
    %dma_start3A_55 = arith.constant 0 : i32
    %dma_start3A_56 = tpu.memref_slice %arg3[%dma_start3A_54, %dma_start3A_55] : memref<20000x64xf32, #tpu.memory_space<hbm>> -> memref<20000x64xf32, #tpu.memory_space<hbm>>
    tpu.enqueue_indirect_dma source(%dma_start3A_56 : memref<20000x64xf32, #tpu.memory_space<hbm>>) target(%arg14 : memref<128x64xf32, #tpu.memory_space<vmem>>) offsets(%dma_start3A_53 : memref<128xi32, #tpu.memory_space<vmem>>) semaphore(%arg19 : memref<!tpu.dma_semaphore, #tpu.memory_space<semaphore_mem>>)
    %dma_start3A_57 = arith.constant 3 : i32
    %dma_start3A_58 = arith.constant 0 : i32
    %dma_start3A_59 = tpu.memref_slice %arg10[%dma_start3A_57, %dma_start3A_58] : memref<160x128xi32, #tpu.memory_space<vmem>> -> memref<1x128xi32, #tpu.memory_space<vmem>>
    %dma_start3A_60 = tpu.memref_squeeze %dma_start3A_59 : memref<1x128xi32, #tpu.memory_space<vmem>> -> memref<128xi32, #tpu.memory_space<vmem>>
    %dma_start3A_61 = arith.constant 0 : i32
    %dma_start3A_62 = arith.constant 0 : i32
    %dma_start3A_63 = tpu.memref_slice %arg3[%dma_start3A_61, %dma_start3A_62] : memref<20000x64xf32, #tpu.memory_space<hbm>> -> memref<20000x64xf32, #tpu.memory_space<hbm>>
    tpu.enqueue_indirect_dma source(%dma_start3A_63 : memref<20000x64xf32, #tpu.memory_space<hbm>>) target(%arg15 : memref<128x64xf32, #tpu.memory_space<vmem>>) offsets(%dma_start3A_60 : memref<128xi32, #tpu.memory_space<vmem>>) semaphore(%arg20 : memref<!tpu.dma_semaphore, #tpu.memory_space<semaphore_mem>>)
    %scan3A_64 = arith.constant 0 : i32
    %scan3A_65 = arith.constant 0 : i32
    %scan3A_66 = arith.constant 40 : i32
    %scan3A_67 = arith.addi %scan3A_65, %scan3A_66 : i32
    %scan3A_68 = arith.constant 1 : i32
    scf.for %scan3A_73 = %scan3A_65 to %scan3A_67 step %scan3A_68  : i32 {
      %mul3A_74 = arith.constant 4 : i32
      %mul3A_75 = arith.muli %mul3A_74, %scan3A_73 : i32
      %add3A = arith.constant 0 : i32
      %add3A_76 = arith.addi %mul3A_75, %add3A : i32
      %dma_wait3A = arith.constant 0 : i32
      %dma_wait3A_77 = tpu.memref_slice %arg10[%add3A_76, %dma_wait3A] : memref<160x128xi32, #tpu.memory_space<vmem>> -> memref<1x128xi32, #tpu.memory_space<vmem>>
      %dma_wait3A_78 = tpu.memref_squeeze %dma_wait3A_77 : memref<1x128xi32, #tpu.memory_space<vmem>> -> memref<128xi32, #tpu.memory_space<vmem>>
      %dma_wait3A_79 = arith.constant 0 : i32
      %dma_wait3A_80 = arith.constant 0 : i32
      %dma_wait3A_81 = tpu.memref_slice %arg3[%dma_wait3A_79, %dma_wait3A_80] : memref<20000x64xf32, #tpu.memory_space<hbm>> -> memref<20000x64xf32, #tpu.memory_space<hbm>>
      tpu.wait_indirect_dma semaphore(%arg17 : memref<!tpu.dma_semaphore, #tpu.memory_space<semaphore_mem>>) src(%dma_wait3A_81 : memref<20000x64xf32, #tpu.memory_space<hbm>>) dst(%arg12 : memref<128x64xf32, #tpu.memory_space<vmem>>)
      "tpu.region"() ({
        %run_scoped3A_137 = tpu.sem_alloc : memref<!tpu.dma_semaphore, #tpu.memory_space<semaphore_mem>>
        %dma_start3A_138 = arith.constant 0 : i32
        %dma_start3A_139 = tpu.memref_slice %arg11[%add3A_76, %dma_start3A_138] : memref<160x128xi32, #tpu.memory_space<vmem>> -> memref<1x128xi32, #tpu.memory_space<vmem>>
        %dma_start3A_140 = tpu.memref_squeeze %dma_start3A_139 : memref<1x128xi32, #tpu.memory_space<vmem>> -> memref<128xi32, #tpu.memory_space<vmem>>
        %dma_start3A_141 = arith.constant 0 : i32
        %dma_start3A_142 = arith.constant 0 : i32
        %dma_start3A_143 = tpu.memref_slice %arg16[%dma_start3A_141, %dma_start3A_142] : memref<10112x64xf32, #tpu.memory_space<vmem_shared>> -> memref<10112x64xf32, #tpu.memory_space<vmem_shared>>
        tpu.enqueue_indirect_dma source(%arg12 : memref<128x64xf32, #tpu.memory_space<vmem>>) target(%dma_start3A_143 : memref<10112x64xf32, #tpu.memory_space<vmem_shared>>) offsets(%dma_start3A_140 : memref<128xi32, #tpu.memory_space<vmem>>) semaphore(%run_scoped3A_137 : memref<!tpu.dma_semaphore, #tpu.memory_space<semaphore_mem>>) {add = true}
        %dma_wait3A_144 = arith.constant 0 : i32
        %dma_wait3A_145 = tpu.memref_slice %arg11[%add3A_76, %dma_wait3A_144] : memref<160x128xi32, #tpu.memory_space<vmem>> -> memref<1x128xi32, #tpu.memory_space<vmem>>
        %dma_wait3A_146 = tpu.memref_squeeze %dma_wait3A_145 : memref<1x128xi32, #tpu.memory_space<vmem>> -> memref<128xi32, #tpu.memory_space<vmem>>
        %dma_wait3A_147 = arith.constant 0 : i32
        %dma_wait3A_148 = arith.constant 0 : i32
        %dma_wait3A_149 = tpu.memref_slice %arg16[%dma_wait3A_147, %dma_wait3A_148] : memref<10112x64xf32, #tpu.memory_space<vmem_shared>> -> memref<10112x64xf32, #tpu.memory_space<vmem_shared>>
        tpu.wait_indirect_dma semaphore(%run_scoped3A_137 : memref<!tpu.dma_semaphore, #tpu.memory_space<semaphore_mem>>) src(%arg12 : memref<128x64xf32, #tpu.memory_space<vmem>>) dst(%dma_wait3A_149 : memref<10112x64xf32, #tpu.memory_space<vmem_shared>>)
        tpu.yield
      }) : () -> ()
      %add3A_82 = arith.constant 4 : i32
      %add3A_83 = arith.addi %add3A_76, %add3A_82 : i32
      %lt3A = arith.constant 160 : i32
      %lt3A_84 = arith.cmpi slt, %add3A_83, %lt3A : i32
      %convert_element_type3A = arith.extui %lt3A_84 : i1 to i32
      %cond3A = arith.constant 0 : i32
      %cond3A_85 = arith.cmpi ne, %convert_element_type3A, %cond3A : i32
      scf.if %cond3A_85 {
        %add3A_137 = arith.constant 4 : i32
        %add3A_138 = arith.addi %add3A_76, %add3A_137 : i32
        %dma_start3A_139 = arith.constant 0 : i32
        %dma_start3A_140 = tpu.memref_slice %arg10[%add3A_138, %dma_start3A_139] : memref<160x128xi32, #tpu.memory_space<vmem>> -> memref<1x128xi32, #tpu.memory_space<vmem>>
        %dma_start3A_141 = tpu.memref_squeeze %dma_start3A_140 : memref<1x128xi32, #tpu.memory_space<vmem>> -> memref<128xi32, #tpu.memory_space<vmem>>
        %dma_start3A_142 = arith.constant 0 : i32
        %dma_start3A_143 = arith.constant 0 : i32
        %dma_start3A_144 = tpu.memref_slice %arg3[%dma_start3A_142, %dma_start3A_143] : memref<20000x64xf32, #tpu.memory_space<hbm>> -> memref<20000x64xf32, #tpu.memory_space<hbm>>
        tpu.enqueue_indirect_dma source(%dma_start3A_144 : memref<20000x64xf32, #tpu.memory_space<hbm>>) target(%arg12 : memref<128x64xf32, #tpu.memory_space<vmem>>) offsets(%dma_start3A_141 : memref<128xi32, #tpu.memory_space<vmem>>) semaphore(%arg17 : memref<!tpu.dma_semaphore, #tpu.memory_space<semaphore_mem>>)
      } else {
      }
      %mul3A_86 = arith.constant 4 : i32
      %mul3A_87 = arith.muli %mul3A_86, %scan3A_73 : i32
      %add3A_88 = arith.constant 1 : i32
      %add3A_89 = arith.addi %mul3A_87, %add3A_88 : i32
      %dma_wait3A_90 = arith.constant 0 : i32
      %dma_wait3A_91 = tpu.memref_slice %arg10[%add3A_89, %dma_wait3A_90] : memref<160x128xi32, #tpu.memory_space<vmem>> -> memref<1x128xi32, #tpu.memory_space<vmem>>
      %dma_wait3A_92 = tpu.memref_squeeze %dma_wait3A_91 : memref<1x128xi32, #tpu.memory_space<vmem>> -> memref<128xi32, #tpu.memory_space<vmem>>
      %dma_wait3A_93 = arith.constant 0 : i32
      %dma_wait3A_94 = arith.constant 0 : i32
      %dma_wait3A_95 = tpu.memref_slice %arg3[%dma_wait3A_93, %dma_wait3A_94] : memref<20000x64xf32, #tpu.memory_space<hbm>> -> memref<20000x64xf32, #tpu.memory_space<hbm>>
      tpu.wait_indirect_dma semaphore(%arg18 : memref<!tpu.dma_semaphore, #tpu.memory_space<semaphore_mem>>) src(%dma_wait3A_95 : memref<20000x64xf32, #tpu.memory_space<hbm>>) dst(%arg13 : memref<128x64xf32, #tpu.memory_space<vmem>>)
      "tpu.region"() ({
        %run_scoped3A_137 = tpu.sem_alloc : memref<!tpu.dma_semaphore, #tpu.memory_space<semaphore_mem>>
        %dma_start3A_138 = arith.constant 0 : i32
        %dma_start3A_139 = tpu.memref_slice %arg11[%add3A_89, %dma_start3A_138] : memref<160x128xi32, #tpu.memory_space<vmem>> -> memref<1x128xi32, #tpu.memory_space<vmem>>
        %dma_start3A_140 = tpu.memref_squeeze %dma_start3A_139 : memref<1x128xi32, #tpu.memory_space<vmem>> -> memref<128xi32, #tpu.memory_space<vmem>>
        %dma_start3A_141 = arith.constant 0 : i32
        %dma_start3A_142 = arith.constant 0 : i32
        %dma_start3A_143 = tpu.memref_slice %arg16[%dma_start3A_141, %dma_start3A_142] : memref<10112x64xf32, #tpu.memory_space<vmem_shared>> -> memref<10112x64xf32, #tpu.memory_space<vmem_shared>>
        tpu.enqueue_indirect_dma source(%arg13 : memref<128x64xf32, #tpu.memory_space<vmem>>) target(%dma_start3A_143 : memref<10112x64xf32, #tpu.memory_space<vmem_shared>>) offsets(%dma_start3A_140 : memref<128xi32, #tpu.memory_space<vmem>>) semaphore(%run_scoped3A_137 : memref<!tpu.dma_semaphore, #tpu.memory_space<semaphore_mem>>) {add = true}
        %dma_wait3A_144 = arith.constant 0 : i32
        %dma_wait3A_145 = tpu.memref_slice %arg11[%add3A_89, %dma_wait3A_144] : memref<160x128xi32, #tpu.memory_space<vmem>> -> memref<1x128xi32, #tpu.memory_space<vmem>>
        %dma_wait3A_146 = tpu.memref_squeeze %dma_wait3A_145 : memref<1x128xi32, #tpu.memory_space<vmem>> -> memref<128xi32, #tpu.memory_space<vmem>>
        %dma_wait3A_147 = arith.constant 0 : i32
        %dma_wait3A_148 = arith.constant 0 : i32
        %dma_wait3A_149 = tpu.memref_slice %arg16[%dma_wait3A_147, %dma_wait3A_148] : memref<10112x64xf32, #tpu.memory_space<vmem_shared>> -> memref<10112x64xf32, #tpu.memory_space<vmem_shared>>
        tpu.wait_indirect_dma semaphore(%run_scoped3A_137 : memref<!tpu.dma_semaphore, #tpu.memory_space<semaphore_mem>>) src(%arg13 : memref<128x64xf32, #tpu.memory_space<vmem>>) dst(%dma_wait3A_149 : memref<10112x64xf32, #tpu.memory_space<vmem_shared>>)
        tpu.yield
      }) : () -> ()
      %add3A_96 = arith.constant 4 : i32
      %add3A_97 = arith.addi %add3A_89, %add3A_96 : i32
      %lt3A_98 = arith.constant 160 : i32
      %lt3A_99 = arith.cmpi slt, %add3A_97, %lt3A_98 : i32
      %convert_element_type3A_100 = arith.extui %lt3A_99 : i1 to i32
      %cond3A_101 = arith.constant 0 : i32
      %cond3A_102 = arith.cmpi ne, %convert_element_type3A_100, %cond3A_101 : i32
      scf.if %cond3A_102 {
        %add3A_137 = arith.constant 4 : i32
        %add3A_138 = arith.addi %add3A_89, %add3A_137 : i32
        %dma_start3A_139 = arith.constant 0 : i32
        %dma_start3A_140 = tpu.memref_slice %arg10[%add3A_138, %dma_start3A_139] : memref<160x128xi32, #tpu.memory_space<vmem>> -> memref<1x128xi32, #tpu.memory_space<vmem>>
        %dma_start3A_141 = tpu.memref_squeeze %dma_start3A_140 : memref<1x128xi32, #tpu.memory_space<vmem>> -> memref<128xi32, #tpu.memory_space<vmem>>
        %dma_start3A_142 = arith.constant 0 : i32
        %dma_start3A_143 = arith.constant 0 : i32
        %dma_start3A_144 = tpu.memref_slice %arg3[%dma_start3A_142, %dma_start3A_143] : memref<20000x64xf32, #tpu.memory_space<hbm>> -> memref<20000x64xf32, #tpu.memory_space<hbm>>
        tpu.enqueue_indirect_dma source(%dma_start3A_144 : memref<20000x64xf32, #tpu.memory_space<hbm>>) target(%arg13 : memref<128x64xf32, #tpu.memory_space<vmem>>) offsets(%dma_start3A_141 : memref<128xi32, #tpu.memory_space<vmem>>) semaphore(%arg18 : memref<!tpu.dma_semaphore, #tpu.memory_space<semaphore_mem>>)
      } else {
      }
      %mul3A_103 = arith.constant 4 : i32
      %mul3A_104 = arith.muli %mul3A_103, %scan3A_73 : i32
      %add3A_105 = arith.constant 2 : i32
      %add3A_106 = arith.addi %mul3A_104, %add3A_105 : i32
      %dma_wait3A_107 = arith.constant 0 : i32
      %dma_wait3A_108 = tpu.memref_slice %arg10[%add3A_106, %dma_wait3A_107] : memref<160x128xi32, #tpu.memory_space<vmem>> -> memref<1x128xi32, #tpu.memory_space<vmem>>
      %dma_wait3A_109 = tpu.memref_squeeze %dma_wait3A_108 : memref<1x128xi32, #tpu.memory_space<vmem>> -> memref<128xi32, #tpu.memory_space<vmem>>
      %dma_wait3A_110 = arith.constant 0 : i32
      %dma_wait3A_111 = arith.constant 0 : i32
      %dma_wait3A_112 = tpu.memref_slice %arg3[%dma_wait3A_110, %dma_wait3A_111] : memref<20000x64xf32, #tpu.memory_space<hbm>> -> memref<20000x64xf32, #tpu.memory_space<hbm>>
      tpu.wait_indirect_dma semaphore(%arg19 : memref<!tpu.dma_semaphore, #tpu.memory_space<semaphore_mem>>) src(%dma_wait3A_112 : memref<20000x64xf32, #tpu.memory_space<hbm>>) dst(%arg14 : memref<128x64xf32, #tpu.memory_space<vmem>>)
      "tpu.region"() ({
        %run_scoped3A_137 = tpu.sem_alloc : memref<!tpu.dma_semaphore, #tpu.memory_space<semaphore_mem>>
        %dma_start3A_138 = arith.constant 0 : i32
        %dma_start3A_139 = tpu.memref_slice %arg11[%add3A_106, %dma_start3A_138] : memref<160x128xi32, #tpu.memory_space<vmem>> -> memref<1x128xi32, #tpu.memory_space<vmem>>
        %dma_start3A_140 = tpu.memref_squeeze %dma_start3A_139 : memref<1x128xi32, #tpu.memory_space<vmem>> -> memref<128xi32, #tpu.memory_space<vmem>>
        %dma_start3A_141 = arith.constant 0 : i32
        %dma_start3A_142 = arith.constant 0 : i32
        %dma_start3A_143 = tpu.memref_slice %arg16[%dma_start3A_141, %dma_start3A_142] : memref<10112x64xf32, #tpu.memory_space<vmem_shared>> -> memref<10112x64xf32, #tpu.memory_space<vmem_shared>>
        tpu.enqueue_indirect_dma source(%arg14 : memref<128x64xf32, #tpu.memory_space<vmem>>) target(%dma_start3A_143 : memref<10112x64xf32, #tpu.memory_space<vmem_shared>>) offsets(%dma_start3A_140 : memref<128xi32, #tpu.memory_space<vmem>>) semaphore(%run_scoped3A_137 : memref<!tpu.dma_semaphore, #tpu.memory_space<semaphore_mem>>) {add = true}
        %dma_wait3A_144 = arith.constant 0 : i32
        %dma_wait3A_145 = tpu.memref_slice %arg11[%add3A_106, %dma_wait3A_144] : memref<160x128xi32, #tpu.memory_space<vmem>> -> memref<1x128xi32, #tpu.memory_space<vmem>>
        %dma_wait3A_146 = tpu.memref_squeeze %dma_wait3A_145 : memref<1x128xi32, #tpu.memory_space<vmem>> -> memref<128xi32, #tpu.memory_space<vmem>>
        %dma_wait3A_147 = arith.constant 0 : i32
        %dma_wait3A_148 = arith.constant 0 : i32
        %dma_wait3A_149 = tpu.memref_slice %arg16[%dma_wait3A_147, %dma_wait3A_148] : memref<10112x64xf32, #tpu.memory_space<vmem_shared>> -> memref<10112x64xf32, #tpu.memory_space<vmem_shared>>
        tpu.wait_indirect_dma semaphore(%run_scoped3A_137 : memref<!tpu.dma_semaphore, #tpu.memory_space<semaphore_mem>>) src(%arg14 : memref<128x64xf32, #tpu.memory_space<vmem>>) dst(%dma_wait3A_149 : memref<10112x64xf32, #tpu.memory_space<vmem_shared>>)
        tpu.yield
      }) : () -> ()
      %add3A_113 = arith.constant 4 : i32
      %add3A_114 = arith.addi %add3A_106, %add3A_113 : i32
      %lt3A_115 = arith.constant 160 : i32
      %lt3A_116 = arith.cmpi slt, %add3A_114, %lt3A_115 : i32
      %convert_element_type3A_117 = arith.extui %lt3A_116 : i1 to i32
      %cond3A_118 = arith.constant 0 : i32
      %cond3A_119 = arith.cmpi ne, %convert_element_type3A_117, %cond3A_118 : i32
      scf.if %cond3A_119 {
        %add3A_137 = arith.constant 4 : i32
        %add3A_138 = arith.addi %add3A_106, %add3A_137 : i32
        %dma_start3A_139 = arith.constant 0 : i32
        %dma_start3A_140 = tpu.memref_slice %arg10[%add3A_138, %dma_start3A_139] : memref<160x128xi32, #tpu.memory_space<vmem>> -> memref<1x128xi32, #tpu.memory_space<vmem>>
        %dma_start3A_141 = tpu.memref_squeeze %dma_start3A_140 : memref<1x128xi32, #tpu.memory_space<vmem>> -> memref<128xi32, #tpu.memory_space<vmem>>
        %dma_start3A_142 = arith.constant 0 : i32
        %dma_start3A_143 = arith.constant 0 : i32
        %dma_start3A_144 = tpu.memref_slice %arg3[%dma_start3A_142, %dma_start3A_143] : memref<20000x64xf32, #tpu.memory_space<hbm>> -> memref<20000x64xf32, #tpu.memory_space<hbm>>
        tpu.enqueue_indirect_dma source(%dma_start3A_144 : memref<20000x64xf32, #tpu.memory_space<hbm>>) target(%arg14 : memref<128x64xf32, #tpu.memory_space<vmem>>) offsets(%dma_start3A_141 : memref<128xi32, #tpu.memory_space<vmem>>) semaphore(%arg19 : memref<!tpu.dma_semaphore, #tpu.memory_space<semaphore_mem>>)
      } else {
      }
      %mul3A_120 = arith.constant 4 : i32
      %mul3A_121 = arith.muli %mul3A_120, %scan3A_73 : i32
      %add3A_122 = arith.constant 3 : i32
      %add3A_123 = arith.addi %mul3A_121, %add3A_122 : i32
      %dma_wait3A_124 = arith.constant 0 : i32
      %dma_wait3A_125 = tpu.memref_slice %arg10[%add3A_123, %dma_wait3A_124] : memref<160x128xi32, #tpu.memory_space<vmem>> -> memref<1x128xi32, #tpu.memory_space<vmem>>
      %dma_wait3A_126 = tpu.memref_squeeze %dma_wait3A_125 : memref<1x128xi32, #tpu.memory_space<vmem>> -> memref<128xi32, #tpu.memory_space<vmem>>
      %dma_wait3A_127 = arith.constant 0 : i32
      %dma_wait3A_128 = arith.constant 0 : i32
      %dma_wait3A_129 = tpu.memref_slice %arg3[%dma_wait3A_127, %dma_wait3A_128] : memref<20000x64xf32, #tpu.memory_space<hbm>> -> memref<20000x64xf32, #tpu.memory_space<hbm>>
      tpu.wait_indirect_dma semaphore(%arg20 : memref<!tpu.dma_semaphore, #tpu.memory_space<semaphore_mem>>) src(%dma_wait3A_129 : memref<20000x64xf32, #tpu.memory_space<hbm>>) dst(%arg15 : memref<128x64xf32, #tpu.memory_space<vmem>>)
      "tpu.region"() ({
        %run_scoped3A_137 = tpu.sem_alloc : memref<!tpu.dma_semaphore, #tpu.memory_space<semaphore_mem>>
        %dma_start3A_138 = arith.constant 0 : i32
        %dma_start3A_139 = tpu.memref_slice %arg11[%add3A_123, %dma_start3A_138] : memref<160x128xi32, #tpu.memory_space<vmem>> -> memref<1x128xi32, #tpu.memory_space<vmem>>
        %dma_start3A_140 = tpu.memref_squeeze %dma_start3A_139 : memref<1x128xi32, #tpu.memory_space<vmem>> -> memref<128xi32, #tpu.memory_space<vmem>>
        %dma_start3A_141 = arith.constant 0 : i32
        %dma_start3A_142 = arith.constant 0 : i32
        %dma_start3A_143 = tpu.memref_slice %arg16[%dma_start3A_141, %dma_start3A_142] : memref<10112x64xf32, #tpu.memory_space<vmem_shared>> -> memref<10112x64xf32, #tpu.memory_space<vmem_shared>>
        tpu.enqueue_indirect_dma source(%arg15 : memref<128x64xf32, #tpu.memory_space<vmem>>) target(%dma_start3A_143 : memref<10112x64xf32, #tpu.memory_space<vmem_shared>>) offsets(%dma_start3A_140 : memref<128xi32, #tpu.memory_space<vmem>>) semaphore(%run_scoped3A_137 : memref<!tpu.dma_semaphore, #tpu.memory_space<semaphore_mem>>) {add = true}
        %dma_wait3A_144 = arith.constant 0 : i32
        %dma_wait3A_145 = tpu.memref_slice %arg11[%add3A_123, %dma_wait3A_144] : memref<160x128xi32, #tpu.memory_space<vmem>> -> memref<1x128xi32, #tpu.memory_space<vmem>>
        %dma_wait3A_146 = tpu.memref_squeeze %dma_wait3A_145 : memref<1x128xi32, #tpu.memory_space<vmem>> -> memref<128xi32, #tpu.memory_space<vmem>>
        %dma_wait3A_147 = arith.constant 0 : i32
        %dma_wait3A_148 = arith.constant 0 : i32
        %dma_wait3A_149 = tpu.memref_slice %arg16[%dma_wait3A_147, %dma_wait3A_148] : memref<10112x64xf32, #tpu.memory_space<vmem_shared>> -> memref<10112x64xf32, #tpu.memory_space<vmem_shared>>
        tpu.wait_indirect_dma semaphore(%run_scoped3A_137 : memref<!tpu.dma_semaphore, #tpu.memory_space<semaphore_mem>>) src(%arg15 : memref<128x64xf32, #tpu.memory_space<vmem>>) dst(%dma_wait3A_149 : memref<10112x64xf32, #tpu.memory_space<vmem_shared>>)
        tpu.yield
      }) : () -> ()
      %add3A_130 = arith.constant 4 : i32
      %add3A_131 = arith.addi %add3A_123, %add3A_130 : i32
      %lt3A_132 = arith.constant 160 : i32
      %lt3A_133 = arith.cmpi slt, %add3A_131, %lt3A_132 : i32
      %convert_element_type3A_134 = arith.extui %lt3A_133 : i1 to i32
      %cond3A_135 = arith.constant 0 : i32
      %cond3A_136 = arith.cmpi ne, %convert_element_type3A_134, %cond3A_135 : i32
      scf.if %cond3A_136 {
        %add3A_137 = arith.constant 4 : i32
        %add3A_138 = arith.addi %add3A_123, %add3A_137 : i32
        %dma_start3A_139 = arith.constant 0 : i32
        %dma_start3A_140 = tpu.memref_slice %arg10[%add3A_138, %dma_start3A_139] : memref<160x128xi32, #tpu.memory_space<vmem>> -> memref<1x128xi32, #tpu.memory_space<vmem>>
        %dma_start3A_141 = tpu.memref_squeeze %dma_start3A_140 : memref<1x128xi32, #tpu.memory_space<vmem>> -> memref<128xi32, #tpu.memory_space<vmem>>
        %dma_start3A_142 = arith.constant 0 : i32
        %dma_start3A_143 = arith.constant 0 : i32
        %dma_start3A_144 = tpu.memref_slice %arg3[%dma_start3A_142, %dma_start3A_143] : memref<20000x64xf32, #tpu.memory_space<hbm>> -> memref<20000x64xf32, #tpu.memory_space<hbm>>
        tpu.enqueue_indirect_dma source(%dma_start3A_144 : memref<20000x64xf32, #tpu.memory_space<hbm>>) target(%arg15 : memref<128x64xf32, #tpu.memory_space<vmem>>) offsets(%dma_start3A_141 : memref<128xi32, #tpu.memory_space<vmem>>) semaphore(%arg20 : memref<!tpu.dma_semaphore, #tpu.memory_space<semaphore_mem>>)
      } else {
      }
    }
    %scan3A_69 = arith.constant 40 : i32
    %barrier3A_70 = arith.constant 0 : index
    tpu.barrier barrier_id(%barrier3A_70)
    %run_scoped3A_71 = arith.constant 1 : i32
    "tpu.region"() ({
      %run_scoped3A_73 = tpu.sem_alloc : memref<!tpu.dma_semaphore, #tpu.memory_space<semaphore_mem>>
      %dma_start3A_74 = arith.constant 0 : i32
      %dma_start3A_75 = tpu.memref_slice %arg9[%run_scoped3A_71, %arg0, %mul3A_0, %dma_start3A_74] : memref<2x2x10112x64xf32, #tpu.memory_space<hbm>> -> memref<1x1x632x64xf32, #tpu.memory_space<hbm>>
      %dma_start3A_76 = tpu.memref_squeeze %dma_start3A_75 : memref<1x1x632x64xf32, #tpu.memory_space<hbm>> -> memref<632x64xf32, #tpu.memory_space<hbm>>
      %dma_start3A_77 = arith.constant 0 : i32
      %dma_start3A_78 = tpu.memref_slice %arg16[%mul3A_0, %dma_start3A_77] : memref<10112x64xf32, #tpu.memory_space<vmem_shared>> -> memref<632x64xf32, #tpu.memory_space<vmem_shared>>
      tpu.enqueue_dma source(%dma_start3A_78 : memref<632x64xf32, #tpu.memory_space<vmem_shared>>) target(%dma_start3A_76 : memref<632x64xf32, #tpu.memory_space<hbm>>) target_semaphore(%run_scoped3A_73 : memref<!tpu.dma_semaphore, #tpu.memory_space<semaphore_mem>>)
      %dma_wait3A = arith.constant 0 : i32
      %dma_wait3A_79 = tpu.memref_slice %arg9[%run_scoped3A_71, %arg0, %mul3A_0, %dma_wait3A] : memref<2x2x10112x64xf32, #tpu.memory_space<hbm>> -> memref<1x1x632x64xf32, #tpu.memory_space<hbm>>
      %dma_wait3A_80 = tpu.memref_squeeze %dma_wait3A_79 : memref<1x1x632x64xf32, #tpu.memory_space<hbm>> -> memref<632x64xf32, #tpu.memory_space<hbm>>
      %dma_wait3A_81 = arith.constant 0 : i32
      %dma_wait3A_82 = tpu.memref_slice %arg16[%mul3A_0, %dma_wait3A_81] : memref<10112x64xf32, #tpu.memory_space<vmem_shared>> -> memref<632x64xf32, #tpu.memory_space<vmem_shared>>
      tpu.wait_dma2 semaphore(%run_scoped3A_73 : memref<!tpu.dma_semaphore, #tpu.memory_space<semaphore_mem>>) src(%dma_wait3A_82 : memref<632x64xf32, #tpu.memory_space<vmem_shared>>) dst(%dma_wait3A_80 : memref<632x64xf32, #tpu.memory_space<hbm>>)
      tpu.yield
    }) : () -> ()
    %barrier3A_72 = arith.constant 0 : index
    tpu.barrier barrier_id(%barrier3A_72)
    return
  }
}

#map = affine_map<(d0, d1) -> (0, 0)>
#map1 = affine_map<(d0, d1) -> (0, 0, 0, 0)>
#map2 = affine_map<(d0, d1) -> (0, 0, 0)>
module attributes {stable_mosaic.version = 14 : i64} {
  func.func @body(%arg0: i32, %arg1: i32, %arg2: memref<20000x64xf32, #tpu.memory_space<hbm>>, %arg3: memref<20000x64xf32, #tpu.memory_space<hbm>>, %arg4: memref<2x16x160x128xi32, #tpu.memory_space<hbm>>, %arg5: memref<2x16x160x128xi32, #tpu.memory_space<hbm>>, %arg6: memref<10112x64xf32, #tpu.memory_space<hbm>>, %arg7: memref<10112x16xf32, #tpu.memory_space<hbm>>, %arg8: memref<128x16xf32, #tpu.memory_space<hbm>>, %arg9: memref<2x2x10112x64xf32, #tpu.memory_space<hbm>>, %arg10: memref<2x10112x16xf32, #tpu.memory_space<hbm>>, %arg11: memref<160x128xi32, #tpu.memory_space<vmem>>, %arg12: memref<160x128xi32, #tpu.memory_space<vmem>>, %arg13: memref<128x64xf32, #tpu.memory_space<vmem>>, %arg14: memref<128x64xf32, #tpu.memory_space<vmem>>, %arg15: memref<128x64xf32, #tpu.memory_space<vmem>>, %arg16: memref<128x64xf32, #tpu.memory_space<vmem>>, %arg17: memref<10112x64xf32, #tpu.memory_space<vmem_shared>>, %arg18: memref<!tpu.dma_semaphore, #tpu.memory_space<semaphore_mem>>, %arg19: memref<!tpu.dma_semaphore, #tpu.memory_space<semaphore_mem>>, %arg20: memref<!tpu.dma_semaphore, #tpu.memory_space<semaphore_mem>>, %arg21: memref<!tpu.dma_semaphore, #tpu.memory_space<semaphore_mem>>, %arg22: memref<128x16xf32, #tpu.memory_space<vmem>>, %arg23: memref<10112x16xf32, #tpu.memory_space<vmem_shared>>) attributes {dimension_semantics = [#tpu.dimension_semantics<core_parallel>, #tpu.dimension_semantics<subcore_parallel>], iteration_bounds = array<i64: 2, 16>, scalar_prefetch = 0 : i64, scratch_operands = 13 : i64, tpu.core_type = #tpu.core_type<sc_vector_subcore>, window_params = [{transform_indices = #map}, {transform_indices = #map}, {transform_indices = #map1}, {transform_indices = #map1}, {transform_indices = #map}, {transform_indices = #map}, {transform_indices = #map}, {transform_indices = #map1}, {transform_indices = #map2}]} {
    %mul3A = arith.constant 632 : i32
    %mul3A_0 = arith.muli %arg1, %mul3A : i32
    "tpu.region"() ({
      %run_scoped3A_73 = tpu.sem_alloc : memref<!tpu.dma_semaphore, #tpu.memory_space<semaphore_mem>>
      %dma_start3A_74 = arith.constant 0 : i32
      %dma_start3A_75 = tpu.memref_slice %arg23[%mul3A_0, %dma_start3A_74] : memref<10112x16xf32, #tpu.memory_space<vmem_shared>> -> memref<632x16xf32, #tpu.memory_space<vmem_shared>>
      %dma_start3A_76 = arith.constant 0 : i32
      %dma_start3A_77 = tpu.memref_slice %arg7[%mul3A_0, %dma_start3A_76] : memref<10112x16xf32, #tpu.memory_space<hbm>> -> memref<632x16xf32, #tpu.memory_space<hbm>>
      tpu.enqueue_dma source(%dma_start3A_77 : memref<632x16xf32, #tpu.memory_space<hbm>>) target(%dma_start3A_75 : memref<632x16xf32, #tpu.memory_space<vmem_shared>>) target_semaphore(%run_scoped3A_73 : memref<!tpu.dma_semaphore, #tpu.memory_space<semaphore_mem>>)
      %dma_wait3A = arith.constant 0 : i32
      %dma_wait3A_78 = tpu.memref_slice %arg23[%mul3A_0, %dma_wait3A] : memref<10112x16xf32, #tpu.memory_space<vmem_shared>> -> memref<632x16xf32, #tpu.memory_space<vmem_shared>>
      %dma_wait3A_79 = arith.constant 0 : i32
      %dma_wait3A_80 = tpu.memref_slice %arg7[%mul3A_0, %dma_wait3A_79] : memref<10112x16xf32, #tpu.memory_space<hbm>> -> memref<632x16xf32, #tpu.memory_space<hbm>>
      tpu.wait_dma2 semaphore(%run_scoped3A_73 : memref<!tpu.dma_semaphore, #tpu.memory_space<semaphore_mem>>) src(%dma_wait3A_80 : memref<632x16xf32, #tpu.memory_space<hbm>>) dst(%dma_wait3A_78 : memref<632x16xf32, #tpu.memory_space<vmem_shared>>)
      tpu.yield
    }) : () -> ()
    "tpu.region"() ({
      %run_scoped3A_73 = tpu.sem_alloc : memref<!tpu.dma_semaphore, #tpu.memory_space<semaphore_mem>>
      tpu.enqueue_dma source(%arg8 : memref<128x16xf32, #tpu.memory_space<hbm>>) target(%arg22 : memref<128x16xf32, #tpu.memory_space<vmem>>) target_semaphore(%run_scoped3A_73 : memref<!tpu.dma_semaphore, #tpu.memory_space<semaphore_mem>>)
      tpu.wait_dma2 semaphore(%run_scoped3A_73 : memref<!tpu.dma_semaphore, #tpu.memory_space<semaphore_mem>>) src(%arg8 : memref<128x16xf32, #tpu.memory_space<hbm>>) dst(%arg22 : memref<128x16xf32, #tpu.memory_space<vmem>>)
      tpu.yield
    }) : () -> ()
    "tpu.region"() ({
      %run_scoped3A_73 = tpu.sem_alloc : memref<!tpu.dma_semaphore, #tpu.memory_space<semaphore_mem>>
      %dma_start3A_74 = arith.constant 0 : i32
      %dma_start3A_75 = arith.constant 0 : i32
      %dma_start3A_76 = tpu.memref_slice %arg4[%arg0, %arg1, %dma_start3A_74, %dma_start3A_75] : memref<2x16x160x128xi32, #tpu.memory_space<hbm>> -> memref<1x1x160x128xi32, #tpu.memory_space<hbm>>
      %dma_start3A_77 = tpu.memref_squeeze %dma_start3A_76 : memref<1x1x160x128xi32, #tpu.memory_space<hbm>> -> memref<160x128xi32, #tpu.memory_space<hbm>>
      %dma_start3A_78 = arith.constant 0 : i32
      %dma_start3A_79 = arith.constant 0 : i32
      %dma_start3A_80 = tpu.memref_slice %arg4[%arg0, %arg1, %dma_start3A_78, %dma_start3A_79] : memref<2x16x160x128xi32, #tpu.memory_space<hbm>> -> memref<1x1x160x128xi32, #tpu.memory_space<hbm>>
      %dma_start3A_81 = tpu.memref_squeeze %dma_start3A_80 : memref<1x1x160x128xi32, #tpu.memory_space<hbm>> -> memref<160x128xi32, #tpu.memory_space<hbm>>
      tpu.enqueue_dma source(%dma_start3A_81 : memref<160x128xi32, #tpu.memory_space<hbm>>) target(%arg11 : memref<160x128xi32, #tpu.memory_space<vmem>>) target_semaphore(%run_scoped3A_73 : memref<!tpu.dma_semaphore, #tpu.memory_space<semaphore_mem>>)
      %dma_wait3A = arith.constant 0 : i32
      %dma_wait3A_82 = arith.constant 0 : i32
      %dma_wait3A_83 = tpu.memref_slice %arg4[%arg0, %arg1, %dma_wait3A, %dma_wait3A_82] : memref<2x16x160x128xi32, #tpu.memory_space<hbm>> -> memref<1x1x160x128xi32, #tpu.memory_space<hbm>>
      %dma_wait3A_84 = tpu.memref_squeeze %dma_wait3A_83 : memref<1x1x160x128xi32, #tpu.memory_space<hbm>> -> memref<160x128xi32, #tpu.memory_space<hbm>>
      %dma_wait3A_85 = arith.constant 0 : i32
      %dma_wait3A_86 = arith.constant 0 : i32
      %dma_wait3A_87 = tpu.memref_slice %arg4[%arg0, %arg1, %dma_wait3A_85, %dma_wait3A_86] : memref<2x16x160x128xi32, #tpu.memory_space<hbm>> -> memref<1x1x160x128xi32, #tpu.memory_space<hbm>>
      %dma_wait3A_88 = tpu.memref_squeeze %dma_wait3A_87 : memref<1x1x160x128xi32, #tpu.memory_space<hbm>> -> memref<160x128xi32, #tpu.memory_space<hbm>>
      tpu.wait_dma2 semaphore(%run_scoped3A_73 : memref<!tpu.dma_semaphore, #tpu.memory_space<semaphore_mem>>) src(%dma_wait3A_88 : memref<160x128xi32, #tpu.memory_space<hbm>>) dst(%arg11 : memref<160x128xi32, #tpu.memory_space<vmem>>)
      tpu.yield
    }) : () -> ()
    "tpu.region"() ({
      %run_scoped3A_73 = tpu.sem_alloc : memref<!tpu.dma_semaphore, #tpu.memory_space<semaphore_mem>>
      %dma_start3A_74 = arith.constant 0 : i32
      %dma_start3A_75 = arith.constant 0 : i32
      %dma_start3A_76 = tpu.memref_slice %arg5[%arg0, %arg1, %dma_start3A_74, %dma_start3A_75] : memref<2x16x160x128xi32, #tpu.memory_space<hbm>> -> memref<1x1x160x128xi32, #tpu.memory_space<hbm>>
      %dma_start3A_77 = tpu.memref_squeeze %dma_start3A_76 : memref<1x1x160x128xi32, #tpu.memory_space<hbm>> -> memref<160x128xi32, #tpu.memory_space<hbm>>
      %dma_start3A_78 = arith.constant 0 : i32
      %dma_start3A_79 = arith.constant 0 : i32
      %dma_start3A_80 = tpu.memref_slice %arg5[%arg0, %arg1, %dma_start3A_78, %dma_start3A_79] : memref<2x16x160x128xi32, #tpu.memory_space<hbm>> -> memref<1x1x160x128xi32, #tpu.memory_space<hbm>>
      %dma_start3A_81 = tpu.memref_squeeze %dma_start3A_80 : memref<1x1x160x128xi32, #tpu.memory_space<hbm>> -> memref<160x128xi32, #tpu.memory_space<hbm>>
      tpu.enqueue_dma source(%dma_start3A_81 : memref<160x128xi32, #tpu.memory_space<hbm>>) target(%arg12 : memref<160x128xi32, #tpu.memory_space<vmem>>) target_semaphore(%run_scoped3A_73 : memref<!tpu.dma_semaphore, #tpu.memory_space<semaphore_mem>>)
      %dma_wait3A = arith.constant 0 : i32
      %dma_wait3A_82 = arith.constant 0 : i32
      %dma_wait3A_83 = tpu.memref_slice %arg5[%arg0, %arg1, %dma_wait3A, %dma_wait3A_82] : memref<2x16x160x128xi32, #tpu.memory_space<hbm>> -> memref<1x1x160x128xi32, #tpu.memory_space<hbm>>
      %dma_wait3A_84 = tpu.memref_squeeze %dma_wait3A_83 : memref<1x1x160x128xi32, #tpu.memory_space<hbm>> -> memref<160x128xi32, #tpu.memory_space<hbm>>
      %dma_wait3A_85 = arith.constant 0 : i32
      %dma_wait3A_86 = arith.constant 0 : i32
      %dma_wait3A_87 = tpu.memref_slice %arg5[%arg0, %arg1, %dma_wait3A_85, %dma_wait3A_86] : memref<2x16x160x128xi32, #tpu.memory_space<hbm>> -> memref<1x1x160x128xi32, #tpu.memory_space<hbm>>
      %dma_wait3A_88 = tpu.memref_squeeze %dma_wait3A_87 : memref<1x1x160x128xi32, #tpu.memory_space<hbm>> -> memref<160x128xi32, #tpu.memory_space<hbm>>
      tpu.wait_dma2 semaphore(%run_scoped3A_73 : memref<!tpu.dma_semaphore, #tpu.memory_space<semaphore_mem>>) src(%dma_wait3A_88 : memref<160x128xi32, #tpu.memory_space<hbm>>) dst(%arg12 : memref<160x128xi32, #tpu.memory_space<vmem>>)
      tpu.yield
    }) : () -> ()
    "tpu.region"() ({
      %run_scoped3A_73 = tpu.sem_alloc : memref<!tpu.dma_semaphore, #tpu.memory_space<semaphore_mem>>
      %dma_start3A_74 = arith.constant 0 : i32
      %dma_start3A_75 = tpu.memref_slice %arg17[%mul3A_0, %dma_start3A_74] : memref<10112x64xf32, #tpu.memory_space<vmem_shared>> -> memref<632x64xf32, #tpu.memory_space<vmem_shared>>
      %dma_start3A_76 = arith.constant 0 : i32
      %dma_start3A_77 = tpu.memref_slice %arg6[%mul3A_0, %dma_start3A_76] : memref<10112x64xf32, #tpu.memory_space<hbm>> -> memref<632x64xf32, #tpu.memory_space<hbm>>
      tpu.enqueue_dma source(%dma_start3A_77 : memref<632x64xf32, #tpu.memory_space<hbm>>) target(%dma_start3A_75 : memref<632x64xf32, #tpu.memory_space<vmem_shared>>) target_semaphore(%run_scoped3A_73 : memref<!tpu.dma_semaphore, #tpu.memory_space<semaphore_mem>>)
      %dma_wait3A = arith.constant 0 : i32
      %dma_wait3A_78 = tpu.memref_slice %arg17[%mul3A_0, %dma_wait3A] : memref<10112x64xf32, #tpu.memory_space<vmem_shared>> -> memref<632x64xf32, #tpu.memory_space<vmem_shared>>
      %dma_wait3A_79 = arith.constant 0 : i32
      %dma_wait3A_80 = tpu.memref_slice %arg6[%mul3A_0, %dma_wait3A_79] : memref<10112x64xf32, #tpu.memory_space<hbm>> -> memref<632x64xf32, #tpu.memory_space<hbm>>
      tpu.wait_dma2 semaphore(%run_scoped3A_73 : memref<!tpu.dma_semaphore, #tpu.memory_space<semaphore_mem>>) src(%dma_wait3A_80 : memref<632x64xf32, #tpu.memory_space<hbm>>) dst(%dma_wait3A_78 : memref<632x64xf32, #tpu.memory_space<vmem_shared>>)
      tpu.yield
    }) : () -> ()
    %barrier3A = arith.constant 0 : index
    tpu.barrier barrier_id(%barrier3A)
    %dma_start3A = arith.constant 0 : i32
    %dma_start3A_1 = arith.constant 0 : i32
    %dma_start3A_2 = tpu.memref_slice %arg11[%dma_start3A, %dma_start3A_1] : memref<160x128xi32, #tpu.memory_space<vmem>> -> memref<1x128xi32, #tpu.memory_space<vmem>>
    %dma_start3A_3 = tpu.memref_squeeze %dma_start3A_2 : memref<1x128xi32, #tpu.memory_space<vmem>> -> memref<128xi32, #tpu.memory_space<vmem>>
    %dma_start3A_4 = arith.constant 0 : i32
    %dma_start3A_5 = arith.constant 0 : i32
    %dma_start3A_6 = tpu.memref_slice %arg2[%dma_start3A_4, %dma_start3A_5] : memref<20000x64xf32, #tpu.memory_space<hbm>> -> memref<20000x64xf32, #tpu.memory_space<hbm>>
    tpu.enqueue_indirect_dma source(%dma_start3A_6 : memref<20000x64xf32, #tpu.memory_space<hbm>>) target(%arg13 : memref<128x64xf32, #tpu.memory_space<vmem>>) offsets(%dma_start3A_3 : memref<128xi32, #tpu.memory_space<vmem>>) semaphore(%arg18 : memref<!tpu.dma_semaphore, #tpu.memory_space<semaphore_mem>>)
    %dma_start3A_7 = arith.constant 1 : i32
    %dma_start3A_8 = arith.constant 0 : i32
    %dma_start3A_9 = tpu.memref_slice %arg11[%dma_start3A_7, %dma_start3A_8] : memref<160x128xi32, #tpu.memory_space<vmem>> -> memref<1x128xi32, #tpu.memory_space<vmem>>
    %dma_start3A_10 = tpu.memref_squeeze %dma_start3A_9 : memref<1x128xi32, #tpu.memory_space<vmem>> -> memref<128xi32, #tpu.memory_space<vmem>>
    %dma_start3A_11 = arith.constant 0 : i32
    %dma_start3A_12 = arith.constant 0 : i32
    %dma_start3A_13 = tpu.memref_slice %arg2[%dma_start3A_11, %dma_start3A_12] : memref<20000x64xf32, #tpu.memory_space<hbm>> -> memref<20000x64xf32, #tpu.memory_space<hbm>>
    tpu.enqueue_indirect_dma source(%dma_start3A_13 : memref<20000x64xf32, #tpu.memory_space<hbm>>) target(%arg14 : memref<128x64xf32, #tpu.memory_space<vmem>>) offsets(%dma_start3A_10 : memref<128xi32, #tpu.memory_space<vmem>>) semaphore(%arg19 : memref<!tpu.dma_semaphore, #tpu.memory_space<semaphore_mem>>)
    %dma_start3A_14 = arith.constant 2 : i32
    %dma_start3A_15 = arith.constant 0 : i32
    %dma_start3A_16 = tpu.memref_slice %arg11[%dma_start3A_14, %dma_start3A_15] : memref<160x128xi32, #tpu.memory_space<vmem>> -> memref<1x128xi32, #tpu.memory_space<vmem>>
    %dma_start3A_17 = tpu.memref_squeeze %dma_start3A_16 : memref<1x128xi32, #tpu.memory_space<vmem>> -> memref<128xi32, #tpu.memory_space<vmem>>
    %dma_start3A_18 = arith.constant 0 : i32
    %dma_start3A_19 = arith.constant 0 : i32
    %dma_start3A_20 = tpu.memref_slice %arg2[%dma_start3A_18, %dma_start3A_19] : memref<20000x64xf32, #tpu.memory_space<hbm>> -> memref<20000x64xf32, #tpu.memory_space<hbm>>
    tpu.enqueue_indirect_dma source(%dma_start3A_20 : memref<20000x64xf32, #tpu.memory_space<hbm>>) target(%arg15 : memref<128x64xf32, #tpu.memory_space<vmem>>) offsets(%dma_start3A_17 : memref<128xi32, #tpu.memory_space<vmem>>) semaphore(%arg20 : memref<!tpu.dma_semaphore, #tpu.memory_space<semaphore_mem>>)
    %dma_start3A_21 = arith.constant 3 : i32
    %dma_start3A_22 = arith.constant 0 : i32
    %dma_start3A_23 = tpu.memref_slice %arg11[%dma_start3A_21, %dma_start3A_22] : memref<160x128xi32, #tpu.memory_space<vmem>> -> memref<1x128xi32, #tpu.memory_space<vmem>>
    %dma_start3A_24 = tpu.memref_squeeze %dma_start3A_23 : memref<1x128xi32, #tpu.memory_space<vmem>> -> memref<128xi32, #tpu.memory_space<vmem>>
    %dma_start3A_25 = arith.constant 0 : i32
    %dma_start3A_26 = arith.constant 0 : i32
    %dma_start3A_27 = tpu.memref_slice %arg2[%dma_start3A_25, %dma_start3A_26] : memref<20000x64xf32, #tpu.memory_space<hbm>> -> memref<20000x64xf32, #tpu.memory_space<hbm>>
    tpu.enqueue_indirect_dma source(%dma_start3A_27 : memref<20000x64xf32, #tpu.memory_space<hbm>>) target(%arg16 : memref<128x64xf32, #tpu.memory_space<vmem>>) offsets(%dma_start3A_24 : memref<128xi32, #tpu.memory_space<vmem>>) semaphore(%arg21 : memref<!tpu.dma_semaphore, #tpu.memory_space<semaphore_mem>>)
    %scan3A = arith.constant 0 : i32
    %scan3A_28 = arith.constant 0 : i32
    %scan3A_29 = arith.constant 40 : i32
    %scan3A_30 = arith.addi %scan3A_28, %scan3A_29 : i32
    %scan3A_31 = arith.constant 1 : i32
    scf.for %scan3A_73 = %scan3A_28 to %scan3A_30 step %scan3A_31  : i32 {
      %mul3A_74 = arith.constant 4 : i32
      %mul3A_75 = arith.muli %mul3A_74, %scan3A_73 : i32
      %add3A = arith.constant 0 : i32
      %add3A_76 = arith.addi %mul3A_75, %add3A : i32
      %dma_wait3A = arith.constant 0 : i32
      %dma_wait3A_77 = tpu.memref_slice %arg11[%add3A_76, %dma_wait3A] : memref<160x128xi32, #tpu.memory_space<vmem>> -> memref<1x128xi32, #tpu.memory_space<vmem>>
      %dma_wait3A_78 = tpu.memref_squeeze %dma_wait3A_77 : memref<1x128xi32, #tpu.memory_space<vmem>> -> memref<128xi32, #tpu.memory_space<vmem>>
      %dma_wait3A_79 = arith.constant 0 : i32
      %dma_wait3A_80 = arith.constant 0 : i32
      %dma_wait3A_81 = tpu.memref_slice %arg2[%dma_wait3A_79, %dma_wait3A_80] : memref<20000x64xf32, #tpu.memory_space<hbm>> -> memref<20000x64xf32, #tpu.memory_space<hbm>>
      tpu.wait_indirect_dma semaphore(%arg18 : memref<!tpu.dma_semaphore, #tpu.memory_space<semaphore_mem>>) src(%dma_wait3A_81 : memref<20000x64xf32, #tpu.memory_space<hbm>>) dst(%arg13 : memref<128x64xf32, #tpu.memory_space<vmem>>)
      "tpu.region"() ({
        %run_scoped3A_137 = tpu.sem_alloc : memref<!tpu.dma_semaphore, #tpu.memory_space<semaphore_mem>>
        %dma_start3A_138 = arith.constant 0 : i32
        %dma_start3A_139 = tpu.memref_slice %arg12[%add3A_76, %dma_start3A_138] : memref<160x128xi32, #tpu.memory_space<vmem>> -> memref<1x128xi32, #tpu.memory_space<vmem>>
        %dma_start3A_140 = tpu.memref_squeeze %dma_start3A_139 : memref<1x128xi32, #tpu.memory_space<vmem>> -> memref<128xi32, #tpu.memory_space<vmem>>
        %dma_start3A_141 = arith.constant 0 : i32
        %dma_start3A_142 = arith.constant 0 : i32
        %dma_start3A_143 = tpu.memref_slice %arg17[%dma_start3A_141, %dma_start3A_142] : memref<10112x64xf32, #tpu.memory_space<vmem_shared>> -> memref<10112x64xf32, #tpu.memory_space<vmem_shared>>
        tpu.enqueue_indirect_dma source(%arg13 : memref<128x64xf32, #tpu.memory_space<vmem>>) target(%dma_start3A_143 : memref<10112x64xf32, #tpu.memory_space<vmem_shared>>) offsets(%dma_start3A_140 : memref<128xi32, #tpu.memory_space<vmem>>) semaphore(%run_scoped3A_137 : memref<!tpu.dma_semaphore, #tpu.memory_space<semaphore_mem>>) {add = true}
        %dma_wait3A_144 = arith.constant 0 : i32
        %dma_wait3A_145 = tpu.memref_slice %arg12[%add3A_76, %dma_wait3A_144] : memref<160x128xi32, #tpu.memory_space<vmem>> -> memref<1x128xi32, #tpu.memory_space<vmem>>
        %dma_wait3A_146 = tpu.memref_squeeze %dma_wait3A_145 : memref<1x128xi32, #tpu.memory_space<vmem>> -> memref<128xi32, #tpu.memory_space<vmem>>
        %dma_wait3A_147 = arith.constant 0 : i32
        %dma_wait3A_148 = arith.constant 0 : i32
        %dma_wait3A_149 = tpu.memref_slice %arg17[%dma_wait3A_147, %dma_wait3A_148] : memref<10112x64xf32, #tpu.memory_space<vmem_shared>> -> memref<10112x64xf32, #tpu.memory_space<vmem_shared>>
        tpu.wait_indirect_dma semaphore(%run_scoped3A_137 : memref<!tpu.dma_semaphore, #tpu.memory_space<semaphore_mem>>) src(%arg13 : memref<128x64xf32, #tpu.memory_space<vmem>>) dst(%dma_wait3A_149 : memref<10112x64xf32, #tpu.memory_space<vmem_shared>>)
        tpu.yield
      }) : () -> ()
      "tpu.region"() ({
        %run_scoped3A_137 = tpu.sem_alloc : memref<!tpu.dma_semaphore, #tpu.memory_space<semaphore_mem>>
        %dma_start3A_138 = arith.constant 0 : i32
        %dma_start3A_139 = tpu.memref_slice %arg12[%add3A_76, %dma_start3A_138] : memref<160x128xi32, #tpu.memory_space<vmem>> -> memref<1x128xi32, #tpu.memory_space<vmem>>
        %dma_start3A_140 = tpu.memref_squeeze %dma_start3A_139 : memref<1x128xi32, #tpu.memory_space<vmem>> -> memref<128xi32, #tpu.memory_space<vmem>>
        %dma_start3A_141 = arith.constant 0 : i32
        %dma_start3A_142 = arith.constant 0 : i32
        %dma_start3A_143 = tpu.memref_slice %arg23[%dma_start3A_141, %dma_start3A_142] : memref<10112x16xf32, #tpu.memory_space<vmem_shared>> -> memref<10112x16xf32, #tpu.memory_space<vmem_shared>>
        tpu.enqueue_indirect_dma source(%arg22 : memref<128x16xf32, #tpu.memory_space<vmem>>) target(%dma_start3A_143 : memref<10112x16xf32, #tpu.memory_space<vmem_shared>>) offsets(%dma_start3A_140 : memref<128xi32, #tpu.memory_space<vmem>>) semaphore(%run_scoped3A_137 : memref<!tpu.dma_semaphore, #tpu.memory_space<semaphore_mem>>) {add = true}
        %dma_wait3A_144 = arith.constant 0 : i32
        %dma_wait3A_145 = tpu.memref_slice %arg12[%add3A_76, %dma_wait3A_144] : memref<160x128xi32, #tpu.memory_space<vmem>> -> memref<1x128xi32, #tpu.memory_space<vmem>>
        %dma_wait3A_146 = tpu.memref_squeeze %dma_wait3A_145 : memref<1x128xi32, #tpu.memory_space<vmem>> -> memref<128xi32, #tpu.memory_space<vmem>>
        %dma_wait3A_147 = arith.constant 0 : i32
        %dma_wait3A_148 = arith.constant 0 : i32
        %dma_wait3A_149 = tpu.memref_slice %arg23[%dma_wait3A_147, %dma_wait3A_148] : memref<10112x16xf32, #tpu.memory_space<vmem_shared>> -> memref<10112x16xf32, #tpu.memory_space<vmem_shared>>
        tpu.wait_indirect_dma semaphore(%run_scoped3A_137 : memref<!tpu.dma_semaphore, #tpu.memory_space<semaphore_mem>>) src(%arg22 : memref<128x16xf32, #tpu.memory_space<vmem>>) dst(%dma_wait3A_149 : memref<10112x16xf32, #tpu.memory_space<vmem_shared>>)
        tpu.yield
      }) : () -> ()
      %add3A_82 = arith.constant 4 : i32
      %add3A_83 = arith.addi %add3A_76, %add3A_82 : i32
      %lt3A = arith.constant 160 : i32
      %lt3A_84 = arith.cmpi slt, %add3A_83, %lt3A : i32
      %convert_element_type3A = arith.extui %lt3A_84 : i1 to i32
      %cond3A = arith.constant 0 : i32
      %cond3A_85 = arith.cmpi ne, %convert_element_type3A, %cond3A : i32
      scf.if %cond3A_85 {
        %add3A_137 = arith.constant 4 : i32
        %add3A_138 = arith.addi %add3A_76, %add3A_137 : i32
        %dma_start3A_139 = arith.constant 0 : i32
        %dma_start3A_140 = tpu.memref_slice %arg11[%add3A_138, %dma_start3A_139] : memref<160x128xi32, #tpu.memory_space<vmem>> -> memref<1x128xi32, #tpu.memory_space<vmem>>
        %dma_start3A_141 = tpu.memref_squeeze %dma_start3A_140 : memref<1x128xi32, #tpu.memory_space<vmem>> -> memref<128xi32, #tpu.memory_space<vmem>>
        %dma_start3A_142 = arith.constant 0 : i32
        %dma_start3A_143 = arith.constant 0 : i32
        %dma_start3A_144 = tpu.memref_slice %arg2[%dma_start3A_142, %dma_start3A_143] : memref<20000x64xf32, #tpu.memory_space<hbm>> -> memref<20000x64xf32, #tpu.memory_space<hbm>>
        tpu.enqueue_indirect_dma source(%dma_start3A_144 : memref<20000x64xf32, #tpu.memory_space<hbm>>) target(%arg13 : memref<128x64xf32, #tpu.memory_space<vmem>>) offsets(%dma_start3A_141 : memref<128xi32, #tpu.memory_space<vmem>>) semaphore(%arg18 : memref<!tpu.dma_semaphore, #tpu.memory_space<semaphore_mem>>)
      } else {
      }
      %mul3A_86 = arith.constant 4 : i32
      %mul3A_87 = arith.muli %mul3A_86, %scan3A_73 : i32
      %add3A_88 = arith.constant 1 : i32
      %add3A_89 = arith.addi %mul3A_87, %add3A_88 : i32
      %dma_wait3A_90 = arith.constant 0 : i32
      %dma_wait3A_91 = tpu.memref_slice %arg11[%add3A_89, %dma_wait3A_90] : memref<160x128xi32, #tpu.memory_space<vmem>> -> memref<1x128xi32, #tpu.memory_space<vmem>>
      %dma_wait3A_92 = tpu.memref_squeeze %dma_wait3A_91 : memref<1x128xi32, #tpu.memory_space<vmem>> -> memref<128xi32, #tpu.memory_space<vmem>>
      %dma_wait3A_93 = arith.constant 0 : i32
      %dma_wait3A_94 = arith.constant 0 : i32
      %dma_wait3A_95 = tpu.memref_slice %arg2[%dma_wait3A_93, %dma_wait3A_94] : memref<20000x64xf32, #tpu.memory_space<hbm>> -> memref<20000x64xf32, #tpu.memory_space<hbm>>
      tpu.wait_indirect_dma semaphore(%arg19 : memref<!tpu.dma_semaphore, #tpu.memory_space<semaphore_mem>>) src(%dma_wait3A_95 : memref<20000x64xf32, #tpu.memory_space<hbm>>) dst(%arg14 : memref<128x64xf32, #tpu.memory_space<vmem>>)
      "tpu.region"() ({
        %run_scoped3A_137 = tpu.sem_alloc : memref<!tpu.dma_semaphore, #tpu.memory_space<semaphore_mem>>
        %dma_start3A_138 = arith.constant 0 : i32
        %dma_start3A_139 = tpu.memref_slice %arg12[%add3A_89, %dma_start3A_138] : memref<160x128xi32, #tpu.memory_space<vmem>> -> memref<1x128xi32, #tpu.memory_space<vmem>>
        %dma_start3A_140 = tpu.memref_squeeze %dma_start3A_139 : memref<1x128xi32, #tpu.memory_space<vmem>> -> memref<128xi32, #tpu.memory_space<vmem>>
        %dma_start3A_141 = arith.constant 0 : i32
        %dma_start3A_142 = arith.constant 0 : i32
        %dma_start3A_143 = tpu.memref_slice %arg17[%dma_start3A_141, %dma_start3A_142] : memref<10112x64xf32, #tpu.memory_space<vmem_shared>> -> memref<10112x64xf32, #tpu.memory_space<vmem_shared>>
        tpu.enqueue_indirect_dma source(%arg14 : memref<128x64xf32, #tpu.memory_space<vmem>>) target(%dma_start3A_143 : memref<10112x64xf32, #tpu.memory_space<vmem_shared>>) offsets(%dma_start3A_140 : memref<128xi32, #tpu.memory_space<vmem>>) semaphore(%run_scoped3A_137 : memref<!tpu.dma_semaphore, #tpu.memory_space<semaphore_mem>>) {add = true}
        %dma_wait3A_144 = arith.constant 0 : i32
        %dma_wait3A_145 = tpu.memref_slice %arg12[%add3A_89, %dma_wait3A_144] : memref<160x128xi32, #tpu.memory_space<vmem>> -> memref<1x128xi32, #tpu.memory_space<vmem>>
        %dma_wait3A_146 = tpu.memref_squeeze %dma_wait3A_145 : memref<1x128xi32, #tpu.memory_space<vmem>> -> memref<128xi32, #tpu.memory_space<vmem>>
        %dma_wait3A_147 = arith.constant 0 : i32
        %dma_wait3A_148 = arith.constant 0 : i32
        %dma_wait3A_149 = tpu.memref_slice %arg17[%dma_wait3A_147, %dma_wait3A_148] : memref<10112x64xf32, #tpu.memory_space<vmem_shared>> -> memref<10112x64xf32, #tpu.memory_space<vmem_shared>>
        tpu.wait_indirect_dma semaphore(%run_scoped3A_137 : memref<!tpu.dma_semaphore, #tpu.memory_space<semaphore_mem>>) src(%arg14 : memref<128x64xf32, #tpu.memory_space<vmem>>) dst(%dma_wait3A_149 : memref<10112x64xf32, #tpu.memory_space<vmem_shared>>)
        tpu.yield
      }) : () -> ()
      "tpu.region"() ({
        %run_scoped3A_137 = tpu.sem_alloc : memref<!tpu.dma_semaphore, #tpu.memory_space<semaphore_mem>>
        %dma_start3A_138 = arith.constant 0 : i32
        %dma_start3A_139 = tpu.memref_slice %arg12[%add3A_89, %dma_start3A_138] : memref<160x128xi32, #tpu.memory_space<vmem>> -> memref<1x128xi32, #tpu.memory_space<vmem>>
        %dma_start3A_140 = tpu.memref_squeeze %dma_start3A_139 : memref<1x128xi32, #tpu.memory_space<vmem>> -> memref<128xi32, #tpu.memory_space<vmem>>
        %dma_start3A_141 = arith.constant 0 : i32
        %dma_start3A_142 = arith.constant 0 : i32
        %dma_start3A_143 = tpu.memref_slice %arg23[%dma_start3A_141, %dma_start3A_142] : memref<10112x16xf32, #tpu.memory_space<vmem_shared>> -> memref<10112x16xf32, #tpu.memory_space<vmem_shared>>
        tpu.enqueue_indirect_dma source(%arg22 : memref<128x16xf32, #tpu.memory_space<vmem>>) target(%dma_start3A_143 : memref<10112x16xf32, #tpu.memory_space<vmem_shared>>) offsets(%dma_start3A_140 : memref<128xi32, #tpu.memory_space<vmem>>) semaphore(%run_scoped3A_137 : memref<!tpu.dma_semaphore, #tpu.memory_space<semaphore_mem>>) {add = true}
        %dma_wait3A_144 = arith.constant 0 : i32
        %dma_wait3A_145 = tpu.memref_slice %arg12[%add3A_89, %dma_wait3A_144] : memref<160x128xi32, #tpu.memory_space<vmem>> -> memref<1x128xi32, #tpu.memory_space<vmem>>
        %dma_wait3A_146 = tpu.memref_squeeze %dma_wait3A_145 : memref<1x128xi32, #tpu.memory_space<vmem>> -> memref<128xi32, #tpu.memory_space<vmem>>
        %dma_wait3A_147 = arith.constant 0 : i32
        %dma_wait3A_148 = arith.constant 0 : i32
        %dma_wait3A_149 = tpu.memref_slice %arg23[%dma_wait3A_147, %dma_wait3A_148] : memref<10112x16xf32, #tpu.memory_space<vmem_shared>> -> memref<10112x16xf32, #tpu.memory_space<vmem_shared>>
        tpu.wait_indirect_dma semaphore(%run_scoped3A_137 : memref<!tpu.dma_semaphore, #tpu.memory_space<semaphore_mem>>) src(%arg22 : memref<128x16xf32, #tpu.memory_space<vmem>>) dst(%dma_wait3A_149 : memref<10112x16xf32, #tpu.memory_space<vmem_shared>>)
        tpu.yield
      }) : () -> ()
      %add3A_96 = arith.constant 4 : i32
      %add3A_97 = arith.addi %add3A_89, %add3A_96 : i32
      %lt3A_98 = arith.constant 160 : i32
      %lt3A_99 = arith.cmpi slt, %add3A_97, %lt3A_98 : i32
      %convert_element_type3A_100 = arith.extui %lt3A_99 : i1 to i32
      %cond3A_101 = arith.constant 0 : i32
      %cond3A_102 = arith.cmpi ne, %convert_element_type3A_100, %cond3A_101 : i32
      scf.if %cond3A_102 {
        %add3A_137 = arith.constant 4 : i32
        %add3A_138 = arith.addi %add3A_89, %add3A_137 : i32
        %dma_start3A_139 = arith.constant 0 : i32
        %dma_start3A_140 = tpu.memref_slice %arg11[%add3A_138, %dma_start3A_139] : memref<160x128xi32, #tpu.memory_space<vmem>> -> memref<1x128xi32, #tpu.memory_space<vmem>>
        %dma_start3A_141 = tpu.memref_squeeze %dma_start3A_140 : memref<1x128xi32, #tpu.memory_space<vmem>> -> memref<128xi32, #tpu.memory_space<vmem>>
        %dma_start3A_142 = arith.constant 0 : i32
        %dma_start3A_143 = arith.constant 0 : i32
        %dma_start3A_144 = tpu.memref_slice %arg2[%dma_start3A_142, %dma_start3A_143] : memref<20000x64xf32, #tpu.memory_space<hbm>> -> memref<20000x64xf32, #tpu.memory_space<hbm>>
        tpu.enqueue_indirect_dma source(%dma_start3A_144 : memref<20000x64xf32, #tpu.memory_space<hbm>>) target(%arg14 : memref<128x64xf32, #tpu.memory_space<vmem>>) offsets(%dma_start3A_141 : memref<128xi32, #tpu.memory_space<vmem>>) semaphore(%arg19 : memref<!tpu.dma_semaphore, #tpu.memory_space<semaphore_mem>>)
      } else {
      }
      %mul3A_103 = arith.constant 4 : i32
      %mul3A_104 = arith.muli %mul3A_103, %scan3A_73 : i32
      %add3A_105 = arith.constant 2 : i32
      %add3A_106 = arith.addi %mul3A_104, %add3A_105 : i32
      %dma_wait3A_107 = arith.constant 0 : i32
      %dma_wait3A_108 = tpu.memref_slice %arg11[%add3A_106, %dma_wait3A_107] : memref<160x128xi32, #tpu.memory_space<vmem>> -> memref<1x128xi32, #tpu.memory_space<vmem>>
      %dma_wait3A_109 = tpu.memref_squeeze %dma_wait3A_108 : memref<1x128xi32, #tpu.memory_space<vmem>> -> memref<128xi32, #tpu.memory_space<vmem>>
      %dma_wait3A_110 = arith.constant 0 : i32
      %dma_wait3A_111 = arith.constant 0 : i32
      %dma_wait3A_112 = tpu.memref_slice %arg2[%dma_wait3A_110, %dma_wait3A_111] : memref<20000x64xf32, #tpu.memory_space<hbm>> -> memref<20000x64xf32, #tpu.memory_space<hbm>>
      tpu.wait_indirect_dma semaphore(%arg20 : memref<!tpu.dma_semaphore, #tpu.memory_space<semaphore_mem>>) src(%dma_wait3A_112 : memref<20000x64xf32, #tpu.memory_space<hbm>>) dst(%arg15 : memref<128x64xf32, #tpu.memory_space<vmem>>)
      "tpu.region"() ({
        %run_scoped3A_137 = tpu.sem_alloc : memref<!tpu.dma_semaphore, #tpu.memory_space<semaphore_mem>>
        %dma_start3A_138 = arith.constant 0 : i32
        %dma_start3A_139 = tpu.memref_slice %arg12[%add3A_106, %dma_start3A_138] : memref<160x128xi32, #tpu.memory_space<vmem>> -> memref<1x128xi32, #tpu.memory_space<vmem>>
        %dma_start3A_140 = tpu.memref_squeeze %dma_start3A_139 : memref<1x128xi32, #tpu.memory_space<vmem>> -> memref<128xi32, #tpu.memory_space<vmem>>
        %dma_start3A_141 = arith.constant 0 : i32
        %dma_start3A_142 = arith.constant 0 : i32
        %dma_start3A_143 = tpu.memref_slice %arg17[%dma_start3A_141, %dma_start3A_142] : memref<10112x64xf32, #tpu.memory_space<vmem_shared>> -> memref<10112x64xf32, #tpu.memory_space<vmem_shared>>
        tpu.enqueue_indirect_dma source(%arg15 : memref<128x64xf32, #tpu.memory_space<vmem>>) target(%dma_start3A_143 : memref<10112x64xf32, #tpu.memory_space<vmem_shared>>) offsets(%dma_start3A_140 : memref<128xi32, #tpu.memory_space<vmem>>) semaphore(%run_scoped3A_137 : memref<!tpu.dma_semaphore, #tpu.memory_space<semaphore_mem>>) {add = true}
        %dma_wait3A_144 = arith.constant 0 : i32
        %dma_wait3A_145 = tpu.memref_slice %arg12[%add3A_106, %dma_wait3A_144] : memref<160x128xi32, #tpu.memory_space<vmem>> -> memref<1x128xi32, #tpu.memory_space<vmem>>
        %dma_wait3A_146 = tpu.memref_squeeze %dma_wait3A_145 : memref<1x128xi32, #tpu.memory_space<vmem>> -> memref<128xi32, #tpu.memory_space<vmem>>
        %dma_wait3A_147 = arith.constant 0 : i32
        %dma_wait3A_148 = arith.constant 0 : i32
        %dma_wait3A_149 = tpu.memref_slice %arg17[%dma_wait3A_147, %dma_wait3A_148] : memref<10112x64xf32, #tpu.memory_space<vmem_shared>> -> memref<10112x64xf32, #tpu.memory_space<vmem_shared>>
        tpu.wait_indirect_dma semaphore(%run_scoped3A_137 : memref<!tpu.dma_semaphore, #tpu.memory_space<semaphore_mem>>) src(%arg15 : memref<128x64xf32, #tpu.memory_space<vmem>>) dst(%dma_wait3A_149 : memref<10112x64xf32, #tpu.memory_space<vmem_shared>>)
        tpu.yield
      }) : () -> ()
      "tpu.region"() ({
        %run_scoped3A_137 = tpu.sem_alloc : memref<!tpu.dma_semaphore, #tpu.memory_space<semaphore_mem>>
        %dma_start3A_138 = arith.constant 0 : i32
        %dma_start3A_139 = tpu.memref_slice %arg12[%add3A_106, %dma_start3A_138] : memref<160x128xi32, #tpu.memory_space<vmem>> -> memref<1x128xi32, #tpu.memory_space<vmem>>
        %dma_start3A_140 = tpu.memref_squeeze %dma_start3A_139 : memref<1x128xi32, #tpu.memory_space<vmem>> -> memref<128xi32, #tpu.memory_space<vmem>>
        %dma_start3A_141 = arith.constant 0 : i32
        %dma_start3A_142 = arith.constant 0 : i32
        %dma_start3A_143 = tpu.memref_slice %arg23[%dma_start3A_141, %dma_start3A_142] : memref<10112x16xf32, #tpu.memory_space<vmem_shared>> -> memref<10112x16xf32, #tpu.memory_space<vmem_shared>>
        tpu.enqueue_indirect_dma source(%arg22 : memref<128x16xf32, #tpu.memory_space<vmem>>) target(%dma_start3A_143 : memref<10112x16xf32, #tpu.memory_space<vmem_shared>>) offsets(%dma_start3A_140 : memref<128xi32, #tpu.memory_space<vmem>>) semaphore(%run_scoped3A_137 : memref<!tpu.dma_semaphore, #tpu.memory_space<semaphore_mem>>) {add = true}
        %dma_wait3A_144 = arith.constant 0 : i32
        %dma_wait3A_145 = tpu.memref_slice %arg12[%add3A_106, %dma_wait3A_144] : memref<160x128xi32, #tpu.memory_space<vmem>> -> memref<1x128xi32, #tpu.memory_space<vmem>>
        %dma_wait3A_146 = tpu.memref_squeeze %dma_wait3A_145 : memref<1x128xi32, #tpu.memory_space<vmem>> -> memref<128xi32, #tpu.memory_space<vmem>>
        %dma_wait3A_147 = arith.constant 0 : i32
        %dma_wait3A_148 = arith.constant 0 : i32
        %dma_wait3A_149 = tpu.memref_slice %arg23[%dma_wait3A_147, %dma_wait3A_148] : memref<10112x16xf32, #tpu.memory_space<vmem_shared>> -> memref<10112x16xf32, #tpu.memory_space<vmem_shared>>
        tpu.wait_indirect_dma semaphore(%run_scoped3A_137 : memref<!tpu.dma_semaphore, #tpu.memory_space<semaphore_mem>>) src(%arg22 : memref<128x16xf32, #tpu.memory_space<vmem>>) dst(%dma_wait3A_149 : memref<10112x16xf32, #tpu.memory_space<vmem_shared>>)
        tpu.yield
      }) : () -> ()
      %add3A_113 = arith.constant 4 : i32
      %add3A_114 = arith.addi %add3A_106, %add3A_113 : i32
      %lt3A_115 = arith.constant 160 : i32
      %lt3A_116 = arith.cmpi slt, %add3A_114, %lt3A_115 : i32
      %convert_element_type3A_117 = arith.extui %lt3A_116 : i1 to i32
      %cond3A_118 = arith.constant 0 : i32
      %cond3A_119 = arith.cmpi ne, %convert_element_type3A_117, %cond3A_118 : i32
      scf.if %cond3A_119 {
        %add3A_137 = arith.constant 4 : i32
        %add3A_138 = arith.addi %add3A_106, %add3A_137 : i32
        %dma_start3A_139 = arith.constant 0 : i32
        %dma_start3A_140 = tpu.memref_slice %arg11[%add3A_138, %dma_start3A_139] : memref<160x128xi32, #tpu.memory_space<vmem>> -> memref<1x128xi32, #tpu.memory_space<vmem>>
        %dma_start3A_141 = tpu.memref_squeeze %dma_start3A_140 : memref<1x128xi32, #tpu.memory_space<vmem>> -> memref<128xi32, #tpu.memory_space<vmem>>
        %dma_start3A_142 = arith.constant 0 : i32
        %dma_start3A_143 = arith.constant 0 : i32
        %dma_start3A_144 = tpu.memref_slice %arg2[%dma_start3A_142, %dma_start3A_143] : memref<20000x64xf32, #tpu.memory_space<hbm>> -> memref<20000x64xf32, #tpu.memory_space<hbm>>
        tpu.enqueue_indirect_dma source(%dma_start3A_144 : memref<20000x64xf32, #tpu.memory_space<hbm>>) target(%arg15 : memref<128x64xf32, #tpu.memory_space<vmem>>) offsets(%dma_start3A_141 : memref<128xi32, #tpu.memory_space<vmem>>) semaphore(%arg20 : memref<!tpu.dma_semaphore, #tpu.memory_space<semaphore_mem>>)
      } else {
      }
      %mul3A_120 = arith.constant 4 : i32
      %mul3A_121 = arith.muli %mul3A_120, %scan3A_73 : i32
      %add3A_122 = arith.constant 3 : i32
      %add3A_123 = arith.addi %mul3A_121, %add3A_122 : i32
      %dma_wait3A_124 = arith.constant 0 : i32
      %dma_wait3A_125 = tpu.memref_slice %arg11[%add3A_123, %dma_wait3A_124] : memref<160x128xi32, #tpu.memory_space<vmem>> -> memref<1x128xi32, #tpu.memory_space<vmem>>
      %dma_wait3A_126 = tpu.memref_squeeze %dma_wait3A_125 : memref<1x128xi32, #tpu.memory_space<vmem>> -> memref<128xi32, #tpu.memory_space<vmem>>
      %dma_wait3A_127 = arith.constant 0 : i32
      %dma_wait3A_128 = arith.constant 0 : i32
      %dma_wait3A_129 = tpu.memref_slice %arg2[%dma_wait3A_127, %dma_wait3A_128] : memref<20000x64xf32, #tpu.memory_space<hbm>> -> memref<20000x64xf32, #tpu.memory_space<hbm>>
      tpu.wait_indirect_dma semaphore(%arg21 : memref<!tpu.dma_semaphore, #tpu.memory_space<semaphore_mem>>) src(%dma_wait3A_129 : memref<20000x64xf32, #tpu.memory_space<hbm>>) dst(%arg16 : memref<128x64xf32, #tpu.memory_space<vmem>>)
      "tpu.region"() ({
        %run_scoped3A_137 = tpu.sem_alloc : memref<!tpu.dma_semaphore, #tpu.memory_space<semaphore_mem>>
        %dma_start3A_138 = arith.constant 0 : i32
        %dma_start3A_139 = tpu.memref_slice %arg12[%add3A_123, %dma_start3A_138] : memref<160x128xi32, #tpu.memory_space<vmem>> -> memref<1x128xi32, #tpu.memory_space<vmem>>
        %dma_start3A_140 = tpu.memref_squeeze %dma_start3A_139 : memref<1x128xi32, #tpu.memory_space<vmem>> -> memref<128xi32, #tpu.memory_space<vmem>>
        %dma_start3A_141 = arith.constant 0 : i32
        %dma_start3A_142 = arith.constant 0 : i32
        %dma_start3A_143 = tpu.memref_slice %arg17[%dma_start3A_141, %dma_start3A_142] : memref<10112x64xf32, #tpu.memory_space<vmem_shared>> -> memref<10112x64xf32, #tpu.memory_space<vmem_shared>>
        tpu.enqueue_indirect_dma source(%arg16 : memref<128x64xf32, #tpu.memory_space<vmem>>) target(%dma_start3A_143 : memref<10112x64xf32, #tpu.memory_space<vmem_shared>>) offsets(%dma_start3A_140 : memref<128xi32, #tpu.memory_space<vmem>>) semaphore(%run_scoped3A_137 : memref<!tpu.dma_semaphore, #tpu.memory_space<semaphore_mem>>) {add = true}
        %dma_wait3A_144 = arith.constant 0 : i32
        %dma_wait3A_145 = tpu.memref_slice %arg12[%add3A_123, %dma_wait3A_144] : memref<160x128xi32, #tpu.memory_space<vmem>> -> memref<1x128xi32, #tpu.memory_space<vmem>>
        %dma_wait3A_146 = tpu.memref_squeeze %dma_wait3A_145 : memref<1x128xi32, #tpu.memory_space<vmem>> -> memref<128xi32, #tpu.memory_space<vmem>>
        %dma_wait3A_147 = arith.constant 0 : i32
        %dma_wait3A_148 = arith.constant 0 : i32
        %dma_wait3A_149 = tpu.memref_slice %arg17[%dma_wait3A_147, %dma_wait3A_148] : memref<10112x64xf32, #tpu.memory_space<vmem_shared>> -> memref<10112x64xf32, #tpu.memory_space<vmem_shared>>
        tpu.wait_indirect_dma semaphore(%run_scoped3A_137 : memref<!tpu.dma_semaphore, #tpu.memory_space<semaphore_mem>>) src(%arg16 : memref<128x64xf32, #tpu.memory_space<vmem>>) dst(%dma_wait3A_149 : memref<10112x64xf32, #tpu.memory_space<vmem_shared>>)
        tpu.yield
      }) : () -> ()
      "tpu.region"() ({
        %run_scoped3A_137 = tpu.sem_alloc : memref<!tpu.dma_semaphore, #tpu.memory_space<semaphore_mem>>
        %dma_start3A_138 = arith.constant 0 : i32
        %dma_start3A_139 = tpu.memref_slice %arg12[%add3A_123, %dma_start3A_138] : memref<160x128xi32, #tpu.memory_space<vmem>> -> memref<1x128xi32, #tpu.memory_space<vmem>>
        %dma_start3A_140 = tpu.memref_squeeze %dma_start3A_139 : memref<1x128xi32, #tpu.memory_space<vmem>> -> memref<128xi32, #tpu.memory_space<vmem>>
        %dma_start3A_141 = arith.constant 0 : i32
        %dma_start3A_142 = arith.constant 0 : i32
        %dma_start3A_143 = tpu.memref_slice %arg23[%dma_start3A_141, %dma_start3A_142] : memref<10112x16xf32, #tpu.memory_space<vmem_shared>> -> memref<10112x16xf32, #tpu.memory_space<vmem_shared>>
        tpu.enqueue_indirect_dma source(%arg22 : memref<128x16xf32, #tpu.memory_space<vmem>>) target(%dma_start3A_143 : memref<10112x16xf32, #tpu.memory_space<vmem_shared>>) offsets(%dma_start3A_140 : memref<128xi32, #tpu.memory_space<vmem>>) semaphore(%run_scoped3A_137 : memref<!tpu.dma_semaphore, #tpu.memory_space<semaphore_mem>>) {add = true}
        %dma_wait3A_144 = arith.constant 0 : i32
        %dma_wait3A_145 = tpu.memref_slice %arg12[%add3A_123, %dma_wait3A_144] : memref<160x128xi32, #tpu.memory_space<vmem>> -> memref<1x128xi32, #tpu.memory_space<vmem>>
        %dma_wait3A_146 = tpu.memref_squeeze %dma_wait3A_145 : memref<1x128xi32, #tpu.memory_space<vmem>> -> memref<128xi32, #tpu.memory_space<vmem>>
        %dma_wait3A_147 = arith.constant 0 : i32
        %dma_wait3A_148 = arith.constant 0 : i32
        %dma_wait3A_149 = tpu.memref_slice %arg23[%dma_wait3A_147, %dma_wait3A_148] : memref<10112x16xf32, #tpu.memory_space<vmem_shared>> -> memref<10112x16xf32, #tpu.memory_space<vmem_shared>>
        tpu.wait_indirect_dma semaphore(%run_scoped3A_137 : memref<!tpu.dma_semaphore, #tpu.memory_space<semaphore_mem>>) src(%arg22 : memref<128x16xf32, #tpu.memory_space<vmem>>) dst(%dma_wait3A_149 : memref<10112x16xf32, #tpu.memory_space<vmem_shared>>)
        tpu.yield
      }) : () -> ()
      %add3A_130 = arith.constant 4 : i32
      %add3A_131 = arith.addi %add3A_123, %add3A_130 : i32
      %lt3A_132 = arith.constant 160 : i32
      %lt3A_133 = arith.cmpi slt, %add3A_131, %lt3A_132 : i32
      %convert_element_type3A_134 = arith.extui %lt3A_133 : i1 to i32
      %cond3A_135 = arith.constant 0 : i32
      %cond3A_136 = arith.cmpi ne, %convert_element_type3A_134, %cond3A_135 : i32
      scf.if %cond3A_136 {
        %add3A_137 = arith.constant 4 : i32
        %add3A_138 = arith.addi %add3A_123, %add3A_137 : i32
        %dma_start3A_139 = arith.constant 0 : i32
        %dma_start3A_140 = tpu.memref_slice %arg11[%add3A_138, %dma_start3A_139] : memref<160x128xi32, #tpu.memory_space<vmem>> -> memref<1x128xi32, #tpu.memory_space<vmem>>
        %dma_start3A_141 = tpu.memref_squeeze %dma_start3A_140 : memref<1x128xi32, #tpu.memory_space<vmem>> -> memref<128xi32, #tpu.memory_space<vmem>>
        %dma_start3A_142 = arith.constant 0 : i32
        %dma_start3A_143 = arith.constant 0 : i32
        %dma_start3A_144 = tpu.memref_slice %arg2[%dma_start3A_142, %dma_start3A_143] : memref<20000x64xf32, #tpu.memory_space<hbm>> -> memref<20000x64xf32, #tpu.memory_space<hbm>>
        tpu.enqueue_indirect_dma source(%dma_start3A_144 : memref<20000x64xf32, #tpu.memory_space<hbm>>) target(%arg16 : memref<128x64xf32, #tpu.memory_space<vmem>>) offsets(%dma_start3A_141 : memref<128xi32, #tpu.memory_space<vmem>>) semaphore(%arg21 : memref<!tpu.dma_semaphore, #tpu.memory_space<semaphore_mem>>)
      } else {
      }
    }
    %scan3A_32 = arith.constant 40 : i32
    %barrier3A_33 = arith.constant 0 : index
    tpu.barrier barrier_id(%barrier3A_33)
    %run_scoped3A = arith.constant 0 : i32
    "tpu.region"() ({
      %run_scoped3A_73 = tpu.sem_alloc : memref<!tpu.dma_semaphore, #tpu.memory_space<semaphore_mem>>
      %dma_start3A_74 = arith.constant 0 : i32
      %dma_start3A_75 = tpu.memref_slice %arg9[%run_scoped3A, %arg0, %mul3A_0, %dma_start3A_74] : memref<2x2x10112x64xf32, #tpu.memory_space<hbm>> -> memref<1x1x632x64xf32, #tpu.memory_space<hbm>>
      %dma_start3A_76 = tpu.memref_squeeze %dma_start3A_75 : memref<1x1x632x64xf32, #tpu.memory_space<hbm>> -> memref<632x64xf32, #tpu.memory_space<hbm>>
      %dma_start3A_77 = arith.constant 0 : i32
      %dma_start3A_78 = tpu.memref_slice %arg17[%mul3A_0, %dma_start3A_77] : memref<10112x64xf32, #tpu.memory_space<vmem_shared>> -> memref<632x64xf32, #tpu.memory_space<vmem_shared>>
      tpu.enqueue_dma source(%dma_start3A_78 : memref<632x64xf32, #tpu.memory_space<vmem_shared>>) target(%dma_start3A_76 : memref<632x64xf32, #tpu.memory_space<hbm>>) target_semaphore(%run_scoped3A_73 : memref<!tpu.dma_semaphore, #tpu.memory_space<semaphore_mem>>)
      %dma_wait3A = arith.constant 0 : i32
      %dma_wait3A_79 = tpu.memref_slice %arg9[%run_scoped3A, %arg0, %mul3A_0, %dma_wait3A] : memref<2x2x10112x64xf32, #tpu.memory_space<hbm>> -> memref<1x1x632x64xf32, #tpu.memory_space<hbm>>
      %dma_wait3A_80 = tpu.memref_squeeze %dma_wait3A_79 : memref<1x1x632x64xf32, #tpu.memory_space<hbm>> -> memref<632x64xf32, #tpu.memory_space<hbm>>
      %dma_wait3A_81 = arith.constant 0 : i32
      %dma_wait3A_82 = tpu.memref_slice %arg17[%mul3A_0, %dma_wait3A_81] : memref<10112x64xf32, #tpu.memory_space<vmem_shared>> -> memref<632x64xf32, #tpu.memory_space<vmem_shared>>
      tpu.wait_dma2 semaphore(%run_scoped3A_73 : memref<!tpu.dma_semaphore, #tpu.memory_space<semaphore_mem>>) src(%dma_wait3A_82 : memref<632x64xf32, #tpu.memory_space<vmem_shared>>) dst(%dma_wait3A_80 : memref<632x64xf32, #tpu.memory_space<hbm>>)
      tpu.yield
    }) : () -> ()
    %barrier3A_34 = arith.constant 0 : index
    tpu.barrier barrier_id(%barrier3A_34)
    "tpu.region"() ({
      %run_scoped3A_73 = tpu.sem_alloc : memref<!tpu.dma_semaphore, #tpu.memory_space<semaphore_mem>>
      %dma_start3A_74 = arith.constant 0 : i32
      %dma_start3A_75 = tpu.memref_slice %arg17[%mul3A_0, %dma_start3A_74] : memref<10112x64xf32, #tpu.memory_space<vmem_shared>> -> memref<632x64xf32, #tpu.memory_space<vmem_shared>>
      %dma_start3A_76 = arith.constant 0 : i32
      %dma_start3A_77 = tpu.memref_slice %arg6[%mul3A_0, %dma_start3A_76] : memref<10112x64xf32, #tpu.memory_space<hbm>> -> memref<632x64xf32, #tpu.memory_space<hbm>>
      tpu.enqueue_dma source(%dma_start3A_77 : memref<632x64xf32, #tpu.memory_space<hbm>>) target(%dma_start3A_75 : memref<632x64xf32, #tpu.memory_space<vmem_shared>>) target_semaphore(%run_scoped3A_73 : memref<!tpu.dma_semaphore, #tpu.memory_space<semaphore_mem>>)
      %dma_wait3A = arith.constant 0 : i32
      %dma_wait3A_78 = tpu.memref_slice %arg17[%mul3A_0, %dma_wait3A] : memref<10112x64xf32, #tpu.memory_space<vmem_shared>> -> memref<632x64xf32, #tpu.memory_space<vmem_shared>>
      %dma_wait3A_79 = arith.constant 0 : i32
      %dma_wait3A_80 = tpu.memref_slice %arg6[%mul3A_0, %dma_wait3A_79] : memref<10112x64xf32, #tpu.memory_space<hbm>> -> memref<632x64xf32, #tpu.memory_space<hbm>>
      tpu.wait_dma2 semaphore(%run_scoped3A_73 : memref<!tpu.dma_semaphore, #tpu.memory_space<semaphore_mem>>) src(%dma_wait3A_80 : memref<632x64xf32, #tpu.memory_space<hbm>>) dst(%dma_wait3A_78 : memref<632x64xf32, #tpu.memory_space<vmem_shared>>)
      tpu.yield
    }) : () -> ()
    %barrier3A_35 = arith.constant 0 : index
    tpu.barrier barrier_id(%barrier3A_35)
    %dma_start3A_36 = arith.constant 0 : i32
    %dma_start3A_37 = arith.constant 0 : i32
    %dma_start3A_38 = tpu.memref_slice %arg11[%dma_start3A_36, %dma_start3A_37] : memref<160x128xi32, #tpu.memory_space<vmem>> -> memref<1x128xi32, #tpu.memory_space<vmem>>
    %dma_start3A_39 = tpu.memref_squeeze %dma_start3A_38 : memref<1x128xi32, #tpu.memory_space<vmem>> -> memref<128xi32, #tpu.memory_space<vmem>>
    %dma_start3A_40 = arith.constant 0 : i32
    %dma_start3A_41 = arith.constant 0 : i32
    %dma_start3A_42 = tpu.memref_slice %arg3[%dma_start3A_40, %dma_start3A_41] : memref<20000x64xf32, #tpu.memory_space<hbm>> -> memref<20000x64xf32, #tpu.memory_space<hbm>>
    tpu.enqueue_indirect_dma source(%dma_start3A_42 : memref<20000x64xf32, #tpu.memory_space<hbm>>) target(%arg13 : memref<128x64xf32, #tpu.memory_space<vmem>>) offsets(%dma_start3A_39 : memref<128xi32, #tpu.memory_space<vmem>>) semaphore(%arg18 : memref<!tpu.dma_semaphore, #tpu.memory_space<semaphore_mem>>)
    %dma_start3A_43 = arith.constant 1 : i32
    %dma_start3A_44 = arith.constant 0 : i32
    %dma_start3A_45 = tpu.memref_slice %arg11[%dma_start3A_43, %dma_start3A_44] : memref<160x128xi32, #tpu.memory_space<vmem>> -> memref<1x128xi32, #tpu.memory_space<vmem>>
    %dma_start3A_46 = tpu.memref_squeeze %dma_start3A_45 : memref<1x128xi32, #tpu.memory_space<vmem>> -> memref<128xi32, #tpu.memory_space<vmem>>
    %dma_start3A_47 = arith.constant 0 : i32
    %dma_start3A_48 = arith.constant 0 : i32
    %dma_start3A_49 = tpu.memref_slice %arg3[%dma_start3A_47, %dma_start3A_48] : memref<20000x64xf32, #tpu.memory_space<hbm>> -> memref<20000x64xf32, #tpu.memory_space<hbm>>
    tpu.enqueue_indirect_dma source(%dma_start3A_49 : memref<20000x64xf32, #tpu.memory_space<hbm>>) target(%arg14 : memref<128x64xf32, #tpu.memory_space<vmem>>) offsets(%dma_start3A_46 : memref<128xi32, #tpu.memory_space<vmem>>) semaphore(%arg19 : memref<!tpu.dma_semaphore, #tpu.memory_space<semaphore_mem>>)
    %dma_start3A_50 = arith.constant 2 : i32
    %dma_start3A_51 = arith.constant 0 : i32
    %dma_start3A_52 = tpu.memref_slice %arg11[%dma_start3A_50, %dma_start3A_51] : memref<160x128xi32, #tpu.memory_space<vmem>> -> memref<1x128xi32, #tpu.memory_space<vmem>>
    %dma_start3A_53 = tpu.memref_squeeze %dma_start3A_52 : memref<1x128xi32, #tpu.memory_space<vmem>> -> memref<128xi32, #tpu.memory_space<vmem>>
    %dma_start3A_54 = arith.constant 0 : i32
    %dma_start3A_55 = arith.constant 0 : i32
    %dma_start3A_56 = tpu.memref_slice %arg3[%dma_start3A_54, %dma_start3A_55] : memref<20000x64xf32, #tpu.memory_space<hbm>> -> memref<20000x64xf32, #tpu.memory_space<hbm>>
    tpu.enqueue_indirect_dma source(%dma_start3A_56 : memref<20000x64xf32, #tpu.memory_space<hbm>>) target(%arg15 : memref<128x64xf32, #tpu.memory_space<vmem>>) offsets(%dma_start3A_53 : memref<128xi32, #tpu.memory_space<vmem>>) semaphore(%arg20 : memref<!tpu.dma_semaphore, #tpu.memory_space<semaphore_mem>>)
    %dma_start3A_57 = arith.constant 3 : i32
    %dma_start3A_58 = arith.constant 0 : i32
    %dma_start3A_59 = tpu.memref_slice %arg11[%dma_start3A_57, %dma_start3A_58] : memref<160x128xi32, #tpu.memory_space<vmem>> -> memref<1x128xi32, #tpu.memory_space<vmem>>
    %dma_start3A_60 = tpu.memref_squeeze %dma_start3A_59 : memref<1x128xi32, #tpu.memory_space<vmem>> -> memref<128xi32, #tpu.memory_space<vmem>>
    %dma_start3A_61 = arith.constant 0 : i32
    %dma_start3A_62 = arith.constant 0 : i32
    %dma_start3A_63 = tpu.memref_slice %arg3[%dma_start3A_61, %dma_start3A_62] : memref<20000x64xf32, #tpu.memory_space<hbm>> -> memref<20000x64xf32, #tpu.memory_space<hbm>>
    tpu.enqueue_indirect_dma source(%dma_start3A_63 : memref<20000x64xf32, #tpu.memory_space<hbm>>) target(%arg16 : memref<128x64xf32, #tpu.memory_space<vmem>>) offsets(%dma_start3A_60 : memref<128xi32, #tpu.memory_space<vmem>>) semaphore(%arg21 : memref<!tpu.dma_semaphore, #tpu.memory_space<semaphore_mem>>)
    %scan3A_64 = arith.constant 0 : i32
    %scan3A_65 = arith.constant 0 : i32
    %scan3A_66 = arith.constant 40 : i32
    %scan3A_67 = arith.addi %scan3A_65, %scan3A_66 : i32
    %scan3A_68 = arith.constant 1 : i32
    scf.for %scan3A_73 = %scan3A_65 to %scan3A_67 step %scan3A_68  : i32 {
      %mul3A_74 = arith.constant 4 : i32
      %mul3A_75 = arith.muli %mul3A_74, %scan3A_73 : i32
      %add3A = arith.constant 0 : i32
      %add3A_76 = arith.addi %mul3A_75, %add3A : i32
      %dma_wait3A = arith.constant 0 : i32
      %dma_wait3A_77 = tpu.memref_slice %arg11[%add3A_76, %dma_wait3A] : memref<160x128xi32, #tpu.memory_space<vmem>> -> memref<1x128xi32, #tpu.memory_space<vmem>>
      %dma_wait3A_78 = tpu.memref_squeeze %dma_wait3A_77 : memref<1x128xi32, #tpu.memory_space<vmem>> -> memref<128xi32, #tpu.memory_space<vmem>>
      %dma_wait3A_79 = arith.constant 0 : i32
      %dma_wait3A_80 = arith.constant 0 : i32
      %dma_wait3A_81 = tpu.memref_slice %arg3[%dma_wait3A_79, %dma_wait3A_80] : memref<20000x64xf32, #tpu.memory_space<hbm>> -> memref<20000x64xf32, #tpu.memory_space<hbm>>
      tpu.wait_indirect_dma semaphore(%arg18 : memref<!tpu.dma_semaphore, #tpu.memory_space<semaphore_mem>>) src(%dma_wait3A_81 : memref<20000x64xf32, #tpu.memory_space<hbm>>) dst(%arg13 : memref<128x64xf32, #tpu.memory_space<vmem>>)
      "tpu.region"() ({
        %run_scoped3A_137 = tpu.sem_alloc : memref<!tpu.dma_semaphore, #tpu.memory_space<semaphore_mem>>
        %dma_start3A_138 = arith.constant 0 : i32
        %dma_start3A_139 = tpu.memref_slice %arg12[%add3A_76, %dma_start3A_138] : memref<160x128xi32, #tpu.memory_space<vmem>> -> memref<1x128xi32, #tpu.memory_space<vmem>>
        %dma_start3A_140 = tpu.memref_squeeze %dma_start3A_139 : memref<1x128xi32, #tpu.memory_space<vmem>> -> memref<128xi32, #tpu.memory_space<vmem>>
        %dma_start3A_141 = arith.constant 0 : i32
        %dma_start3A_142 = arith.constant 0 : i32
        %dma_start3A_143 = tpu.memref_slice %arg17[%dma_start3A_141, %dma_start3A_142] : memref<10112x64xf32, #tpu.memory_space<vmem_shared>> -> memref<10112x64xf32, #tpu.memory_space<vmem_shared>>
        tpu.enqueue_indirect_dma source(%arg13 : memref<128x64xf32, #tpu.memory_space<vmem>>) target(%dma_start3A_143 : memref<10112x64xf32, #tpu.memory_space<vmem_shared>>) offsets(%dma_start3A_140 : memref<128xi32, #tpu.memory_space<vmem>>) semaphore(%run_scoped3A_137 : memref<!tpu.dma_semaphore, #tpu.memory_space<semaphore_mem>>) {add = true}
        %dma_wait3A_144 = arith.constant 0 : i32
        %dma_wait3A_145 = tpu.memref_slice %arg12[%add3A_76, %dma_wait3A_144] : memref<160x128xi32, #tpu.memory_space<vmem>> -> memref<1x128xi32, #tpu.memory_space<vmem>>
        %dma_wait3A_146 = tpu.memref_squeeze %dma_wait3A_145 : memref<1x128xi32, #tpu.memory_space<vmem>> -> memref<128xi32, #tpu.memory_space<vmem>>
        %dma_wait3A_147 = arith.constant 0 : i32
        %dma_wait3A_148 = arith.constant 0 : i32
        %dma_wait3A_149 = tpu.memref_slice %arg17[%dma_wait3A_147, %dma_wait3A_148] : memref<10112x64xf32, #tpu.memory_space<vmem_shared>> -> memref<10112x64xf32, #tpu.memory_space<vmem_shared>>
        tpu.wait_indirect_dma semaphore(%run_scoped3A_137 : memref<!tpu.dma_semaphore, #tpu.memory_space<semaphore_mem>>) src(%arg13 : memref<128x64xf32, #tpu.memory_space<vmem>>) dst(%dma_wait3A_149 : memref<10112x64xf32, #tpu.memory_space<vmem_shared>>)
        tpu.yield
      }) : () -> ()
      %add3A_82 = arith.constant 4 : i32
      %add3A_83 = arith.addi %add3A_76, %add3A_82 : i32
      %lt3A = arith.constant 160 : i32
      %lt3A_84 = arith.cmpi slt, %add3A_83, %lt3A : i32
      %convert_element_type3A = arith.extui %lt3A_84 : i1 to i32
      %cond3A = arith.constant 0 : i32
      %cond3A_85 = arith.cmpi ne, %convert_element_type3A, %cond3A : i32
      scf.if %cond3A_85 {
        %add3A_137 = arith.constant 4 : i32
        %add3A_138 = arith.addi %add3A_76, %add3A_137 : i32
        %dma_start3A_139 = arith.constant 0 : i32
        %dma_start3A_140 = tpu.memref_slice %arg11[%add3A_138, %dma_start3A_139] : memref<160x128xi32, #tpu.memory_space<vmem>> -> memref<1x128xi32, #tpu.memory_space<vmem>>
        %dma_start3A_141 = tpu.memref_squeeze %dma_start3A_140 : memref<1x128xi32, #tpu.memory_space<vmem>> -> memref<128xi32, #tpu.memory_space<vmem>>
        %dma_start3A_142 = arith.constant 0 : i32
        %dma_start3A_143 = arith.constant 0 : i32
        %dma_start3A_144 = tpu.memref_slice %arg3[%dma_start3A_142, %dma_start3A_143] : memref<20000x64xf32, #tpu.memory_space<hbm>> -> memref<20000x64xf32, #tpu.memory_space<hbm>>
        tpu.enqueue_indirect_dma source(%dma_start3A_144 : memref<20000x64xf32, #tpu.memory_space<hbm>>) target(%arg13 : memref<128x64xf32, #tpu.memory_space<vmem>>) offsets(%dma_start3A_141 : memref<128xi32, #tpu.memory_space<vmem>>) semaphore(%arg18 : memref<!tpu.dma_semaphore, #tpu.memory_space<semaphore_mem>>)
      } else {
      }
      %mul3A_86 = arith.constant 4 : i32
      %mul3A_87 = arith.muli %mul3A_86, %scan3A_73 : i32
      %add3A_88 = arith.constant 1 : i32
      %add3A_89 = arith.addi %mul3A_87, %add3A_88 : i32
      %dma_wait3A_90 = arith.constant 0 : i32
      %dma_wait3A_91 = tpu.memref_slice %arg11[%add3A_89, %dma_wait3A_90] : memref<160x128xi32, #tpu.memory_space<vmem>> -> memref<1x128xi32, #tpu.memory_space<vmem>>
      %dma_wait3A_92 = tpu.memref_squeeze %dma_wait3A_91 : memref<1x128xi32, #tpu.memory_space<vmem>> -> memref<128xi32, #tpu.memory_space<vmem>>
      %dma_wait3A_93 = arith.constant 0 : i32
      %dma_wait3A_94 = arith.constant 0 : i32
      %dma_wait3A_95 = tpu.memref_slice %arg3[%dma_wait3A_93, %dma_wait3A_94] : memref<20000x64xf32, #tpu.memory_space<hbm>> -> memref<20000x64xf32, #tpu.memory_space<hbm>>
      tpu.wait_indirect_dma semaphore(%arg19 : memref<!tpu.dma_semaphore, #tpu.memory_space<semaphore_mem>>) src(%dma_wait3A_95 : memref<20000x64xf32, #tpu.memory_space<hbm>>) dst(%arg14 : memref<128x64xf32, #tpu.memory_space<vmem>>)
      "tpu.region"() ({
        %run_scoped3A_137 = tpu.sem_alloc : memref<!tpu.dma_semaphore, #tpu.memory_space<semaphore_mem>>
        %dma_start3A_138 = arith.constant 0 : i32
        %dma_start3A_139 = tpu.memref_slice %arg12[%add3A_89, %dma_start3A_138] : memref<160x128xi32, #tpu.memory_space<vmem>> -> memref<1x128xi32, #tpu.memory_space<vmem>>
        %dma_start3A_140 = tpu.memref_squeeze %dma_start3A_139 : memref<1x128xi32, #tpu.memory_space<vmem>> -> memref<128xi32, #tpu.memory_space<vmem>>
        %dma_start3A_141 = arith.constant 0 : i32
        %dma_start3A_142 = arith.constant 0 : i32
        %dma_start3A_143 = tpu.memref_slice %arg17[%dma_start3A_141, %dma_start3A_142] : memref<10112x64xf32, #tpu.memory_space<vmem_shared>> -> memref<10112x64xf32, #tpu.memory_space<vmem_shared>>
        tpu.enqueue_indirect_dma source(%arg14 : memref<128x64xf32, #tpu.memory_space<vmem>>) target(%dma_start3A_143 : memref<10112x64xf32, #tpu.memory_space<vmem_shared>>) offsets(%dma_start3A_140 : memref<128xi32, #tpu.memory_space<vmem>>) semaphore(%run_scoped3A_137 : memref<!tpu.dma_semaphore, #tpu.memory_space<semaphore_mem>>) {add = true}
        %dma_wait3A_144 = arith.constant 0 : i32
        %dma_wait3A_145 = tpu.memref_slice %arg12[%add3A_89, %dma_wait3A_144] : memref<160x128xi32, #tpu.memory_space<vmem>> -> memref<1x128xi32, #tpu.memory_space<vmem>>
        %dma_wait3A_146 = tpu.memref_squeeze %dma_wait3A_145 : memref<1x128xi32, #tpu.memory_space<vmem>> -> memref<128xi32, #tpu.memory_space<vmem>>
        %dma_wait3A_147 = arith.constant 0 : i32
        %dma_wait3A_148 = arith.constant 0 : i32
        %dma_wait3A_149 = tpu.memref_slice %arg17[%dma_wait3A_147, %dma_wait3A_148] : memref<10112x64xf32, #tpu.memory_space<vmem_shared>> -> memref<10112x64xf32, #tpu.memory_space<vmem_shared>>
        tpu.wait_indirect_dma semaphore(%run_scoped3A_137 : memref<!tpu.dma_semaphore, #tpu.memory_space<semaphore_mem>>) src(%arg14 : memref<128x64xf32, #tpu.memory_space<vmem>>) dst(%dma_wait3A_149 : memref<10112x64xf32, #tpu.memory_space<vmem_shared>>)
        tpu.yield
      }) : () -> ()
      %add3A_96 = arith.constant 4 : i32
      %add3A_97 = arith.addi %add3A_89, %add3A_96 : i32
      %lt3A_98 = arith.constant 160 : i32
      %lt3A_99 = arith.cmpi slt, %add3A_97, %lt3A_98 : i32
      %convert_element_type3A_100 = arith.extui %lt3A_99 : i1 to i32
      %cond3A_101 = arith.constant 0 : i32
      %cond3A_102 = arith.cmpi ne, %convert_element_type3A_100, %cond3A_101 : i32
      scf.if %cond3A_102 {
        %add3A_137 = arith.constant 4 : i32
        %add3A_138 = arith.addi %add3A_89, %add3A_137 : i32
        %dma_start3A_139 = arith.constant 0 : i32
        %dma_start3A_140 = tpu.memref_slice %arg11[%add3A_138, %dma_start3A_139] : memref<160x128xi32, #tpu.memory_space<vmem>> -> memref<1x128xi32, #tpu.memory_space<vmem>>
        %dma_start3A_141 = tpu.memref_squeeze %dma_start3A_140 : memref<1x128xi32, #tpu.memory_space<vmem>> -> memref<128xi32, #tpu.memory_space<vmem>>
        %dma_start3A_142 = arith.constant 0 : i32
        %dma_start3A_143 = arith.constant 0 : i32
        %dma_start3A_144 = tpu.memref_slice %arg3[%dma_start3A_142, %dma_start3A_143] : memref<20000x64xf32, #tpu.memory_space<hbm>> -> memref<20000x64xf32, #tpu.memory_space<hbm>>
        tpu.enqueue_indirect_dma source(%dma_start3A_144 : memref<20000x64xf32, #tpu.memory_space<hbm>>) target(%arg14 : memref<128x64xf32, #tpu.memory_space<vmem>>) offsets(%dma_start3A_141 : memref<128xi32, #tpu.memory_space<vmem>>) semaphore(%arg19 : memref<!tpu.dma_semaphore, #tpu.memory_space<semaphore_mem>>)
      } else {
      }
      %mul3A_103 = arith.constant 4 : i32
      %mul3A_104 = arith.muli %mul3A_103, %scan3A_73 : i32
      %add3A_105 = arith.constant 2 : i32
      %add3A_106 = arith.addi %mul3A_104, %add3A_105 : i32
      %dma_wait3A_107 = arith.constant 0 : i32
      %dma_wait3A_108 = tpu.memref_slice %arg11[%add3A_106, %dma_wait3A_107] : memref<160x128xi32, #tpu.memory_space<vmem>> -> memref<1x128xi32, #tpu.memory_space<vmem>>
      %dma_wait3A_109 = tpu.memref_squeeze %dma_wait3A_108 : memref<1x128xi32, #tpu.memory_space<vmem>> -> memref<128xi32, #tpu.memory_space<vmem>>
      %dma_wait3A_110 = arith.constant 0 : i32
      %dma_wait3A_111 = arith.constant 0 : i32
      %dma_wait3A_112 = tpu.memref_slice %arg3[%dma_wait3A_110, %dma_wait3A_111] : memref<20000x64xf32, #tpu.memory_space<hbm>> -> memref<20000x64xf32, #tpu.memory_space<hbm>>
      tpu.wait_indirect_dma semaphore(%arg20 : memref<!tpu.dma_semaphore, #tpu.memory_space<semaphore_mem>>) src(%dma_wait3A_112 : memref<20000x64xf32, #tpu.memory_space<hbm>>) dst(%arg15 : memref<128x64xf32, #tpu.memory_space<vmem>>)
      "tpu.region"() ({
        %run_scoped3A_137 = tpu.sem_alloc : memref<!tpu.dma_semaphore, #tpu.memory_space<semaphore_mem>>
        %dma_start3A_138 = arith.constant 0 : i32
        %dma_start3A_139 = tpu.memref_slice %arg12[%add3A_106, %dma_start3A_138] : memref<160x128xi32, #tpu.memory_space<vmem>> -> memref<1x128xi32, #tpu.memory_space<vmem>>
        %dma_start3A_140 = tpu.memref_squeeze %dma_start3A_139 : memref<1x128xi32, #tpu.memory_space<vmem>> -> memref<128xi32, #tpu.memory_space<vmem>>
        %dma_start3A_141 = arith.constant 0 : i32
        %dma_start3A_142 = arith.constant 0 : i32
        %dma_start3A_143 = tpu.memref_slice %arg17[%dma_start3A_141, %dma_start3A_142] : memref<10112x64xf32, #tpu.memory_space<vmem_shared>> -> memref<10112x64xf32, #tpu.memory_space<vmem_shared>>
        tpu.enqueue_indirect_dma source(%arg15 : memref<128x64xf32, #tpu.memory_space<vmem>>) target(%dma_start3A_143 : memref<10112x64xf32, #tpu.memory_space<vmem_shared>>) offsets(%dma_start3A_140 : memref<128xi32, #tpu.memory_space<vmem>>) semaphore(%run_scoped3A_137 : memref<!tpu.dma_semaphore, #tpu.memory_space<semaphore_mem>>) {add = true}
        %dma_wait3A_144 = arith.constant 0 : i32
        %dma_wait3A_145 = tpu.memref_slice %arg12[%add3A_106, %dma_wait3A_144] : memref<160x128xi32, #tpu.memory_space<vmem>> -> memref<1x128xi32, #tpu.memory_space<vmem>>
        %dma_wait3A_146 = tpu.memref_squeeze %dma_wait3A_145 : memref<1x128xi32, #tpu.memory_space<vmem>> -> memref<128xi32, #tpu.memory_space<vmem>>
        %dma_wait3A_147 = arith.constant 0 : i32
        %dma_wait3A_148 = arith.constant 0 : i32
        %dma_wait3A_149 = tpu.memref_slice %arg17[%dma_wait3A_147, %dma_wait3A_148] : memref<10112x64xf32, #tpu.memory_space<vmem_shared>> -> memref<10112x64xf32, #tpu.memory_space<vmem_shared>>
        tpu.wait_indirect_dma semaphore(%run_scoped3A_137 : memref<!tpu.dma_semaphore, #tpu.memory_space<semaphore_mem>>) src(%arg15 : memref<128x64xf32, #tpu.memory_space<vmem>>) dst(%dma_wait3A_149 : memref<10112x64xf32, #tpu.memory_space<vmem_shared>>)
        tpu.yield
      }) : () -> ()
      %add3A_113 = arith.constant 4 : i32
      %add3A_114 = arith.addi %add3A_106, %add3A_113 : i32
      %lt3A_115 = arith.constant 160 : i32
      %lt3A_116 = arith.cmpi slt, %add3A_114, %lt3A_115 : i32
      %convert_element_type3A_117 = arith.extui %lt3A_116 : i1 to i32
      %cond3A_118 = arith.constant 0 : i32
      %cond3A_119 = arith.cmpi ne, %convert_element_type3A_117, %cond3A_118 : i32
      scf.if %cond3A_119 {
        %add3A_137 = arith.constant 4 : i32
        %add3A_138 = arith.addi %add3A_106, %add3A_137 : i32
        %dma_start3A_139 = arith.constant 0 : i32
        %dma_start3A_140 = tpu.memref_slice %arg11[%add3A_138, %dma_start3A_139] : memref<160x128xi32, #tpu.memory_space<vmem>> -> memref<1x128xi32, #tpu.memory_space<vmem>>
        %dma_start3A_141 = tpu.memref_squeeze %dma_start3A_140 : memref<1x128xi32, #tpu.memory_space<vmem>> -> memref<128xi32, #tpu.memory_space<vmem>>
        %dma_start3A_142 = arith.constant 0 : i32
        %dma_start3A_143 = arith.constant 0 : i32
        %dma_start3A_144 = tpu.memref_slice %arg3[%dma_start3A_142, %dma_start3A_143] : memref<20000x64xf32, #tpu.memory_space<hbm>> -> memref<20000x64xf32, #tpu.memory_space<hbm>>
        tpu.enqueue_indirect_dma source(%dma_start3A_144 : memref<20000x64xf32, #tpu.memory_space<hbm>>) target(%arg15 : memref<128x64xf32, #tpu.memory_space<vmem>>) offsets(%dma_start3A_141 : memref<128xi32, #tpu.memory_space<vmem>>) semaphore(%arg20 : memref<!tpu.dma_semaphore, #tpu.memory_space<semaphore_mem>>)
      } else {
      }
      %mul3A_120 = arith.constant 4 : i32
      %mul3A_121 = arith.muli %mul3A_120, %scan3A_73 : i32
      %add3A_122 = arith.constant 3 : i32
      %add3A_123 = arith.addi %mul3A_121, %add3A_122 : i32
      %dma_wait3A_124 = arith.constant 0 : i32
      %dma_wait3A_125 = tpu.memref_slice %arg11[%add3A_123, %dma_wait3A_124] : memref<160x128xi32, #tpu.memory_space<vmem>> -> memref<1x128xi32, #tpu.memory_space<vmem>>
      %dma_wait3A_126 = tpu.memref_squeeze %dma_wait3A_125 : memref<1x128xi32, #tpu.memory_space<vmem>> -> memref<128xi32, #tpu.memory_space<vmem>>
      %dma_wait3A_127 = arith.constant 0 : i32
      %dma_wait3A_128 = arith.constant 0 : i32
      %dma_wait3A_129 = tpu.memref_slice %arg3[%dma_wait3A_127, %dma_wait3A_128] : memref<20000x64xf32, #tpu.memory_space<hbm>> -> memref<20000x64xf32, #tpu.memory_space<hbm>>
      tpu.wait_indirect_dma semaphore(%arg21 : memref<!tpu.dma_semaphore, #tpu.memory_space<semaphore_mem>>) src(%dma_wait3A_129 : memref<20000x64xf32, #tpu.memory_space<hbm>>) dst(%arg16 : memref<128x64xf32, #tpu.memory_space<vmem>>)
      "tpu.region"() ({
        %run_scoped3A_137 = tpu.sem_alloc : memref<!tpu.dma_semaphore, #tpu.memory_space<semaphore_mem>>
        %dma_start3A_138 = arith.constant 0 : i32
        %dma_start3A_139 = tpu.memref_slice %arg12[%add3A_123, %dma_start3A_138] : memref<160x128xi32, #tpu.memory_space<vmem>> -> memref<1x128xi32, #tpu.memory_space<vmem>>
        %dma_start3A_140 = tpu.memref_squeeze %dma_start3A_139 : memref<1x128xi32, #tpu.memory_space<vmem>> -> memref<128xi32, #tpu.memory_space<vmem>>
        %dma_start3A_141 = arith.constant 0 : i32
        %dma_start3A_142 = arith.constant 0 : i32
        %dma_start3A_143 = tpu.memref_slice %arg17[%dma_start3A_141, %dma_start3A_142] : memref<10112x64xf32, #tpu.memory_space<vmem_shared>> -> memref<10112x64xf32, #tpu.memory_space<vmem_shared>>
        tpu.enqueue_indirect_dma source(%arg16 : memref<128x64xf32, #tpu.memory_space<vmem>>) target(%dma_start3A_143 : memref<10112x64xf32, #tpu.memory_space<vmem_shared>>) offsets(%dma_start3A_140 : memref<128xi32, #tpu.memory_space<vmem>>) semaphore(%run_scoped3A_137 : memref<!tpu.dma_semaphore, #tpu.memory_space<semaphore_mem>>) {add = true}
        %dma_wait3A_144 = arith.constant 0 : i32
        %dma_wait3A_145 = tpu.memref_slice %arg12[%add3A_123, %dma_wait3A_144] : memref<160x128xi32, #tpu.memory_space<vmem>> -> memref<1x128xi32, #tpu.memory_space<vmem>>
        %dma_wait3A_146 = tpu.memref_squeeze %dma_wait3A_145 : memref<1x128xi32, #tpu.memory_space<vmem>> -> memref<128xi32, #tpu.memory_space<vmem>>
        %dma_wait3A_147 = arith.constant 0 : i32
        %dma_wait3A_148 = arith.constant 0 : i32
        %dma_wait3A_149 = tpu.memref_slice %arg17[%dma_wait3A_147, %dma_wait3A_148] : memref<10112x64xf32, #tpu.memory_space<vmem_shared>> -> memref<10112x64xf32, #tpu.memory_space<vmem_shared>>
        tpu.wait_indirect_dma semaphore(%run_scoped3A_137 : memref<!tpu.dma_semaphore, #tpu.memory_space<semaphore_mem>>) src(%arg16 : memref<128x64xf32, #tpu.memory_space<vmem>>) dst(%dma_wait3A_149 : memref<10112x64xf32, #tpu.memory_space<vmem_shared>>)
        tpu.yield
      }) : () -> ()
      %add3A_130 = arith.constant 4 : i32
      %add3A_131 = arith.addi %add3A_123, %add3A_130 : i32
      %lt3A_132 = arith.constant 160 : i32
      %lt3A_133 = arith.cmpi slt, %add3A_131, %lt3A_132 : i32
      %convert_element_type3A_134 = arith.extui %lt3A_133 : i1 to i32
      %cond3A_135 = arith.constant 0 : i32
      %cond3A_136 = arith.cmpi ne, %convert_element_type3A_134, %cond3A_135 : i32
      scf.if %cond3A_136 {
        %add3A_137 = arith.constant 4 : i32
        %add3A_138 = arith.addi %add3A_123, %add3A_137 : i32
        %dma_start3A_139 = arith.constant 0 : i32
        %dma_start3A_140 = tpu.memref_slice %arg11[%add3A_138, %dma_start3A_139] : memref<160x128xi32, #tpu.memory_space<vmem>> -> memref<1x128xi32, #tpu.memory_space<vmem>>
        %dma_start3A_141 = tpu.memref_squeeze %dma_start3A_140 : memref<1x128xi32, #tpu.memory_space<vmem>> -> memref<128xi32, #tpu.memory_space<vmem>>
        %dma_start3A_142 = arith.constant 0 : i32
        %dma_start3A_143 = arith.constant 0 : i32
        %dma_start3A_144 = tpu.memref_slice %arg3[%dma_start3A_142, %dma_start3A_143] : memref<20000x64xf32, #tpu.memory_space<hbm>> -> memref<20000x64xf32, #tpu.memory_space<hbm>>
        tpu.enqueue_indirect_dma source(%dma_start3A_144 : memref<20000x64xf32, #tpu.memory_space<hbm>>) target(%arg16 : memref<128x64xf32, #tpu.memory_space<vmem>>) offsets(%dma_start3A_141 : memref<128xi32, #tpu.memory_space<vmem>>) semaphore(%arg21 : memref<!tpu.dma_semaphore, #tpu.memory_space<semaphore_mem>>)
      } else {
      }
    }
    %scan3A_69 = arith.constant 40 : i32
    %barrier3A_70 = arith.constant 0 : index
    tpu.barrier barrier_id(%barrier3A_70)
    %run_scoped3A_71 = arith.constant 1 : i32
    "tpu.region"() ({
      %run_scoped3A_73 = tpu.sem_alloc : memref<!tpu.dma_semaphore, #tpu.memory_space<semaphore_mem>>
      %dma_start3A_74 = arith.constant 0 : i32
      %dma_start3A_75 = tpu.memref_slice %arg9[%run_scoped3A_71, %arg0, %mul3A_0, %dma_start3A_74] : memref<2x2x10112x64xf32, #tpu.memory_space<hbm>> -> memref<1x1x632x64xf32, #tpu.memory_space<hbm>>
      %dma_start3A_76 = tpu.memref_squeeze %dma_start3A_75 : memref<1x1x632x64xf32, #tpu.memory_space<hbm>> -> memref<632x64xf32, #tpu.memory_space<hbm>>
      %dma_start3A_77 = arith.constant 0 : i32
      %dma_start3A_78 = tpu.memref_slice %arg17[%mul3A_0, %dma_start3A_77] : memref<10112x64xf32, #tpu.memory_space<vmem_shared>> -> memref<632x64xf32, #tpu.memory_space<vmem_shared>>
      tpu.enqueue_dma source(%dma_start3A_78 : memref<632x64xf32, #tpu.memory_space<vmem_shared>>) target(%dma_start3A_76 : memref<632x64xf32, #tpu.memory_space<hbm>>) target_semaphore(%run_scoped3A_73 : memref<!tpu.dma_semaphore, #tpu.memory_space<semaphore_mem>>)
      %dma_wait3A = arith.constant 0 : i32
      %dma_wait3A_79 = tpu.memref_slice %arg9[%run_scoped3A_71, %arg0, %mul3A_0, %dma_wait3A] : memref<2x2x10112x64xf32, #tpu.memory_space<hbm>> -> memref<1x1x632x64xf32, #tpu.memory_space<hbm>>
      %dma_wait3A_80 = tpu.memref_squeeze %dma_wait3A_79 : memref<1x1x632x64xf32, #tpu.memory_space<hbm>> -> memref<632x64xf32, #tpu.memory_space<hbm>>
      %dma_wait3A_81 = arith.constant 0 : i32
      %dma_wait3A_82 = tpu.memref_slice %arg17[%mul3A_0, %dma_wait3A_81] : memref<10112x64xf32, #tpu.memory_space<vmem_shared>> -> memref<632x64xf32, #tpu.memory_space<vmem_shared>>
      tpu.wait_dma2 semaphore(%run_scoped3A_73 : memref<!tpu.dma_semaphore, #tpu.memory_space<semaphore_mem>>) src(%dma_wait3A_82 : memref<632x64xf32, #tpu.memory_space<vmem_shared>>) dst(%dma_wait3A_80 : memref<632x64xf32, #tpu.memory_space<hbm>>)
      tpu.yield
    }) : () -> ()
    %barrier3A_72 = arith.constant 0 : index
    tpu.barrier barrier_id(%barrier3A_72)
    "tpu.region"() ({
      %run_scoped3A_73 = tpu.sem_alloc : memref<!tpu.dma_semaphore, #tpu.memory_space<semaphore_mem>>
      %dma_start3A_74 = arith.constant 0 : i32
      %dma_start3A_75 = tpu.memref_slice %arg10[%arg0, %mul3A_0, %dma_start3A_74] : memref<2x10112x16xf32, #tpu.memory_space<hbm>> -> memref<1x632x16xf32, #tpu.memory_space<hbm>>
      %dma_start3A_76 = tpu.memref_squeeze %dma_start3A_75 : memref<1x632x16xf32, #tpu.memory_space<hbm>> -> memref<632x16xf32, #tpu.memory_space<hbm>>
      %dma_start3A_77 = arith.constant 0 : i32
      %dma_start3A_78 = tpu.memref_slice %arg23[%mul3A_0, %dma_start3A_77] : memref<10112x16xf32, #tpu.memory_space<vmem_shared>> -> memref<632x16xf32, #tpu.memory_space<vmem_shared>>
      tpu.enqueue_dma source(%dma_start3A_78 : memref<632x16xf32, #tpu.memory_space<vmem_shared>>) target(%dma_start3A_76 : memref<632x16xf32, #tpu.memory_space<hbm>>) target_semaphore(%run_scoped3A_73 : memref<!tpu.dma_semaphore, #tpu.memory_space<semaphore_mem>>)
      %dma_wait3A = arith.constant 0 : i32
      %dma_wait3A_79 = tpu.memref_slice %arg10[%arg0, %mul3A_0, %dma_wait3A] : memref<2x10112x16xf32, #tpu.memory_space<hbm>> -> memref<1x632x16xf32, #tpu.memory_space<hbm>>
      %dma_wait3A_80 = tpu.memref_squeeze %dma_wait3A_79 : memref<1x632x16xf32, #tpu.memory_space<hbm>> -> memref<632x16xf32, #tpu.memory_space<hbm>>
      %dma_wait3A_81 = arith.constant 0 : i32
      %dma_wait3A_82 = tpu.memref_slice %arg23[%mul3A_0, %dma_wait3A_81] : memref<10112x16xf32, #tpu.memory_space<vmem_shared>> -> memref<632x16xf32, #tpu.memory_space<vmem_shared>>
      tpu.wait_dma2 semaphore(%run_scoped3A_73 : memref<!tpu.dma_semaphore, #tpu.memory_space<semaphore_mem>>) src(%dma_wait3A_82 : memref<632x16xf32, #tpu.memory_space<vmem_shared>>) dst(%dma_wait3A_80 : memref<632x16xf32, #tpu.memory_space<hbm>>)
      tpu.yield
    }) : () -> ()
    return
  }
}

#map = affine_map<(d0, d1) -> (0, 0)>
#map1 = affine_map<(d0, d1) -> (0, 0, 0)>
module attributes {stable_mosaic.version = 14 : i64} {
  func.func @_classifier_body(%arg0: i32, %arg1: i32, %arg2: memref<20000x128xf32, #tpu.memory_space<hbm>>, %arg3: memref<32x25x128xi32, #tpu.memory_space<hbm>>, %arg4: memref<32x25x128xi32, #tpu.memory_space<hbm>>, %arg5: memref<102400x16xf32, #tpu.memory_space<hbm>>, %arg6: memref<25x128xi32, #tpu.memory_space<vmem>>, %arg7: memref<25x128xi32, #tpu.memory_space<vmem>>, %arg8: memref<128x128xf32, #tpu.memory_space<vmem>>, %arg9: memref<128x128xf32, #tpu.memory_space<vmem>>, %arg10: memref<3200x16xf32, #tpu.memory_space<vmem>>, %arg11: memref<!tpu.dma_semaphore, #tpu.memory_space<semaphore_mem>>, %arg12: memref<!tpu.dma_semaphore, #tpu.memory_space<semaphore_mem>>) attributes {dimension_semantics = [#tpu.dimension_semantics<core_parallel>, #tpu.dimension_semantics<subcore_parallel>], iteration_bounds = array<i64: 2, 16>, scalar_prefetch = 0 : i64, scratch_operands = 7 : i64, tpu.core_type = #tpu.core_type<sc_vector_subcore>, window_params = [{transform_indices = #map}, {transform_indices = #map1}, {transform_indices = #map1}, {transform_indices = #map}]} {
    %mul3A = arith.constant 2 : i32
    %mul3A_0 = arith.muli %arg1, %mul3A : i32
    %add3A = arith.addi %mul3A_0, %arg0 : i32
    "tpu.region"() ({
      %run_scoped3A = tpu.sem_alloc : memref<!tpu.dma_semaphore, #tpu.memory_space<semaphore_mem>>
      %dma_start3A = arith.constant 0 : i32
      %dma_start3A_8 = arith.constant 0 : i32
      %dma_start3A_9 = tpu.memref_slice %arg3[%add3A, %dma_start3A, %dma_start3A_8] : memref<32x25x128xi32, #tpu.memory_space<hbm>> -> memref<1x25x128xi32, #tpu.memory_space<hbm>>
      %dma_start3A_10 = tpu.memref_squeeze %dma_start3A_9 : memref<1x25x128xi32, #tpu.memory_space<hbm>> -> memref<25x128xi32, #tpu.memory_space<hbm>>
      %dma_start3A_11 = arith.constant 0 : i32
      %dma_start3A_12 = arith.constant 0 : i32
      %dma_start3A_13 = tpu.memref_slice %arg3[%add3A, %dma_start3A_11, %dma_start3A_12] : memref<32x25x128xi32, #tpu.memory_space<hbm>> -> memref<1x25x128xi32, #tpu.memory_space<hbm>>
      %dma_start3A_14 = tpu.memref_squeeze %dma_start3A_13 : memref<1x25x128xi32, #tpu.memory_space<hbm>> -> memref<25x128xi32, #tpu.memory_space<hbm>>
      tpu.enqueue_dma source(%dma_start3A_14 : memref<25x128xi32, #tpu.memory_space<hbm>>) target(%arg6 : memref<25x128xi32, #tpu.memory_space<vmem>>) target_semaphore(%run_scoped3A : memref<!tpu.dma_semaphore, #tpu.memory_space<semaphore_mem>>)
      %dma_wait3A = arith.constant 0 : i32
      %dma_wait3A_15 = arith.constant 0 : i32
      %dma_wait3A_16 = tpu.memref_slice %arg3[%add3A, %dma_wait3A, %dma_wait3A_15] : memref<32x25x128xi32, #tpu.memory_space<hbm>> -> memref<1x25x128xi32, #tpu.memory_space<hbm>>
      %dma_wait3A_17 = tpu.memref_squeeze %dma_wait3A_16 : memref<1x25x128xi32, #tpu.memory_space<hbm>> -> memref<25x128xi32, #tpu.memory_space<hbm>>
      %dma_wait3A_18 = arith.constant 0 : i32
      %dma_wait3A_19 = arith.constant 0 : i32
      %dma_wait3A_20 = tpu.memref_slice %arg3[%add3A, %dma_wait3A_18, %dma_wait3A_19] : memref<32x25x128xi32, #tpu.memory_space<hbm>> -> memref<1x25x128xi32, #tpu.memory_space<hbm>>
      %dma_wait3A_21 = tpu.memref_squeeze %dma_wait3A_20 : memref<1x25x128xi32, #tpu.memory_space<hbm>> -> memref<25x128xi32, #tpu.memory_space<hbm>>
      tpu.wait_dma2 semaphore(%run_scoped3A : memref<!tpu.dma_semaphore, #tpu.memory_space<semaphore_mem>>) src(%dma_wait3A_21 : memref<25x128xi32, #tpu.memory_space<hbm>>) dst(%arg6 : memref<25x128xi32, #tpu.memory_space<vmem>>)
      tpu.yield
    }) : () -> ()
    "tpu.region"() ({
      %run_scoped3A = tpu.sem_alloc : memref<!tpu.dma_semaphore, #tpu.memory_space<semaphore_mem>>
      %dma_start3A = arith.constant 0 : i32
      %dma_start3A_8 = arith.constant 0 : i32
      %dma_start3A_9 = tpu.memref_slice %arg4[%add3A, %dma_start3A, %dma_start3A_8] : memref<32x25x128xi32, #tpu.memory_space<hbm>> -> memref<1x25x128xi32, #tpu.memory_space<hbm>>
      %dma_start3A_10 = tpu.memref_squeeze %dma_start3A_9 : memref<1x25x128xi32, #tpu.memory_space<hbm>> -> memref<25x128xi32, #tpu.memory_space<hbm>>
      %dma_start3A_11 = arith.constant 0 : i32
      %dma_start3A_12 = arith.constant 0 : i32
      %dma_start3A_13 = tpu.memref_slice %arg4[%add3A, %dma_start3A_11, %dma_start3A_12] : memref<32x25x128xi32, #tpu.memory_space<hbm>> -> memref<1x25x128xi32, #tpu.memory_space<hbm>>
      %dma_start3A_14 = tpu.memref_squeeze %dma_start3A_13 : memref<1x25x128xi32, #tpu.memory_space<hbm>> -> memref<25x128xi32, #tpu.memory_space<hbm>>
      tpu.enqueue_dma source(%dma_start3A_14 : memref<25x128xi32, #tpu.memory_space<hbm>>) target(%arg7 : memref<25x128xi32, #tpu.memory_space<vmem>>) target_semaphore(%run_scoped3A : memref<!tpu.dma_semaphore, #tpu.memory_space<semaphore_mem>>)
      %dma_wait3A = arith.constant 0 : i32
      %dma_wait3A_15 = arith.constant 0 : i32
      %dma_wait3A_16 = tpu.memref_slice %arg4[%add3A, %dma_wait3A, %dma_wait3A_15] : memref<32x25x128xi32, #tpu.memory_space<hbm>> -> memref<1x25x128xi32, #tpu.memory_space<hbm>>
      %dma_wait3A_17 = tpu.memref_squeeze %dma_wait3A_16 : memref<1x25x128xi32, #tpu.memory_space<hbm>> -> memref<25x128xi32, #tpu.memory_space<hbm>>
      %dma_wait3A_18 = arith.constant 0 : i32
      %dma_wait3A_19 = arith.constant 0 : i32
      %dma_wait3A_20 = tpu.memref_slice %arg4[%add3A, %dma_wait3A_18, %dma_wait3A_19] : memref<32x25x128xi32, #tpu.memory_space<hbm>> -> memref<1x25x128xi32, #tpu.memory_space<hbm>>
      %dma_wait3A_21 = tpu.memref_squeeze %dma_wait3A_20 : memref<1x25x128xi32, #tpu.memory_space<hbm>> -> memref<25x128xi32, #tpu.memory_space<hbm>>
      tpu.wait_dma2 semaphore(%run_scoped3A : memref<!tpu.dma_semaphore, #tpu.memory_space<semaphore_mem>>) src(%dma_wait3A_21 : memref<25x128xi32, #tpu.memory_space<hbm>>) dst(%arg7 : memref<25x128xi32, #tpu.memory_space<vmem>>)
      tpu.yield
    }) : () -> ()
    %scan3A = arith.constant 0 : i32
    %scan3A_1 = arith.constant 0 : i32
    %scan3A_2 = arith.constant 25 : i32
    %scan3A_3 = arith.addi %scan3A_1, %scan3A_2 : i32
    %scan3A_4 = arith.constant 1 : i32
    scf.for %scan3A_8 = %scan3A_1 to %scan3A_3 step %scan3A_4  : i32 {
      %dma_start3A = arith.constant 0 : i32
      %dma_start3A_9 = tpu.memref_slice %arg6[%scan3A_8, %dma_start3A] : memref<25x128xi32, #tpu.memory_space<vmem>> -> memref<1x128xi32, #tpu.memory_space<vmem>>
      %dma_start3A_10 = tpu.memref_squeeze %dma_start3A_9 : memref<1x128xi32, #tpu.memory_space<vmem>> -> memref<128xi32, #tpu.memory_space<vmem>>
      %dma_start3A_11 = arith.constant 0 : i32
      %dma_start3A_12 = arith.constant 0 : i32
      %dma_start3A_13 = tpu.memref_slice %arg2[%dma_start3A_11, %dma_start3A_12] : memref<20000x128xf32, #tpu.memory_space<hbm>> -> memref<20000x128xf32, #tpu.memory_space<hbm>>
      tpu.enqueue_indirect_dma source(%dma_start3A_13 : memref<20000x128xf32, #tpu.memory_space<hbm>>) target(%arg8 : memref<128x128xf32, #tpu.memory_space<vmem>>) offsets(%dma_start3A_10 : memref<128xi32, #tpu.memory_space<vmem>>) semaphore(%arg11 : memref<!tpu.dma_semaphore, #tpu.memory_space<semaphore_mem>>)
      %dma_start3A_14 = arith.constant 0 : i32
      %dma_start3A_15 = tpu.memref_slice %arg7[%scan3A_8, %dma_start3A_14] : memref<25x128xi32, #tpu.memory_space<vmem>> -> memref<1x128xi32, #tpu.memory_space<vmem>>
      %dma_start3A_16 = tpu.memref_squeeze %dma_start3A_15 : memref<1x128xi32, #tpu.memory_space<vmem>> -> memref<128xi32, #tpu.memory_space<vmem>>
      %dma_start3A_17 = arith.constant 0 : i32
      %dma_start3A_18 = arith.constant 0 : i32
      %dma_start3A_19 = tpu.memref_slice %arg2[%dma_start3A_17, %dma_start3A_18] : memref<20000x128xf32, #tpu.memory_space<hbm>> -> memref<20000x128xf32, #tpu.memory_space<hbm>>
      tpu.enqueue_indirect_dma source(%dma_start3A_19 : memref<20000x128xf32, #tpu.memory_space<hbm>>) target(%arg9 : memref<128x128xf32, #tpu.memory_space<vmem>>) offsets(%dma_start3A_16 : memref<128xi32, #tpu.memory_space<vmem>>) semaphore(%arg12 : memref<!tpu.dma_semaphore, #tpu.memory_space<semaphore_mem>>)
      %dma_wait3A = arith.constant 0 : i32
      %dma_wait3A_20 = tpu.memref_slice %arg6[%scan3A_8, %dma_wait3A] : memref<25x128xi32, #tpu.memory_space<vmem>> -> memref<1x128xi32, #tpu.memory_space<vmem>>
      %dma_wait3A_21 = tpu.memref_squeeze %dma_wait3A_20 : memref<1x128xi32, #tpu.memory_space<vmem>> -> memref<128xi32, #tpu.memory_space<vmem>>
      %dma_wait3A_22 = arith.constant 0 : i32
      %dma_wait3A_23 = arith.constant 0 : i32
      %dma_wait3A_24 = tpu.memref_slice %arg2[%dma_wait3A_22, %dma_wait3A_23] : memref<20000x128xf32, #tpu.memory_space<hbm>> -> memref<20000x128xf32, #tpu.memory_space<hbm>>
      tpu.wait_indirect_dma semaphore(%arg11 : memref<!tpu.dma_semaphore, #tpu.memory_space<semaphore_mem>>) src(%dma_wait3A_24 : memref<20000x128xf32, #tpu.memory_space<hbm>>) dst(%arg8 : memref<128x128xf32, #tpu.memory_space<vmem>>)
      %dma_wait3A_25 = arith.constant 0 : i32
      %dma_wait3A_26 = tpu.memref_slice %arg7[%scan3A_8, %dma_wait3A_25] : memref<25x128xi32, #tpu.memory_space<vmem>> -> memref<1x128xi32, #tpu.memory_space<vmem>>
      %dma_wait3A_27 = tpu.memref_squeeze %dma_wait3A_26 : memref<1x128xi32, #tpu.memory_space<vmem>> -> memref<128xi32, #tpu.memory_space<vmem>>
      %dma_wait3A_28 = arith.constant 0 : i32
      %dma_wait3A_29 = arith.constant 0 : i32
      %dma_wait3A_30 = tpu.memref_slice %arg2[%dma_wait3A_28, %dma_wait3A_29] : memref<20000x128xf32, #tpu.memory_space<hbm>> -> memref<20000x128xf32, #tpu.memory_space<hbm>>
      tpu.wait_indirect_dma semaphore(%arg12 : memref<!tpu.dma_semaphore, #tpu.memory_space<semaphore_mem>>) src(%dma_wait3A_30 : memref<20000x128xf32, #tpu.memory_space<hbm>>) dst(%arg9 : memref<128x128xf32, #tpu.memory_space<vmem>>)
      %scan3A_31 = arith.constant 0 : i32
      %scan3A_32 = arith.constant 0 : i32
      %scan3A_33 = arith.constant 128 : i32
      %scan3A_34 = arith.addi %scan3A_32, %scan3A_33 : i32
      %scan3A_35 = arith.constant 1 : i32
      scf.for %scan3A_37 = %scan3A_32 to %scan3A_34 step %scan3A_35  : i32 {
        %get3A = arith.index_cast %scan3A_37 : i32 to index
        %get3A_38 = arith.constant 0 : index
        %get3A_39 = tpu.vector_load %arg8[%get3A, %get3A_38] {strides = array<i32>} : memref<128x128xf32, #tpu.memory_space<vmem>>, vector<1x16xf32>,
        %get3A_40 = vector.shape_cast %get3A_39 : vector<1x16xf32> to vector<16xf32>
        %get3A_41 = arith.index_cast %scan3A_37 : i32 to index
        %get3A_42 = arith.constant 0 : index
        %get3A_43 = tpu.vector_load %arg9[%get3A_41, %get3A_42] {strides = array<i32>} : memref<128x128xf32, #tpu.memory_space<vmem>>, vector<1x16xf32>,
        %get3A_44 = vector.shape_cast %get3A_43 : vector<1x16xf32> to vector<16xf32>
        %mul3A_45 = arith.mulf %get3A_40, %get3A_44 : vector<16xf32>
        %get3A_46 = arith.index_cast %scan3A_37 : i32 to index
        %get3A_47 = arith.constant 16 : index
        %get3A_48 = tpu.vector_load %arg8[%get3A_46, %get3A_47] {strides = array<i32>} : memref<128x128xf32, #tpu.memory_space<vmem>>, vector<1x16xf32>,
        %get3A_49 = vector.shape_cast %get3A_48 : vector<1x16xf32> to vector<16xf32>
        %get3A_50 = arith.index_cast %scan3A_37 : i32 to index
        %get3A_51 = arith.constant 16 : index
        %get3A_52 = tpu.vector_load %arg9[%get3A_50, %get3A_51] {strides = array<i32>} : memref<128x128xf32, #tpu.memory_space<vmem>>, vector<1x16xf32>,
        %get3A_53 = vector.shape_cast %get3A_52 : vector<1x16xf32> to vector<16xf32>
        %mul3A_54 = arith.mulf %get3A_49, %get3A_53 : vector<16xf32>
        %add3A_55 = arith.addf %mul3A_45, %mul3A_54 : vector<16xf32>
        %get3A_56 = arith.index_cast %scan3A_37 : i32 to index
        %get3A_57 = arith.constant 32 : index
        %get3A_58 = tpu.vector_load %arg8[%get3A_56, %get3A_57] {strides = array<i32>} : memref<128x128xf32, #tpu.memory_space<vmem>>, vector<1x16xf32>,
        %get3A_59 = vector.shape_cast %get3A_58 : vector<1x16xf32> to vector<16xf32>
        %get3A_60 = arith.index_cast %scan3A_37 : i32 to index
        %get3A_61 = arith.constant 32 : index
        %get3A_62 = tpu.vector_load %arg9[%get3A_60, %get3A_61] {strides = array<i32>} : memref<128x128xf32, #tpu.memory_space<vmem>>, vector<1x16xf32>,
        %get3A_63 = vector.shape_cast %get3A_62 : vector<1x16xf32> to vector<16xf32>
        %mul3A_64 = arith.mulf %get3A_59, %get3A_63 : vector<16xf32>
        %add3A_65 = arith.addf %add3A_55, %mul3A_64 : vector<16xf32>
        %get3A_66 = arith.index_cast %scan3A_37 : i32 to index
        %get3A_67 = arith.constant 48 : index
        %get3A_68 = tpu.vector_load %arg8[%get3A_66, %get3A_67] {strides = array<i32>} : memref<128x128xf32, #tpu.memory_space<vmem>>, vector<1x16xf32>,
        %get3A_69 = vector.shape_cast %get3A_68 : vector<1x16xf32> to vector<16xf32>
        %get3A_70 = arith.index_cast %scan3A_37 : i32 to index
        %get3A_71 = arith.constant 48 : index
        %get3A_72 = tpu.vector_load %arg9[%get3A_70, %get3A_71] {strides = array<i32>} : memref<128x128xf32, #tpu.memory_space<vmem>>, vector<1x16xf32>,
        %get3A_73 = vector.shape_cast %get3A_72 : vector<1x16xf32> to vector<16xf32>
        %mul3A_74 = arith.mulf %get3A_69, %get3A_73 : vector<16xf32>
        %add3A_75 = arith.addf %add3A_65, %mul3A_74 : vector<16xf32>
        %get3A_76 = arith.index_cast %scan3A_37 : i32 to index
        %get3A_77 = arith.constant 64 : index
        %get3A_78 = tpu.vector_load %arg8[%get3A_76, %get3A_77] {strides = array<i32>} : memref<128x128xf32, #tpu.memory_space<vmem>>, vector<1x16xf32>,
        %get3A_79 = vector.shape_cast %get3A_78 : vector<1x16xf32> to vector<16xf32>
        %get3A_80 = arith.index_cast %scan3A_37 : i32 to index
        %get3A_81 = arith.constant 64 : index
        %get3A_82 = tpu.vector_load %arg9[%get3A_80, %get3A_81] {strides = array<i32>} : memref<128x128xf32, #tpu.memory_space<vmem>>, vector<1x16xf32>,
        %get3A_83 = vector.shape_cast %get3A_82 : vector<1x16xf32> to vector<16xf32>
        %mul3A_84 = arith.mulf %get3A_79, %get3A_83 : vector<16xf32>
        %add3A_85 = arith.addf %add3A_75, %mul3A_84 : vector<16xf32>
        %get3A_86 = arith.index_cast %scan3A_37 : i32 to index
        %get3A_87 = arith.constant 80 : index
        %get3A_88 = tpu.vector_load %arg8[%get3A_86, %get3A_87] {strides = array<i32>} : memref<128x128xf32, #tpu.memory_space<vmem>>, vector<1x16xf32>,
        %get3A_89 = vector.shape_cast %get3A_88 : vector<1x16xf32> to vector<16xf32>
        %get3A_90 = arith.index_cast %scan3A_37 : i32 to index
        %get3A_91 = arith.constant 80 : index
        %get3A_92 = tpu.vector_load %arg9[%get3A_90, %get3A_91] {strides = array<i32>} : memref<128x128xf32, #tpu.memory_space<vmem>>, vector<1x16xf32>,
        %get3A_93 = vector.shape_cast %get3A_92 : vector<1x16xf32> to vector<16xf32>
        %mul3A_94 = arith.mulf %get3A_89, %get3A_93 : vector<16xf32>
        %add3A_95 = arith.addf %add3A_85, %mul3A_94 : vector<16xf32>
        %get3A_96 = arith.index_cast %scan3A_37 : i32 to index
        %get3A_97 = arith.constant 96 : index
        %get3A_98 = tpu.vector_load %arg8[%get3A_96, %get3A_97] {strides = array<i32>} : memref<128x128xf32, #tpu.memory_space<vmem>>, vector<1x16xf32>,
        %get3A_99 = vector.shape_cast %get3A_98 : vector<1x16xf32> to vector<16xf32>
        %get3A_100 = arith.index_cast %scan3A_37 : i32 to index
        %get3A_101 = arith.constant 96 : index
        %get3A_102 = tpu.vector_load %arg9[%get3A_100, %get3A_101] {strides = array<i32>} : memref<128x128xf32, #tpu.memory_space<vmem>>, vector<1x16xf32>,
        %get3A_103 = vector.shape_cast %get3A_102 : vector<1x16xf32> to vector<16xf32>
        %mul3A_104 = arith.mulf %get3A_99, %get3A_103 : vector<16xf32>
        %add3A_105 = arith.addf %add3A_95, %mul3A_104 : vector<16xf32>
        %get3A_106 = arith.index_cast %scan3A_37 : i32 to index
        %get3A_107 = arith.constant 112 : index
        %get3A_108 = tpu.vector_load %arg8[%get3A_106, %get3A_107] {strides = array<i32>} : memref<128x128xf32, #tpu.memory_space<vmem>>, vector<1x16xf32>,
        %get3A_109 = vector.shape_cast %get3A_108 : vector<1x16xf32> to vector<16xf32>
        %get3A_110 = arith.index_cast %scan3A_37 : i32 to index
        %get3A_111 = arith.constant 112 : index
        %get3A_112 = tpu.vector_load %arg9[%get3A_110, %get3A_111] {strides = array<i32>} : memref<128x128xf32, #tpu.memory_space<vmem>>, vector<1x16xf32>,
        %get3A_113 = vector.shape_cast %get3A_112 : vector<1x16xf32> to vector<16xf32>
        %mul3A_114 = arith.mulf %get3A_109, %get3A_113 : vector<16xf32>
        %add3A_115 = arith.addf %add3A_105, %mul3A_114 : vector<16xf32>
        %mul3A_116 = arith.constant 128 : i32
        %mul3A_117 = arith.muli %scan3A_8, %mul3A_116 : i32
        %add3A_118 = arith.addi %mul3A_117, %scan3A_37 : i32
        %swap3A = arith.index_cast %add3A_118 : i32 to index
        %swap3A_119 = arith.constant 0 : index
        %swap3A_120 = tpu.vector_load %arg10[%swap3A, %swap3A_119] {strides = array<i32>} : memref<3200x16xf32, #tpu.memory_space<vmem>>, vector<1x16xf32>,
        %swap3A_121 = vector.shape_cast %swap3A_120 : vector<1x16xf32> to vector<16xf32>
        %swap3A_122 = vector.shape_cast %add3A_115 : vector<16xf32> to vector<1x16xf32>
        tpu.vector_store %arg10[%swap3A, %swap3A_119], %swap3A_122 {strides = array<i32>} : memref<3200x16xf32, #tpu.memory_space<vmem>>, vector<1x16xf32>,
      }
      %scan3A_36 = arith.constant 128 : i32
    }
    %scan3A_5 = arith.constant 25 : i32
    %mul3A_6 = arith.constant 3200 : i32
    %mul3A_7 = arith.muli %add3A, %mul3A_6 : i32
    "tpu.region"() ({
      %run_scoped3A = tpu.sem_alloc : memref<!tpu.dma_semaphore, #tpu.memory_space<semaphore_mem>>
      %dma_start3A = arith.constant 0 : i32
      %dma_start3A_8 = tpu.memref_slice %arg5[%mul3A_7, %dma_start3A] : memref<102400x16xf32, #tpu.memory_space<hbm>> -> memref<3200x16xf32, #tpu.memory_space<hbm>>
      %dma_start3A_9 = arith.constant 0 : i32
      %dma_start3A_10 = tpu.memref_slice %arg5[%mul3A_7, %dma_start3A_9] : memref<102400x16xf32, #tpu.memory_space<hbm>> -> memref<3200x16xf32, #tpu.memory_space<hbm>>
      tpu.enqueue_dma source(%arg10 : memref<3200x16xf32, #tpu.memory_space<vmem>>) target(%dma_start3A_10 : memref<3200x16xf32, #tpu.memory_space<hbm>>) target_semaphore(%run_scoped3A : memref<!tpu.dma_semaphore, #tpu.memory_space<semaphore_mem>>)
      %dma_wait3A = arith.constant 0 : i32
      %dma_wait3A_11 = tpu.memref_slice %arg5[%mul3A_7, %dma_wait3A] : memref<102400x16xf32, #tpu.memory_space<hbm>> -> memref<3200x16xf32, #tpu.memory_space<hbm>>
      %dma_wait3A_12 = arith.constant 0 : i32
      %dma_wait3A_13 = tpu.memref_slice %arg5[%mul3A_7, %dma_wait3A_12] : memref<102400x16xf32, #tpu.memory_space<hbm>> -> memref<3200x16xf32, #tpu.memory_space<hbm>>
      tpu.wait_dma2 semaphore(%run_scoped3A : memref<!tpu.dma_semaphore, #tpu.memory_space<semaphore_mem>>) src(%arg10 : memref<3200x16xf32, #tpu.memory_space<vmem>>) dst(%dma_wait3A_13 : memref<3200x16xf32, #tpu.memory_space<hbm>>)
      tpu.yield
    }) : () -> ()
    return
  }
}

module attributes {stable_mosaic.version = 14 : i64} {
  func.func @body(%arg0: i32, %arg1: memref<1000x128xf32, #tpu.memory_space<vmem>>, %arg2: memref<1000x1xf32, #tpu.memory_space<vmem>>, %arg3: memref<1000x128xf32, #tpu.memory_space<vmem>>, %arg4: memref<128x128xf32, #tpu.memory_space<vmem>>, %arg5: memref<128x128xf32, #tpu.memory_space<vmem>>, %arg6: memref<1x128xf32, #tpu.memory_space<vmem>>, %arg7: memref<1000x128xf32, #tpu.memory_space<vmem>>, %arg8: memref<1000x1xf32, #tpu.memory_space<vmem>>, %arg9: memref<1000x128xf32, #tpu.memory_space<vmem>>, %arg10: memref<128x128xf32, #tpu.memory_space<vmem>>, %arg11: memref<128x128xf32, #tpu.memory_space<vmem>>, %arg12: memref<1x128xf32, #tpu.memory_space<vmem>>, %arg13: memref<1000x128xf32, #tpu.memory_space<vmem>>, %arg14: memref<1000x128xf32, #tpu.memory_space<vmem>>) attributes {dimension_semantics = [#tpu.dimension_semantics<arbitrary>], iteration_bounds = array<i64: 10>, scalar_prefetch = 0 : i64, scratch_operands = 0 : i64, tpu.core_type = #tpu.core_type<tc>, window_params = [{transform_indices = @transform_0, window_bounds = array<i64: 1000, 128>}, {transform_indices = @transform_1, window_bounds = array<i64: 1000, 1>}, {transform_indices = @transform_2, window_bounds = array<i64: 1000, 128>}, {pipeline_mode = #tpu.pipeline_mode<synchronous>, transform_indices = @transform_3, window_bounds = array<i64: 128, 128>}, {pipeline_mode = #tpu.pipeline_mode<synchronous>, transform_indices = @transform_4, window_bounds = array<i64: 128, 128>}, {pipeline_mode = #tpu.pipeline_mode<synchronous>, transform_indices = @transform_5, window_bounds = array<i64: 1, 128>}, {transform_indices = @transform_6, window_bounds = array<i64: 1000, 128>}, {transform_indices = @transform_7, window_bounds = array<i64: 1000, 1>}, {transform_indices = @transform_8, window_bounds = array<i64: 1000, 128>}, {pipeline_mode = #tpu.pipeline_mode<synchronous>, transform_indices = @transform_9, window_bounds = array<i64: 128, 128>}, {pipeline_mode = #tpu.pipeline_mode<synchronous>, transform_indices = @transform_10, window_bounds = array<i64: 128, 128>}, {pipeline_mode = #tpu.pipeline_mode<synchronous>, transform_indices = @transform_11, window_bounds = array<i64: 1, 128>}, {transform_indices = @transform_12, window_bounds = array<i64: 1000, 128>}, {transform_indices = @transform_13, window_bounds = array<i64: 1000, 128>}]} {
    %get3A = arith.constant 0 : index
    %get3A_0 = arith.constant 0 : index
    %get3A_1 = vector.load %arg1[%get3A, %get3A_0] : memref<1000x128xf32, #tpu.memory_space<vmem>>, vector<1000x128xf32>
    %get3A_2 = arith.constant 0 : index
    %get3A_3 = arith.constant 0 : index
    %get3A_4 = vector.load %arg2[%get3A_2, %get3A_3] : memref<1000x1xf32, #tpu.memory_space<vmem>>, vector<1000x1xf32>
    %max3A = arith.constant 1.000000e+00 : f32
    %max3A_5 = vector.broadcast %max3A : f32 to vector<1000x1xf32>
    %max3A_6 = arith.maximumf %get3A_4, %max3A_5 : vector<1000x1xf32>
    %div3A = vector.broadcast %max3A_6 : vector<1000x1xf32> to vector<1000x128xf32>
    %div3A_7 = arith.divf %get3A_1, %div3A : vector<1000x128xf32>
    %get3A_8 = arith.constant 0 : index
    %get3A_9 = arith.constant 0 : index
    %get3A_10 = vector.load %arg4[%get3A_8, %get3A_9] : memref<128x128xf32, #tpu.memory_space<vmem>>, vector<128x128xf32>
    %dot_general3A = arith.constant dense<0.000000e+00> : vector<1000x128xf32>
    %dot_general3A_11 = tpu.matmul %div3A_7, %get3A_10, %dot_general3A {dimension_numbers = #tpu.dot_dimension_numbers<[1], [1], [0], [0], [0, 0, 1, 0], [], []>, transpose_lhs_hint = false} : vector<1000x128xf32>, vector<128x128xf32>, vector<1000x128xf32> -> vector<1000x128xf32>
    %get3A_12 = arith.constant 0 : index
    %get3A_13 = arith.constant 0 : index
    %get3A_14 = vector.load %arg6[%get3A_12, %get3A_13] : memref<1x128xf32, #tpu.memory_space<vmem>>, vector<1x128xf32>
    %add3A = vector.broadcast %get3A_14 : vector<1x128xf32> to vector<1000x128xf32>
    %add3A_15 = arith.addf %dot_general3A_11, %add3A : vector<1000x128xf32>
    %get3A_16 = arith.constant 0 : index
    %get3A_17 = arith.constant 0 : index
    %get3A_18 = vector.load %arg3[%get3A_16, %get3A_17] : memref<1000x128xf32, #tpu.memory_space<vmem>>, vector<1000x128xf32>
    %get3A_19 = arith.constant 0 : index
    %get3A_20 = arith.constant 0 : index
    %get3A_21 = vector.load %arg5[%get3A_19, %get3A_20] : memref<128x128xf32, #tpu.memory_space<vmem>>, vector<128x128xf32>
    %dot_general3A_22 = arith.constant dense<0.000000e+00> : vector<1000x128xf32>
    %dot_general3A_23 = tpu.matmul %get3A_18, %get3A_21, %dot_general3A_22 {dimension_numbers = #tpu.dot_dimension_numbers<[1], [1], [0], [0], [0, 0, 1, 0], [], []>, transpose_lhs_hint = false} : vector<1000x128xf32>, vector<128x128xf32>, vector<1000x128xf32> -> vector<1000x128xf32>
    %add3A_24 = arith.addf %add3A_15, %dot_general3A_23 : vector<1000x128xf32>
    %get3A_25 = arith.constant 0 : index
    %get3A_26 = arith.constant 0 : index
    %get3A_27 = vector.load %arg7[%get3A_25, %get3A_26] : memref<1000x128xf32, #tpu.memory_space<vmem>>, vector<1000x128xf32>
    %get3A_28 = arith.constant 0 : index
    %get3A_29 = arith.constant 0 : index
    %get3A_30 = vector.load %arg8[%get3A_28, %get3A_29] : memref<1000x1xf32, #tpu.memory_space<vmem>>, vector<1000x1xf32>
    %max3A_31 = arith.constant 1.000000e+00 : f32
    %max3A_32 = vector.broadcast %max3A_31 : f32 to vector<1000x1xf32>
    %max3A_33 = arith.maximumf %get3A_30, %max3A_32 : vector<1000x1xf32>
    %div3A_34 = vector.broadcast %max3A_33 : vector<1000x1xf32> to vector<1000x128xf32>
    %div3A_35 = arith.divf %get3A_27, %div3A_34 : vector<1000x128xf32>
    %get3A_36 = arith.constant 0 : index
    %get3A_37 = arith.constant 0 : index
    %get3A_38 = vector.load %arg10[%get3A_36, %get3A_37] : memref<128x128xf32, #tpu.memory_space<vmem>>, vector<128x128xf32>
    %dot_general3A_39 = arith.constant dense<0.000000e+00> : vector<1000x128xf32>
    %dot_general3A_40 = tpu.matmul %div3A_35, %get3A_38, %dot_general3A_39 {dimension_numbers = #tpu.dot_dimension_numbers<[1], [1], [0], [0], [0, 0, 1, 0], [], []>, transpose_lhs_hint = false} : vector<1000x128xf32>, vector<128x128xf32>, vector<1000x128xf32> -> vector<1000x128xf32>
    %get3A_41 = arith.constant 0 : index
    %get3A_42 = arith.constant 0 : index
    %get3A_43 = vector.load %arg12[%get3A_41, %get3A_42] : memref<1x128xf32, #tpu.memory_space<vmem>>, vector<1x128xf32>
    %add3A_44 = vector.broadcast %get3A_43 : vector<1x128xf32> to vector<1000x128xf32>
    %add3A_45 = arith.addf %dot_general3A_40, %add3A_44 : vector<1000x128xf32>
    %get3A_46 = arith.constant 0 : index
    %get3A_47 = arith.constant 0 : index
    %get3A_48 = vector.load %arg9[%get3A_46, %get3A_47] : memref<1000x128xf32, #tpu.memory_space<vmem>>, vector<1000x128xf32>
    %get3A_49 = arith.constant 0 : index
    %get3A_50 = arith.constant 0 : index
    %get3A_51 = vector.load %arg11[%get3A_49, %get3A_50] : memref<128x128xf32, #tpu.memory_space<vmem>>, vector<128x128xf32>
    %dot_general3A_52 = arith.constant dense<0.000000e+00> : vector<1000x128xf32>
    %dot_general3A_53 = tpu.matmul %get3A_48, %get3A_51, %dot_general3A_52 {dimension_numbers = #tpu.dot_dimension_numbers<[1], [1], [0], [0], [0, 0, 1, 0], [], []>, transpose_lhs_hint = false} : vector<1000x128xf32>, vector<128x128xf32>, vector<1000x128xf32> -> vector<1000x128xf32>
    %add3A_54 = arith.addf %add3A_45, %dot_general3A_53 : vector<1000x128xf32>
    %max3A_55 = arith.constant 0.000000e+00 : f32
    %max3A_56 = vector.broadcast %max3A_55 : f32 to vector<1000x128xf32>
    %max3A_57 = arith.maximumf %add3A_24, %max3A_56 : vector<1000x128xf32>
    %max3A_58 = arith.constant 0.000000e+00 : f32
    %max3A_59 = vector.broadcast %max3A_58 : f32 to vector<1000x128xf32>
    %max3A_60 = arith.maximumf %add3A_54, %max3A_59 : vector<1000x128xf32>
    %swap3A = arith.constant 0 : index
    %swap3A_61 = arith.constant 0 : index
    %swap3A_62 = vector.load %arg13[%swap3A, %swap3A_61] : memref<1000x128xf32, #tpu.memory_space<vmem>>, vector<1000x128xf32>
    tpu.vector_store %arg13[%swap3A, %swap3A_61], %max3A_57 {strides = array<i32>} : memref<1000x128xf32, #tpu.memory_space<vmem>>, vector<1000x128xf32>,
    %swap3A_63 = arith.constant 0 : index
    %swap3A_64 = arith.constant 0 : index
    %swap3A_65 = vector.load %arg14[%swap3A_63, %swap3A_64] : memref<1000x128xf32, #tpu.memory_space<vmem>>, vector<1000x128xf32>
    tpu.vector_store %arg14[%swap3A_63, %swap3A_64], %max3A_60 {strides = array<i32>} : memref<1000x128xf32, #tpu.memory_space<vmem>>, vector<1000x128xf32>,
    return
  }
  func.func @transform_0(%arg0: i32) -> (i32, i32) {
    %c0_i32 = arith.constant 0 : i32
    %c0_i32_0 = arith.constant 0 : i32
    return %arg0, %c0_i32 : i32, i32
  }
  func.func @transform_1(%arg0: i32) -> (i32, i32) {
    %c0_i32 = arith.constant 0 : i32
    %c0_i32_0 = arith.constant 0 : i32
    return %arg0, %c0_i32 : i32, i32
  }
  func.func @transform_2(%arg0: i32) -> (i32, i32) {
    %c0_i32 = arith.constant 0 : i32
    %c0_i32_0 = arith.constant 0 : i32
    return %arg0, %c0_i32 : i32, i32
  }
  func.func @transform_3(%arg0: i32) -> (i32, i32) {
    %c0_i32 = arith.constant 0 : i32
    %c0_i32_0 = arith.constant 0 : i32
    %c0_i32_1 = arith.constant 0 : i32
    return %c0_i32, %c0_i32_0 : i32, i32
  }
  func.func @transform_4(%arg0: i32) -> (i32, i32) {
    %c0_i32 = arith.constant 0 : i32
    %c0_i32_0 = arith.constant 0 : i32
    %c0_i32_1 = arith.constant 0 : i32
    return %c0_i32, %c0_i32_0 : i32, i32
  }
  func.func @transform_5(%arg0: i32) -> (i32, i32) {
    %c0_i32 = arith.constant 0 : i32
    %c0_i32_0 = arith.constant 0 : i32
    %c0_i32_1 = arith.constant 0 : i32
    return %c0_i32, %c0_i32_0 : i32, i32
  }
  func.func @transform_6(%arg0: i32) -> (i32, i32) {
    %c0_i32 = arith.constant 0 : i32
    %c0_i32_0 = arith.constant 0 : i32
    return %arg0, %c0_i32 : i32, i32
  }
  func.func @transform_7(%arg0: i32) -> (i32, i32) {
    %c0_i32 = arith.constant 0 : i32
    %c0_i32_0 = arith.constant 0 : i32
    return %arg0, %c0_i32 : i32, i32
  }
  func.func @transform_8(%arg0: i32) -> (i32, i32) {
    %c0_i32 = arith.constant 0 : i32
    %c0_i32_0 = arith.constant 0 : i32
    return %arg0, %c0_i32 : i32, i32
  }
  func.func @transform_9(%arg0: i32) -> (i32, i32) {
    %c0_i32 = arith.constant 0 : i32
    %c0_i32_0 = arith.constant 0 : i32
    %c0_i32_1 = arith.constant 0 : i32
    return %c0_i32, %c0_i32_0 : i32, i32
  }
  func.func @transform_10(%arg0: i32) -> (i32, i32) {
    %c0_i32 = arith.constant 0 : i32
    %c0_i32_0 = arith.constant 0 : i32
    %c0_i32_1 = arith.constant 0 : i32
    return %c0_i32, %c0_i32_0 : i32, i32
  }
  func.func @transform_11(%arg0: i32) -> (i32, i32) {
    %c0_i32 = arith.constant 0 : i32
    %c0_i32_0 = arith.constant 0 : i32
    %c0_i32_1 = arith.constant 0 : i32
    return %c0_i32, %c0_i32_0 : i32, i32
  }
  func.func @transform_12(%arg0: i32) -> (i32, i32) {
    %c0_i32 = arith.constant 0 : i32
    %c0_i32_0 = arith.constant 0 : i32
    return %arg0, %c0_i32 : i32, i32
  }
  func.func @transform_13(%arg0: i32) -> (i32, i32) {
    %c0_i32 = arith.constant 0 : i32
    %c0_i32_0 = arith.constant 0 : i32
    return %arg0, %c0_i32 : i32, i32
  }
}

module attributes {stable_mosaic.version = 14 : i64} {
  func.func @body(%arg0: i32, %arg1: memref<1000x128xf32, #tpu.memory_space<vmem>>, %arg2: memref<1000x1xf32, #tpu.memory_space<vmem>>, %arg3: memref<1000x128xf32, #tpu.memory_space<vmem>>, %arg4: memref<128x128xf32, #tpu.memory_space<vmem>>, %arg5: memref<128x128xf32, #tpu.memory_space<vmem>>, %arg6: memref<1x128xf32, #tpu.memory_space<vmem>>, %arg7: memref<1000x128xf32, #tpu.memory_space<vmem>>, %arg8: memref<1000x1xf32, #tpu.memory_space<vmem>>, %arg9: memref<1000x128xf32, #tpu.memory_space<vmem>>, %arg10: memref<128x128xf32, #tpu.memory_space<vmem>>, %arg11: memref<128x128xf32, #tpu.memory_space<vmem>>, %arg12: memref<1x128xf32, #tpu.memory_space<vmem>>, %arg13: memref<1000x128xf32, #tpu.memory_space<vmem>>, %arg14: memref<1000x128xf32, #tpu.memory_space<vmem>>) attributes {dimension_semantics = [#tpu.dimension_semantics<arbitrary>], iteration_bounds = array<i64: 10>, scalar_prefetch = 0 : i64, scratch_operands = 0 : i64, tpu.core_type = #tpu.core_type<tc>, window_params = [{transform_indices = @transform_0, window_bounds = array<i64: 1000, 128>}, {transform_indices = @transform_1, window_bounds = array<i64: 1000, 1>}, {transform_indices = @transform_2, window_bounds = array<i64: 1000, 128>}, {pipeline_mode = #tpu.pipeline_mode<synchronous>, transform_indices = @transform_3, window_bounds = array<i64: 128, 128>}, {pipeline_mode = #tpu.pipeline_mode<synchronous>, transform_indices = @transform_4, window_bounds = array<i64: 128, 128>}, {pipeline_mode = #tpu.pipeline_mode<synchronous>, transform_indices = @transform_5, window_bounds = array<i64: 1, 128>}, {transform_indices = @transform_6, window_bounds = array<i64: 1000, 128>}, {transform_indices = @transform_7, window_bounds = array<i64: 1000, 1>}, {transform_indices = @transform_8, window_bounds = array<i64: 1000, 128>}, {pipeline_mode = #tpu.pipeline_mode<synchronous>, transform_indices = @transform_9, window_bounds = array<i64: 128, 128>}, {pipeline_mode = #tpu.pipeline_mode<synchronous>, transform_indices = @transform_10, window_bounds = array<i64: 128, 128>}, {pipeline_mode = #tpu.pipeline_mode<synchronous>, transform_indices = @transform_11, window_bounds = array<i64: 1, 128>}, {transform_indices = @transform_12, window_bounds = array<i64: 1000, 128>}, {transform_indices = @transform_13, window_bounds = array<i64: 1000, 128>}]} {
    %get3A = arith.constant 0 : index
    %get3A_0 = arith.constant 0 : index
    %get3A_1 = vector.load %arg1[%get3A, %get3A_0] : memref<1000x128xf32, #tpu.memory_space<vmem>>, vector<1000x128xf32>
    %get3A_2 = arith.constant 0 : index
    %get3A_3 = arith.constant 0 : index
    %get3A_4 = vector.load %arg2[%get3A_2, %get3A_3] : memref<1000x1xf32, #tpu.memory_space<vmem>>, vector<1000x1xf32>
    %max3A = arith.constant 1.000000e+00 : f32
    %max3A_5 = vector.broadcast %max3A : f32 to vector<1000x1xf32>
    %max3A_6 = arith.maximumf %get3A_4, %max3A_5 : vector<1000x1xf32>
    %div3A = vector.broadcast %max3A_6 : vector<1000x1xf32> to vector<1000x128xf32>
    %div3A_7 = arith.divf %get3A_1, %div3A : vector<1000x128xf32>
    %get3A_8 = arith.constant 0 : index
    %get3A_9 = arith.constant 0 : index
    %get3A_10 = vector.load %arg4[%get3A_8, %get3A_9] : memref<128x128xf32, #tpu.memory_space<vmem>>, vector<128x128xf32>
    %dot_general3A = arith.constant dense<0.000000e+00> : vector<1000x128xf32>
    %dot_general3A_11 = tpu.matmul %div3A_7, %get3A_10, %dot_general3A {dimension_numbers = #tpu.dot_dimension_numbers<[1], [1], [0], [0], [0, 0, 1, 0], [], []>, transpose_lhs_hint = false} : vector<1000x128xf32>, vector<128x128xf32>, vector<1000x128xf32> -> vector<1000x128xf32>
    %get3A_12 = arith.constant 0 : index
    %get3A_13 = arith.constant 0 : index
    %get3A_14 = vector.load %arg6[%get3A_12, %get3A_13] : memref<1x128xf32, #tpu.memory_space<vmem>>, vector<1x128xf32>
    %add3A = vector.broadcast %get3A_14 : vector<1x128xf32> to vector<1000x128xf32>
    %add3A_15 = arith.addf %dot_general3A_11, %add3A : vector<1000x128xf32>
    %get3A_16 = arith.constant 0 : index
    %get3A_17 = arith.constant 0 : index
    %get3A_18 = vector.load %arg3[%get3A_16, %get3A_17] : memref<1000x128xf32, #tpu.memory_space<vmem>>, vector<1000x128xf32>
    %get3A_19 = arith.constant 0 : index
    %get3A_20 = arith.constant 0 : index
    %get3A_21 = vector.load %arg5[%get3A_19, %get3A_20] : memref<128x128xf32, #tpu.memory_space<vmem>>, vector<128x128xf32>
    %dot_general3A_22 = arith.constant dense<0.000000e+00> : vector<1000x128xf32>
    %dot_general3A_23 = tpu.matmul %get3A_18, %get3A_21, %dot_general3A_22 {dimension_numbers = #tpu.dot_dimension_numbers<[1], [1], [0], [0], [0, 0, 1, 0], [], []>, transpose_lhs_hint = false} : vector<1000x128xf32>, vector<128x128xf32>, vector<1000x128xf32> -> vector<1000x128xf32>
    %add3A_24 = arith.addf %add3A_15, %dot_general3A_23 : vector<1000x128xf32>
    %get3A_25 = arith.constant 0 : index
    %get3A_26 = arith.constant 0 : index
    %get3A_27 = vector.load %arg7[%get3A_25, %get3A_26] : memref<1000x128xf32, #tpu.memory_space<vmem>>, vector<1000x128xf32>
    %get3A_28 = arith.constant 0 : index
    %get3A_29 = arith.constant 0 : index
    %get3A_30 = vector.load %arg8[%get3A_28, %get3A_29] : memref<1000x1xf32, #tpu.memory_space<vmem>>, vector<1000x1xf32>
    %max3A_31 = arith.constant 1.000000e+00 : f32
    %max3A_32 = vector.broadcast %max3A_31 : f32 to vector<1000x1xf32>
    %max3A_33 = arith.maximumf %get3A_30, %max3A_32 : vector<1000x1xf32>
    %div3A_34 = vector.broadcast %max3A_33 : vector<1000x1xf32> to vector<1000x128xf32>
    %div3A_35 = arith.divf %get3A_27, %div3A_34 : vector<1000x128xf32>
    %get3A_36 = arith.constant 0 : index
    %get3A_37 = arith.constant 0 : index
    %get3A_38 = vector.load %arg10[%get3A_36, %get3A_37] : memref<128x128xf32, #tpu.memory_space<vmem>>, vector<128x128xf32>
    %dot_general3A_39 = arith.constant dense<0.000000e+00> : vector<1000x128xf32>
    %dot_general3A_40 = tpu.matmul %div3A_35, %get3A_38, %dot_general3A_39 {dimension_numbers = #tpu.dot_dimension_numbers<[1], [1], [0], [0], [0, 0, 1, 0], [], []>, transpose_lhs_hint = false} : vector<1000x128xf32>, vector<128x128xf32>, vector<1000x128xf32> -> vector<1000x128xf32>
    %get3A_41 = arith.constant 0 : index
    %get3A_42 = arith.constant 0 : index
    %get3A_43 = vector.load %arg12[%get3A_41, %get3A_42] : memref<1x128xf32, #tpu.memory_space<vmem>>, vector<1x128xf32>
    %add3A_44 = vector.broadcast %get3A_43 : vector<1x128xf32> to vector<1000x128xf32>
    %add3A_45 = arith.addf %dot_general3A_40, %add3A_44 : vector<1000x128xf32>
    %get3A_46 = arith.constant 0 : index
    %get3A_47 = arith.constant 0 : index
    %get3A_48 = vector.load %arg9[%get3A_46, %get3A_47] : memref<1000x128xf32, #tpu.memory_space<vmem>>, vector<1000x128xf32>
    %get3A_49 = arith.constant 0 : index
    %get3A_50 = arith.constant 0 : index
    %get3A_51 = vector.load %arg11[%get3A_49, %get3A_50] : memref<128x128xf32, #tpu.memory_space<vmem>>, vector<128x128xf32>
    %dot_general3A_52 = arith.constant dense<0.000000e+00> : vector<1000x128xf32>
    %dot_general3A_53 = tpu.matmul %get3A_48, %get3A_51, %dot_general3A_52 {dimension_numbers = #tpu.dot_dimension_numbers<[1], [1], [0], [0], [0, 0, 1, 0], [], []>, transpose_lhs_hint = false} : vector<1000x128xf32>, vector<128x128xf32>, vector<1000x128xf32> -> vector<1000x128xf32>
    %add3A_54 = arith.addf %add3A_45, %dot_general3A_53 : vector<1000x128xf32>
    %swap3A = arith.constant 0 : index
    %swap3A_55 = arith.constant 0 : index
    %swap3A_56 = vector.load %arg13[%swap3A, %swap3A_55] : memref<1000x128xf32, #tpu.memory_space<vmem>>, vector<1000x128xf32>
    tpu.vector_store %arg13[%swap3A, %swap3A_55], %add3A_24 {strides = array<i32>} : memref<1000x128xf32, #tpu.memory_space<vmem>>, vector<1000x128xf32>,
    %swap3A_57 = arith.constant 0 : index
    %swap3A_58 = arith.constant 0 : index
    %swap3A_59 = vector.load %arg14[%swap3A_57, %swap3A_58] : memref<1000x128xf32, #tpu.memory_space<vmem>>, vector<1000x128xf32>
    tpu.vector_store %arg14[%swap3A_57, %swap3A_58], %add3A_54 {strides = array<i32>} : memref<1000x128xf32, #tpu.memory_space<vmem>>, vector<1000x128xf32>,
    return
  }
  func.func @transform_0(%arg0: i32) -> (i32, i32) {
    %c0_i32 = arith.constant 0 : i32
    %c0_i32_0 = arith.constant 0 : i32
    return %arg0, %c0_i32 : i32, i32
  }
  func.func @transform_1(%arg0: i32) -> (i32, i32) {
    %c0_i32 = arith.constant 0 : i32
    %c0_i32_0 = arith.constant 0 : i32
    return %arg0, %c0_i32 : i32, i32
  }
  func.func @transform_2(%arg0: i32) -> (i32, i32) {
    %c0_i32 = arith.constant 0 : i32
    %c0_i32_0 = arith.constant 0 : i32
    return %arg0, %c0_i32 : i32, i32
  }
  func.func @transform_3(%arg0: i32) -> (i32, i32) {
    %c0_i32 = arith.constant 0 : i32
    %c0_i32_0 = arith.constant 0 : i32
    %c0_i32_1 = arith.constant 0 : i32
    return %c0_i32, %c0_i32_0 : i32, i32
  }
  func.func @transform_4(%arg0: i32) -> (i32, i32) {
    %c0_i32 = arith.constant 0 : i32
    %c0_i32_0 = arith.constant 0 : i32
    %c0_i32_1 = arith.constant 0 : i32
    return %c0_i32, %c0_i32_0 : i32, i32
  }
  func.func @transform_5(%arg0: i32) -> (i32, i32) {
    %c0_i32 = arith.constant 0 : i32
    %c0_i32_0 = arith.constant 0 : i32
    %c0_i32_1 = arith.constant 0 : i32
    return %c0_i32, %c0_i32_0 : i32, i32
  }
  func.func @transform_6(%arg0: i32) -> (i32, i32) {
    %c0_i32 = arith.constant 0 : i32
    %c0_i32_0 = arith.constant 0 : i32
    return %arg0, %c0_i32 : i32, i32
  }
  func.func @transform_7(%arg0: i32) -> (i32, i32) {
    %c0_i32 = arith.constant 0 : i32
    %c0_i32_0 = arith.constant 0 : i32
    return %arg0, %c0_i32 : i32, i32
  }
  func.func @transform_8(%arg0: i32) -> (i32, i32) {
    %c0_i32 = arith.constant 0 : i32
    %c0_i32_0 = arith.constant 0 : i32
    return %arg0, %c0_i32 : i32, i32
  }
  func.func @transform_9(%arg0: i32) -> (i32, i32) {
    %c0_i32 = arith.constant 0 : i32
    %c0_i32_0 = arith.constant 0 : i32
    %c0_i32_1 = arith.constant 0 : i32
    return %c0_i32, %c0_i32_0 : i32, i32
  }
  func.func @transform_10(%arg0: i32) -> (i32, i32) {
    %c0_i32 = arith.constant 0 : i32
    %c0_i32_0 = arith.constant 0 : i32
    %c0_i32_1 = arith.constant 0 : i32
    return %c0_i32, %c0_i32_0 : i32, i32
  }
  func.func @transform_11(%arg0: i32) -> (i32, i32) {
    %c0_i32 = arith.constant 0 : i32
    %c0_i32_0 = arith.constant 0 : i32
    %c0_i32_1 = arith.constant 0 : i32
    return %c0_i32, %c0_i32_0 : i32, i32
  }
  func.func @transform_12(%arg0: i32) -> (i32, i32) {
    %c0_i32 = arith.constant 0 : i32
    %c0_i32_0 = arith.constant 0 : i32
    return %arg0, %c0_i32 : i32, i32
  }
  func.func @transform_13(%arg0: i32) -> (i32, i32) {
    %c0_i32 = arith.constant 0 : i32
    %c0_i32_0 = arith.constant 0 : i32
    return %arg0, %c0_i32 : i32, i32
  }
}

module attributes {stable_mosaic.version = 14 : i64} {
  func.func @_reduce_body(%arg0: i32, %arg1: memref<12800x16xf32, #tpu.memory_space<vmem>>, %arg2: memref<12800x1xf32, #tpu.memory_space<vmem>>) attributes {dimension_semantics = [#tpu.dimension_semantics<arbitrary>], iteration_bounds = array<i64: 8>, scalar_prefetch = 0 : i64, scratch_operands = 0 : i64, tpu.core_type = #tpu.core_type<tc>, window_params = [{transform_indices = @transform_0, window_bounds = array<i64: 12800, 16>}, {transform_indices = @transform_1, window_bounds = array<i64: 12800, 1>}]} {
    %get3A = arith.constant 0 : index
    %get3A_0 = arith.constant 0 : index
    %get3A_1 = vector.load %arg1[%get3A, %get3A_0] : memref<12800x16xf32, #tpu.memory_space<vmem>>, vector<12800x16xf32>
    %reduce_sum3A = arith.constant dense<0.000000e+00> : vector<12800xf32>
    %reduce_sum3A_2 = vector.multi_reduction <add>, %get3A_1, %reduce_sum3A [1] : vector<12800x16xf32> to vector<12800xf32>
    %broadcast_in_dim3A = vector.shape_cast %reduce_sum3A_2 : vector<12800xf32> to vector<12800x1xf32>
    %swap3A = arith.constant 0 : index
    %swap3A_3 = arith.constant 0 : index
    %swap3A_4 = vector.load %arg2[%swap3A, %swap3A_3] : memref<12800x1xf32, #tpu.memory_space<vmem>>, vector<12800x1xf32>
    tpu.vector_store %arg2[%swap3A, %swap3A_3], %broadcast_in_dim3A {strides = array<i32>} : memref<12800x1xf32, #tpu.memory_space<vmem>>, vector<12800x1xf32>,
    return
  }
  func.func @transform_0(%arg0: i32) -> (i32, i32) {
    %c0_i32 = arith.constant 0 : i32
    %c0_i32_0 = arith.constant 0 : i32
    return %arg0, %c0_i32 : i32, i32
  }
  func.func @transform_1(%arg0: i32) -> (i32, i32) {
    %c0_i32 = arith.constant 0 : i32
    %c0_i32_0 = arith.constant 0 : i32
    return %arg0, %c0_i32 : i32, i32
  }
}

</mosaic_0001>

<sc_bundles>
// kernel: kernel.11.cloned.1.call-start
scs
__scs_entry_jumppad:
0x0: {  	(pc) =	sbr.rel $0x88, $3  }
0x1: {  	(tag) =	ssettag $0x0;
	lr =	simm.s32 $0x1  }
0x2: {  	[smem:$0x3F90] =	sst lr;
	_ =	strace $0xD0000000  }
0x3: {  	_ = 	snop  }
0x4: {  	_ = 	snop  }
0x5: {  	_ = 	snop  }
0x6: {  	_ = 	snop  }
0x7: {  	_ = 	snop  }
__scs_overlays_trampoline_lowered:
0x8: {  	[smem:$0x3F9F] =	sst s0  }
0x9: {  	[smem:$0x3FA0] =	sst s1  }
0xa: {  	[smem:$0x3FA1] =	sst s2  }
0xb: {  	[smem:$0x3FA2] =	sst s3  }
0xc: {  	[smem:$0x3FA3] =	sst s4  }
0xd: {  	[smem:$0x3FA4] =	sst s5  }
0xe: {  	[smem:$0x3FA5] =	sst s6  }
0xf: {  	[smem:$0x3FA6] =	sst s7  }
0x10: {  	[smem:$0x3FA7] =	sst s8  }
0x11: {  	[smem:$0x3FA8] =	sst s9;
	s0 =	simm.s32 @!p0 $0x0  }
0x12: {  	s1 =	sld [smem:$0x3F8E];
	s0 =	simm.s32 @p0 $0x1  }
0x13: {  	[smem:$0x3FA9] =	sst s0;
	s0 =	simm.s32 @!p1 $0x0  }
0x14: {  	s2 =	sld [smem:$0x3F8D];
	s0 =	simm.s32 @p1 $0x1  }
0x15: {  	[smem:$0x3FAA] =	sst s0;
	s0 =	simm.s32 @!p2 $0x0  }
0x16: {  	s3 =	sld [smem:$0x3FDB];
	s0 =	simm.s32 @p2 $0x1  }
0x17: {  	s4 =	simm.s32 $0x1BF5;
	[smem:$0x3FAC] =	sst s0  }
0x18: {  	s0 =	sld [smem:$0x3F8F];
	_ =	swait.ge [sflag:s4], $0x0  }
0x19: {  	s7 =	sld [smem:$0x3F90]  }
0x1a: {  	s8 =	sadd.s32 $0xFFFFE003, lr  }
0x1b: {  	s9 =	sadd.s32 $0xFFFFFEF7, lr;
	s5 =	simm.s32 $0xFFFFFFFF;
	p2 =	slt.u32 s8, $0xFFFFF086  }
0x1c: {  	p1 =	slt.u32 s9, $0xF7A;
	s5 =	simm.s32 @!p2 $0x0  }
0x1d: {  	s5 =	simm.s32 @p1 $0x1;
	p0 =	seq.s32 s7, s2  }
0x1e: {  	s7 =	smul.u32 @!p0 $0xF7A, s2;
	p2 =	seq.s32 @!p0 s5, $0x0  }
0x1f: {  	s9 =	smul.u32 $0xF7A, s1;
	s8 =	simm.s32 @!p0 $0x1BF5;
	p2 =	por !p2, p0  }
0x20: {  	[sflag:s8] =	ssyncset.s32 @!p0 $0xFFFFF086;
	s6 =	sadd.s32 @!p0 s3, s7;
	s7 =	simm.s32 @!p0 $0x108  }
0x21: {  	s3 =	sadd.s32 s3, s9;
	s6 =	sadd.s32 @!p0 $0x88, s6;
	s7 =	simm.s32 @p2 $0x1082  }
0x22: {  	[simem:s7], [sflag:s8] =	dma.local @!p0 [hbm:s6], $0xF7A  }
0x23: {  	s9 =	sor.u32 $0xD0000000, s2;
	s6 =	simm.s32 $0x108;
	_ =	swait.ge @!p0 [sflag:s8], $0x0  }
0x24: {  	s3 =	sadd.s32 $0x88, s3;
	s6 =	simm.s32 @!p1 $0x1082;
	[sflag:s4] =	ssyncset.s32 $0xFFFFF086  }
0x25: {  	[simem:s6], [sflag:s4] =	dma.local [hbm:s3], $0xF7A  }
0x26: {  	[smem:$0x3F90] =	sst s1;
	(tag) =	ssettag s2;
	_ =	strace s9  }
0x27: {  	s1 =	sld [smem:$0x3FA0]  }
0x28: {  	s2 =	sld [smem:$0x3FA1]  }
0x29: {  	s4 =	sld [smem:$0x3FA3]  }
0x2a: {  	p0 =	seq.s32 s5, $0x0;
	s5 =	sld [smem:$0x3FA4]  }
0x2b: {  	s6 =	sld [smem:$0x3FA5]  }
0x2c: {  	s7 =	sld [smem:$0x3FA6]  }
0x2d: {  	s3 =	simm.s32 $0x108;
	s8 =	sld [smem:$0x3FA7]  }
0x2e: {  	s3 =	simm.s32 @!p0 $0x1082;
	s9 =	sld [smem:$0x3FA8]  }
0x2f: {  	lr =	sadd.s32 s0, s3;
	s0 =	sld [smem:$0x3F9F]  }
0x30: {  	s3 =	sld [smem:$0x3FA2]  }
0x31: {  	[smem:$0x3FAB] =	sst s10  }
0x32: {  	s10 =	sld [smem:$0x3FA9];
	_ =	sdelay $0x3  }
0x33: {  	p0 =	seq.s32 s10, $0x1;
	s10 =	sld [smem:$0x3FAB];
	_ =	sdelay $0x3  }
0x34: {  	[smem:$0x3FAB] =	sst s10  }
0x35: {  	s10 =	sld [smem:$0x3FAA];
	_ =	sdelay $0x3  }
0x36: {  	p1 =	seq.s32 s10, $0x1;
	s10 =	sld [smem:$0x3FAB];
	_ =	sdelay $0x3  }
0x37: {  	[smem:$0x3FAB] =	sst s10  }
0x38: {  	s10 =	sld [smem:$0x3FAC]  }
0x39: {  	_ = 	snop;
	(pc) =	sbr.ind lr, $3  }
0x3a: {  	_ = 	snop  }
0x3b: {  	_ = 	snop  }
0x3c: {  	p2 =	seq.s32 s10, $0x1;
	s10 =	sld [smem:$0x3FAB]  }
0x3d: {  	_ =	shalt  }
0x3e: {  	_ =	shalt  }
0x3f: {  	_ =	shalt  }
0x40: {  	_ =	shalt  }
0x41: {  	_ =	shalt  }
0x42: {  	_ =	shalt  }
0x43: {  	_ =	shalt  }
0x44: {  	_ =	shalt  }
0x45: {  	_ =	shalt  }
0x46: {  	_ =	shalt  }
0x47: {  	_ =	shalt  }
0x48: {  	_ =	shalt  }
0x49: {  	_ =	shalt  }
0x4a: {  	_ =	shalt  }
0x4b: {  	_ =	shalt  }
0x4c: {  	_ =	shalt  }
0x4d: {  	_ =	shalt  }
0x4e: {  	_ =	shalt  }
0x4f: {  	_ =	shalt  }
0x50: {  	_ =	shalt  }
0x51: {  	_ =	shalt  }
0x52: {  	_ =	shalt  }
0x53: {  	_ =	shalt  }
0x54: {  	_ =	shalt  }
0x55: {  	_ =	shalt  }
0x56: {  	_ =	shalt  }
0x57: {  	_ =	shalt  }
0x58: {  	_ =	shalt  }
0x59: {  	_ =	shalt  }
0x5a: {  	_ =	shalt  }
0x5b: {  	_ =	shalt  }
0x5c: {  	_ =	shalt  }
0x5d: {  	_ =	shalt  }
0x5e: {  	_ =	shalt  }
0x5f: {  	_ =	shalt  }
0x60: {  	_ =	shalt  }
0x61: {  	_ =	shalt  }
0x62: {  	_ =	shalt  }
0x63: {  	_ =	shalt  }
0x64: {  	_ =	shalt  }
0x65: {  	_ =	shalt  }
0x66: {  	_ =	shalt  }
0x67: {  	_ =	shalt  }
0x68: {  	_ =	shalt  }
0x69: {  	_ =	shalt  }
0x6a: {  	_ =	shalt  }
0x6b: {  	_ =	shalt  }
0x6c: {  	_ =	shalt  }
0x6d: {  	_ =	shalt  }
0x6e: {  	_ =	shalt  }
0x6f: {  	_ =	shalt  }
0x70: {  	_ =	shalt  }
0x71: {  	_ =	shalt  }
0x72: {  	_ =	shalt  }
0x73: {  	_ =	shalt  }
0x74: {  	_ =	shalt  }
0x75: {  	_ =	shalt  }
0x76: {  	_ =	shalt  }
0x77: {  	_ =	shalt  }
0x78: {  	_ =	shalt  }
0x79: {  	_ =	shalt  }
0x7a: {  	_ =	shalt  }
0x7b: {  	_ =	shalt  }
0x7c: {  	_ =	shalt  }
0x7d: {  	_ =	shalt  }
0x7e: {  	_ =	shalt  }
0x7f: {  	_ =	shalt  }
0x80: {  	_ =	shalt  }
0x81: {  	_ =	shalt  }
0x82: {  	_ =	shalt  }
0x83: {  	_ =	shalt  }
0x84: {  	_ =	shalt  }
0x85: {  	_ =	shalt  }
0x86: {  	_ =	shalt  }
0x87: {  	_ =	shalt  }
.Lfunc_end0:
.L_simem_size_0:
called_computation.1_lowered:
.L_overlay_start_0:
0x88: {  	s2 =	sld [smem:$0x3FD9]  }
0x89: {  	s3 =	sld [smem:$0x3FFE];
	_ =	sdelay $0x1  }
0x8a: {  	s1 =	srdreg.scid  }
0x8b: {  	s0 =	sand.u32 $0x1, s1  }
0x8c: {  	s16 =	sshll.u32 s0, $0xA;
	s2 =	sadd.s32 s3, s2  }
0x8d: {  	s2 =	sadd.s32 s2, s16  }
0x8e: {  	[smem:$0x3FB7] =	sst s2  }
0x8f: {  	_ = 	snop  }
0x90: {  	(tm) =	ssettm $0x1  }
0x91: {  	s17 =	sld [smem:$0x3FFB];
	_ =	sdelay $0x3  }
0x92: {  	_ =	strace s17  }
0x93: {  	s2 =	sld [smem:$0x3FFC];
	_ =	sdelay $0x3  }
0x94: {  	_ =	strace s2  }
0x95: {  	s2 =	sld [smem:$0x3FFD];
	_ =	sdelay $0x3  }
0x96: {  	_ =	strace s2  }
0x97: {  	_ =	strace $0x8FFFFFFF  }
0x98: {  	s18 =	sld [smem:$0x3FDB];
	_ =	sdelay $0x1  }
0x99: {  	s19 =	simm.s32 $_scs_section_size  }
0x9a: {  	s4 =	simm.s32 $_size__tile_overlayer_lowered;
	s5 =	simm.s32 $_tile_overlayer_lowered  }
0x9b: {  	s22 =	simm.s32 $0x1BFF;
	s21 =	sshll.u32 s5, $0x1;
	s2 =	sadd.s32 s19, s18  }
0x9c: {  	s6 =	simm.s32 $0x0;
	s20 =	sshll.u32 s4, $0x1;
	s4 =	sadd.s32 s21, s2  }
0x9d: {  	[timem:s6], [sflag:s22] =	dma.local [hbm:s4], s20  }
0x9e: {  	_ =	swait.ge [sflag:s22], s20  }
0x9f: {  	s3 =	ssub.s32 $0x0, s20;
	[sflag:s22] =	ssyncset.done $0x0  }
0xa0: {  	[sflag:s22] =	ssyncadd.s32 s3;
	_ =	sdelay $0x1  }
0xa1: {  	s23 =	simm.s32 $0x1B8B  }
0xa2: {  	_ =	swait.ge [sflag:s23], $0x1  }
0xa3: {  	[sflag:s23] =	ssyncset.done $0x0  }
0xa4: {  	s25 =	simm.s32 $0x1B8E;
	s24 =	sld [smem:$0x3FFE];
	[sflag:s23] =	ssyncadd.s32 $0xFFFFFFFF  }
0xa5: {  	s26 =	simm.s32 $execute0_lowered;
	[smem:$0x3FD2] =	sst s25  }
0xa6: {  	s4 =	sshll.u32 s26, $0x1;
	_ =	strace $0x80000049;
	[dreg:$0x1] =	wrdreg $0xFFFFFFFF  }
0xa7: {  	s28 =	simm.s32 $_size_execute0_lowered;
	s2 =	sadd.s32 s2, s4;
	[dreg:$0x0] =	wrdreg $0x0  }
0xa8: {  	s4 =	sshll.u32 s28, $0x1;
	[dreg:$0x2] =	wrdreg s2  }
0xa9: {  	[dreg:$0x3] =	wrdreg s4  }
0xaa: {  	[dreg:$0x4] =	wrdreg $0xC0  }
0xab: {  	_ =	task [dreg:s6], $0x5FFFF  }
0xac: {  	[dreg:$0x1] =	wrdreg $0xFFFFFFFF  }
0xad: {  	[dreg:$0x0] =	wrdreg $0x60  }
0xae: {  	[dreg:$0x2] =	wrdreg s24  }
0xaf: {  	[dreg:$0x3] =	wrdreg $0x120000  }
0xb0: {  	[dreg:$0x4] =	wrdreg $0x9  }
0xb1: {  	_ =	task.clear_ibuf [dreg:s6], $0x5FFFF;
	_ =	strace $0x90000049  }
0xb2: {  	s29 =	simm.s32 $0x9;
	_ =	strace $0x8000004B  }
0xb3: {  	_ =	swait.ge [sflag:s29], $0x1  }
0xb4: {  	[sflag:s29] =	ssyncadd.s32 $0xFFFFFFFF  }
0xb5: {  	_ =	strace $0x9000004B  }
0xb6: {  	_ =	sfence  }
0xb7: {  	s30 =	sld [smem:$0x0];
	_ =	sdelay $0x2  }
0xb8: {  	s31 =	sshll.u32 s1, $0xD;
	s1 =	sshrl.u32 s1, $0x2  }
0xb9: {  	s3 =	sand.u32 $0x4000, s31;
	s1 =	sadd.s32 s1, s30  }
0xba: {  	s0 =	sor.u32 s3, s0;
	s1 =	sshll.u32 s1, $0x11  }
0xbb: {  	s0 =	sor.u32 s1, s0  }
0xbc: {  	s0 =	sadd.s32 $0x8F2B, s0  }
0xbd: {  	[sflag:s0] =	ssyncadd.remote.s32 $0x1  }
0xbe: {  	_ =	sfence.sel $0xFFFF  }
0xbf: {  	[dreg:$0x0] =	wrdreg $0xFFFFFFFF;
	(pc) =	sbr.abs _section_cstart, $3  }
0xc0: {  	[dreg:$0x1] =	wrdreg $0xFFFFFFFF  }
0xc1: {  	_ =	task.clear_ibuf [dreg:s6], $0x2FFFF;
	_ =	strace $0x9FFFFFFF  }
0xc2: {  	(tm) =	ssettm $0x7FFFFFFF  }
0xc3: {  	_ =	shalt  }
tec
execute0_lowered:
.L_overlay_start_1:
0x0: {  	(tag) =	ssettag $0x1  }
0x1: {  	s0 =	srdreg.scid;
	s1 =	rddreg [dreg:$0x0]  }
0x2: {  	s14 =	stileid.u32;
	s2 =	rddreg [dreg:$0x1];
	s3 =	simm.s32 $0x0  }
0x3: {  	s12 =	simm.s32 $0x5;
	s16 =	simm.s32 $0x80;
	s17 =	simm.s32 $0xA000  }
0x4: {  	s18 =	simm.s32 $0xC000;
	s19 =	simm.s32 $0x100;
	s20 =	simm.s32 $0xE000  }
0x5: {  	s21 =	simm.s32 $0x180;
	s28 =	simm.s32 $0x9E00;
	s29 =	simm.s32 $0x9E80  }
0x6: {  	s30 =	simm.s32 $0x9F00;
	s31 =	simm.s32 $0x9F80;
	s5 =	smul.u32 $0x5000, s14  }
0x7: {  	s0 =	sand.u32 $0x1, s0;
	[smem:$0x7FF] =	sst s3;
	s8 =	smul.u32 $0x9E00, s14  }
0x8: {  	s26 =	sshll.u32 s14, $0x6;
	s4 =	smul.u32 $0x50000, s0;
	_ =	strace $0x8000004A  }
0x9: {  	s7 =	smul.u32 $0x9E000, s0;
	s0 =	ssub.s32 $0x2, s0;
	s14 =	sor.u32 $0x1C05, s26  }
0xa: {  	s26 =	simm.s32 $0x4;
	s22 =	sshrl.u32 s8, $0x3;
	s24 =	sshrl.u32 s0, $0x1  }
0xb: {  	s13 =	sadd.s32 s8, s2;
	s4 =	sadd.s32 s5, s4;
	s5 =	sadd.s32 $0x107800, s1  }
0xc: {  	s7 =	sadd.s32 s8, s7;
	s10 =	sadd.s32 s22, s1;
	s0 =	ssub.s32 s0, s24  }
0xd: {  	s15 =	sshrl.u32 s13, $0x3;
	s22 =	simm.s32 $0x10000;
	s24 =	simm.s32 $0x2  }
0xe: {  	s6 =	sshrl.u32 s4, $0x3;
	s4 =	sadd.s32 $0xB9600, s1;
	s23 =	sshrl.u32 s7, $0x3  }
0xf: {  	s8 =	sadd.s32 $0x7E800, s10;
	s11 =	smax.u32 s0, $0x1;
	s9 =	sadd.s32 s6, s1  }
0x10: {  	s1 =	sadd.s32 s23, s1;
	s25 =	sadd.s32 $0x3400, s9;
	s7 =	sadd.s32 $0x65800, s9  }
0x11: {  	s23 =	simm.s32 $0x1;
	s9 =	sadd.s32 $0x12EA00, s1;
	s10 =	sadd.s32 $0x156200, s1  }
0x12: {  	s1 =	simm.s32 $0x0;
	[dreg:$0x3] =	wrdreg s25;
	s25 =	simm.s32 $0x3  }
.LBB2_1:
0x13: {  	s0 =	rddreg [dreg:$0x3]  }
0x14: {  	[tilespmem:s3], [sflag:$0x5] =	stream.linear.gather [hbm4b:s0+s3], $0x5000, $0x38;
	[tilespmem:$0x1BE00] =	vst v63  }
0x15: {  	_ =	swait.ge [sflag:s12], $0x5000  }
0x16: {  	[sflag:s12] =	ssyncset.done $0x0  }
0x17: {  	s6 =	simm.s32 $0x5000;
	[sflag:s12] =	ssyncadd.s32 $0xFFFFB000  }
0x18: {  	[tilespmem:s6], [sflag:$0x5] =	stream.linear.gather [hbm4b:s7+s3], $0x5000, $0x38;
	[tilespmem:$0x1BE00] =	vst v63  }
0x19: {  	_ =	swait.ge [sflag:s12], $0x5000  }
0x1a: {  	[sflag:s12] =	ssyncset.done $0x0  }
0x1b: {  	[sflag:s12] =	ssyncadd.s32 $0xFFFFB000  }
0x1c: {  	[spmem:s15], [sflag:s14] =	dma.local [hbm:s8], $0x13C0  }
0x1d: {  	_ =	swait.ge [sflag:s12], $0x13C0  }
0x1e: {  	[sflag:s12] =	ssyncset.done $0x0  }
0x1f: {  	[sflag:s12] =	ssyncadd.s32 $0xFFFFEC40  }
0x20: {  	[bflag:$0x0] =	sbarrier.arrive $0xFFFF  }
0x21: {  	[tilespmem:s17], [sflag:$0x1] =	stream.indirect.gather [hbm4b:s4+s16], $0x40, s3, s16, $0xb8;
	[tilespmem:$0x1BE00] =	vst v63  }
0x22: {  	_ = 	snop  }
0x23: {  	[tilespmem:s18], [sflag:$0x2] =	stream.indirect.gather [hbm4b:s4+s16], $0x40, s16, s16, $0xb8;
	[tilespmem:$0x1BE00] =	vst v63  }
0x24: {  	_ = 	snop  }
0x25: {  	[tilespmem:s20], [sflag:$0x3] =	stream.indirect.gather [hbm4b:s4+s16], $0x40, s19, s16, $0xb8;
	[tilespmem:$0x1BE00] =	vst v63  }
0x26: {  	_ = 	snop  }
0x27: {  	[tilespmem:s22], [sflag:$0x4] =	stream.indirect.gather [hbm4b:s4+s16], $0x40, s21, s16, $0xb8;
	[tilespmem:$0x1BE00] =	vst v63  }
0x28: {  	_ =	swait.ge [sflag:s23], $0x2000  }
0x29: {  	[sflag:s23] =	ssyncset.done $0x0  }
0x2a: {  	s13 =	simm.s32 $0x5000;
	[sflag:s23] =	ssyncadd.s32 $0xFFFFE000  }
0x2b: {  	[spmem:s2] =	stream.indirect.scatter.add.f32 [tilespmem:s17], [sflag:$0x5], $0x40, s13, s16, $0xb8;
	[tilespmem:$0x1BE00] =	vst v63  }
0x2c: {  	_ =	swait.ge [sflag:s12], $0x2000  }
0x2d: {  	[sflag:s12] =	ssyncset.done $0x0  }
0x2e: {  	s6 =	simm.s32 $0x200;
	[sflag:s12] =	ssyncadd.s32 $0xFFFFE000  }
0x2f: {  	[tilespmem:s17], [sflag:$0x1] =	stream.indirect.gather [hbm4b:s4+s16], $0x40, s6, s16, $0xb8;
	[tilespmem:$0x1BE00] =	vst v63  }
0x30: {  	_ =	swait.ge [sflag:s24], $0x2000  }
0x31: {  	[sflag:s24] =	ssyncset.done $0x0  }
0x32: {  	s13 =	simm.s32 $0x5080;
	[sflag:s24] =	ssyncadd.s32 $0xFFFFE000  }
0x33: {  	[spmem:s2] =	stream.indirect.scatter.add.f32 [tilespmem:s18], [sflag:$0x5], $0x40, s13, s16, $0xb8;
	[tilespmem:$0x1BE00] =	vst v63  }
0x34: {  	_ =	swait.ge [sflag:s12], $0x2000  }
0x35: {  	[sflag:s12] =	ssyncset.done $0x0  }
0x36: {  	s6 =	simm.s32 $0x280;
	[sflag:s12] =	ssyncadd.s32 $0xFFFFE000  }
0x37: {  	[tilespmem:s18], [sflag:$0x2] =	stream.indirect.gather [hbm4b:s4+s16], $0x40, s6, s16, $0xb8;
	[tilespmem:$0x1BE00] =	vst v63  }
0x38: {  	_ =	swait.ge [sflag:s25], $0x2000  }
0x39: {  	[sflag:s25] =	ssyncset.done $0x0  }
0x3a: {  	s13 =	simm.s32 $0x5100;
	[sflag:s25] =	ssyncadd.s32 $0xFFFFE000  }
0x3b: {  	[spmem:s2] =	stream.indirect.scatter.add.f32 [tilespmem:s20], [sflag:$0x5], $0x40, s13, s16, $0xb8;
	[tilespmem:$0x1BE00] =	vst v63  }
0x3c: {  	_ =	swait.ge [sflag:s12], $0x2000  }
0x3d: {  	[sflag:s12] =	ssyncset.done $0x0  }
0x3e: {  	s6 =	simm.s32 $0x300;
	[sflag:s12] =	ssyncadd.s32 $0xFFFFE000  }
0x3f: {  	[tilespmem:s20], [sflag:$0x3] =	stream.indirect.gather [hbm4b:s4+s16], $0x40, s6, s16, $0xb8;
	[tilespmem:$0x1BE00] =	vst v63  }
0x40: {  	_ =	swait.ge [sflag:s26], $0x2000  }
0x41: {  	[sflag:s26] =	ssyncset.done $0x0  }
0x42: {  	s13 =	simm.s32 $0x5180;
	[sflag:s26] =	ssyncadd.s32 $0xFFFFE000  }
0x43: {  	[spmem:s2] =	stream.indirect.scatter.add.f32 [tilespmem:s22], [sflag:$0x5], $0x40, s13, s16, $0xb8;
	[tilespmem:$0x1BE00] =	vst v63  }
0x44: {  	_ =	swait.ge [sflag:s12], $0x2000  }
0x45: {  	[sflag:s12] =	ssyncset.done $0x0  }
0x46: {  	s0 =	simm.s32 $0x800;
	s13 =	simm.s32 $0x380;
	[sflag:s12] =	ssyncadd.s32 $0xFFFFE000  }
.LBB2_2:
0x47: {  	[tilespmem:s22], [sflag:$0x4] =	stream.indirect.gather [hbm4b:s4+s16], $0x40, s13, s16, $0xb8;
	[tilespmem:$0x1BE00] =	vst v63  }
0x48: {  	s13 =	smov.u32 s0  }
0x49: {  	p0 =	sne.s32 s0, $0x13000;
	s0 =	sadd.s32 $0x800, s0;
	_ =	swait.ge [sflag:s23], $0x2000  }
0x4a: {  	s13 =	sshra.s32 s13, $0x2;
	[sflag:s23] =	ssyncset.done $0x0  }
0x4b: {  	s6 =	sadd.s32 $0x5000, s13;
	[sflag:s23] =	ssyncadd.s32 $0xFFFFE000  }
0x4c: {  	[spmem:s2] =	stream.indirect.scatter.add.f32 [tilespmem:s17], [sflag:$0x5], $0x40, s6, s16, $0xb8;
	[tilespmem:$0x1BE00] =	vst v63  }
0x4d: {  	_ =	swait.ge [sflag:s12], $0x2000  }
0x4e: {  	[sflag:s12] =	ssyncset.done $0x0  }
0x4f: {  	s6 =	sadd.s32 $0x200, s13;
	[sflag:s12] =	ssyncadd.s32 $0xFFFFE000  }
0x50: {  	[tilespmem:s17], [sflag:$0x1] =	stream.indirect.gather [hbm4b:s4+s16], $0x40, s6, s16, $0xb8;
	[tilespmem:$0x1BE00] =	vst v63  }
0x51: {  	_ =	swait.ge [sflag:s24], $0x2000  }
0x52: {  	[sflag:s24] =	ssyncset.done $0x0  }
0x53: {  	s6 =	sadd.s32 $0x5080, s13;
	[sflag:s24] =	ssyncadd.s32 $0xFFFFE000  }
0x54: {  	[spmem:s2] =	stream.indirect.scatter.add.f32 [tilespmem:s18], [sflag:$0x5], $0x40, s6, s16, $0xb8;
	[tilespmem:$0x1BE00] =	vst v63  }
0x55: {  	_ =	swait.ge [sflag:s12], $0x2000  }
0x56: {  	[sflag:s12] =	ssyncset.done $0x0  }
0x57: {  	s6 =	sadd.s32 $0x280, s13;
	[sflag:s12] =	ssyncadd.s32 $0xFFFFE000  }
0x58: {  	[tilespmem:s18], [sflag:$0x2] =	stream.indirect.gather [hbm4b:s4+s16], $0x40, s6, s16, $0xb8;
	[tilespmem:$0x1BE00] =	vst v63  }
0x59: {  	_ =	swait.ge [sflag:s25], $0x2000  }
0x5a: {  	[sflag:s25] =	ssyncset.done $0x0  }
0x5b: {  	s6 =	sadd.s32 $0x5100, s13;
	[sflag:s25] =	ssyncadd.s32 $0xFFFFE000  }
0x5c: {  	[spmem:s2] =	stream.indirect.scatter.add.f32 [tilespmem:s20], [sflag:$0x5], $0x40, s6, s16, $0xb8;
	[tilespmem:$0x1BE00] =	vst v63  }
0x5d: {  	_ =	swait.ge [sflag:s12], $0x2000  }
0x5e: {  	[sflag:s12] =	ssyncset.done $0x0  }
0x5f: {  	s6 =	sadd.s32 $0x300, s13;
	[sflag:s12] =	ssyncadd.s32 $0xFFFFE000  }
0x60: {  	[tilespmem:s20], [sflag:$0x3] =	stream.indirect.gather [hbm4b:s4+s16], $0x40, s6, s16, $0xb8;
	[tilespmem:$0x1BE00] =	vst v63  }
0x61: {  	_ =	swait.ge [sflag:s26], $0x2000  }
0x62: {  	[sflag:s26] =	ssyncset.done $0x0  }
.Ltmp0:
0x63: {  	s6 =	sadd.s32 $0x5180, s13;
	[sflag:s26] =	ssyncadd.s32 $0xFFFFE000;
	(pc) =	sbr.rel @p0 .LBB2_2-.Ltmp0, $4  }
0x64: {  	[spmem:s2] =	stream.indirect.scatter.add.f32 [tilespmem:s22], [sflag:$0x5], $0x40, s6, s16, $0xb8;
	[tilespmem:$0x1BE00] =	vst v63  }
0x65: {  	_ =	swait.ge [sflag:s12], $0x2000  }
0x66: {  	[sflag:s12] =	ssyncset.done $0x0  }
0x67: {  	s13 =	sadd.s32 $0x380, s13;
	[sflag:s12] =	ssyncadd.s32 $0xFFFFE000  }
0x68: {  	[tilespmem:s22], [sflag:$0x4] =	stream.indirect.gather [hbm4b:s4+s16], $0x40, s13, s16, $0xb8;
	[tilespmem:$0x1BE00] =	vst v63  }
0x69: {  	_ =	swait.ge [sflag:s23], $0x2000  }
0x6a: {  	[sflag:s23] =	ssyncset.done $0x0  }
0x6b: {  	[sflag:s23] =	ssyncadd.s32 $0xFFFFE000  }
0x6c: {  	[spmem:s2] =	stream.indirect.scatter.add.f32 [tilespmem:s17], [sflag:$0x5], $0x40, s28, s16, $0xb8;
	[tilespmem:$0x1BE00] =	vst v63  }
0x6d: {  	_ =	swait.ge [sflag:s12], $0x2000  }
0x6e: {  	[sflag:s12] =	ssyncset.done $0x0  }
0x6f: {  	[sflag:s12] =	ssyncadd.s32 $0xFFFFE000  }
0x70: {  	_ =	swait.ge [sflag:s24], $0x2000  }
0x71: {  	[sflag:s24] =	ssyncset.done $0x0  }
0x72: {  	[sflag:s24] =	ssyncadd.s32 $0xFFFFE000  }
0x73: {  	[spmem:s2] =	stream.indirect.scatter.add.f32 [tilespmem:s18], [sflag:$0x5], $0x40, s29, s16, $0xb8;
	[tilespmem:$0x1BE00] =	vst v63  }
0x74: {  	_ =	swait.ge [sflag:s12], $0x2000  }
0x75: {  	[sflag:s12] =	ssyncset.done $0x0  }
0x76: {  	[sflag:s12] =	ssyncadd.s32 $0xFFFFE000  }
0x77: {  	_ =	swait.ge [sflag:s25], $0x2000  }
0x78: {  	[sflag:s25] =	ssyncset.done $0x0  }
0x79: {  	[sflag:s25] =	ssyncadd.s32 $0xFFFFE000  }
0x7a: {  	[spmem:s2] =	stream.indirect.scatter.add.f32 [tilespmem:s20], [sflag:$0x5], $0x40, s30, s16, $0xb8;
	[tilespmem:$0x1BE00] =	vst v63  }
0x7b: {  	_ =	swait.ge [sflag:s12], $0x2000  }
0x7c: {  	[sflag:s12] =	ssyncset.done $0x0  }
0x7d: {  	[sflag:s12] =	ssyncadd.s32 $0xFFFFE000  }
0x7e: {  	_ =	swait.ge [sflag:s26], $0x2000  }
0x7f: {  	[sflag:s26] =	ssyncset.done $0x0  }
0x80: {  	[sflag:s26] =	ssyncadd.s32 $0xFFFFE000  }
0x81: {  	[spmem:s2] =	stream.indirect.scatter.add.f32 [tilespmem:s22], [sflag:$0x5], $0x40, s31, s16, $0xb8;
	[tilespmem:$0x1BE00] =	vst v63  }
0x82: {  	_ =	swait.ge [sflag:s12], $0x2000  }
0x83: {  	[sflag:s12] =	ssyncset.done $0x0  }
0x84: {  	[sflag:s12] =	ssyncadd.s32 $0xFFFFE000  }
0x85: {  	[bflag:$0x0] =	sbarrier.arrive $0xFFFF  }
0x86: {  	[hbm:s9], [sflag:s14] =	dma.local [spmem:s15], $0x13C0  }
0x87: {  	_ =	swait.ge [sflag:s12], $0x13C0  }
0x88: {  	[sflag:s12] =	ssyncset.done $0x0  }
0x89: {  	[sflag:s12] =	ssyncadd.s32 $0xFFFFEC40  }
0x8a: {  	[bflag:$0x0] =	sbarrier.arrive $0xFFFF  }
0x8b: {  	[spmem:s15], [sflag:s14] =	dma.local [hbm:s8], $0x13C0  }
0x8c: {  	_ =	swait.ge [sflag:s12], $0x13C0  }
0x8d: {  	[sflag:s12] =	ssyncset.done $0x0  }
0x8e: {  	[sflag:s12] =	ssyncadd.s32 $0xFFFFEC40  }
0x8f: {  	s0 =	simm.s32 $0x0;
	[bflag:$0x0] =	sbarrier.arrive $0xFFFF  }
0x90: {  	[tilespmem:s17], [sflag:$0x1] =	stream.indirect.gather [hbm4b:s5+s16], $0x40, s0, s16, $0xb8;
	[tilespmem:$0x1BE00] =	vst v63  }
0x91: {  	_ = 	snop  }
0x92: {  	[tilespmem:s18], [sflag:$0x2] =	stream.indirect.gather [hbm4b:s5+s16], $0x40, s16, s16, $0xb8;
	[tilespmem:$0x1BE00] =	vst v63  }
0x93: {  	_ = 	snop  }
0x94: {  	[tilespmem:s20], [sflag:$0x3] =	stream.indirect.gather [hbm4b:s5+s16], $0x40, s19, s16, $0xb8;
	[tilespmem:$0x1BE00] =	vst v63  }
0x95: {  	_ = 	snop  }
0x96: {  	[tilespmem:s22], [sflag:$0x4] =	stream.indirect.gather [hbm4b:s5+s16], $0x40, s21, s16, $0xb8;
	[tilespmem:$0x1BE00] =	vst v63  }
0x97: {  	_ =	swait.ge [sflag:s23], $0x2000  }
0x98: {  	[sflag:s23] =	ssyncset.done $0x0  }
0x99: {  	s13 =	simm.s32 $0x5000;
	[sflag:s23] =	ssyncadd.s32 $0xFFFFE000  }
0x9a: {  	[spmem:s2] =	stream.indirect.scatter.add.f32 [tilespmem:s17], [sflag:$0x5], $0x40, s13, s16, $0xb8;
	[tilespmem:$0x1BE00] =	vst v63  }
0x9b: {  	_ =	swait.ge [sflag:s12], $0x2000  }
0x9c: {  	[sflag:s12] =	ssyncset.done $0x0  }
0x9d: {  	s6 =	simm.s32 $0x200;
	[sflag:s12] =	ssyncadd.s32 $0xFFFFE000  }
0x9e: {  	[tilespmem:s17], [sflag:$0x1] =	stream.indirect.gather [hbm4b:s5+s16], $0x40, s6, s16, $0xb8;
	[tilespmem:$0x1BE00] =	vst v63  }
0x9f: {  	_ =	swait.ge [sflag:s24], $0x2000  }
0xa0: {  	[sflag:s24] =	ssyncset.done $0x0  }
0xa1: {  	s13 =	simm.s32 $0x5080;
	[sflag:s24] =	ssyncadd.s32 $0xFFFFE000  }
0xa2: {  	[spmem:s2] =	stream.indirect.scatter.add.f32 [tilespmem:s18], [sflag:$0x5], $0x40, s13, s16, $0xb8;
	[tilespmem:$0x1BE00] =	vst v63  }
0xa3: {  	_ =	swait.ge [sflag:s12], $0x2000  }
0xa4: {  	[sflag:s12] =	ssyncset.done $0x0  }
0xa5: {  	s6 =	simm.s32 $0x280;
	[sflag:s12] =	ssyncadd.s32 $0xFFFFE000  }
0xa6: {  	[tilespmem:s18], [sflag:$0x2] =	stream.indirect.gather [hbm4b:s5+s16], $0x40, s6, s16, $0xb8;
	[tilespmem:$0x1BE00] =	vst v63  }
0xa7: {  	_ =	swait.ge [sflag:s25], $0x2000  }
0xa8: {  	[sflag:s25] =	ssyncset.done $0x0  }
0xa9: {  	s13 =	simm.s32 $0x5100;
	[sflag:s25] =	ssyncadd.s32 $0xFFFFE000  }
0xaa: {  	[spmem:s2] =	stream.indirect.scatter.add.f32 [tilespmem:s20], [sflag:$0x5], $0x40, s13, s16, $0xb8;
	[tilespmem:$0x1BE00] =	vst v63  }
0xab: {  	_ =	swait.ge [sflag:s12], $0x2000  }
0xac: {  	[sflag:s12] =	ssyncset.done $0x0  }
0xad: {  	s6 =	simm.s32 $0x300;
	[sflag:s12] =	ssyncadd.s32 $0xFFFFE000  }
0xae: {  	[tilespmem:s20], [sflag:$0x3] =	stream.indirect.gather [hbm4b:s5+s16], $0x40, s6, s16, $0xb8;
	[tilespmem:$0x1BE00] =	vst v63  }
0xaf: {  	_ =	swait.ge [sflag:s26], $0x2000  }
0xb0: {  	[sflag:s26] =	ssyncset.done $0x0  }
0xb1: {  	s13 =	simm.s32 $0x5180;
	[sflag:s26] =	ssyncadd.s32 $0xFFFFE000  }
0xb2: {  	[spmem:s2] =	stream.indirect.scatter.add.f32 [tilespmem:s22], [sflag:$0x5], $0x40, s13, s16, $0xb8;
	[tilespmem:$0x1BE00] =	vst v63  }
0xb3: {  	_ =	swait.ge [sflag:s12], $0x2000  }
0xb4: {  	[sflag:s12] =	ssyncset.done $0x0  }
0xb5: {  	s0 =	simm.s32 $0x800;
	s13 =	simm.s32 $0x380;
	[sflag:s12] =	ssyncadd.s32 $0xFFFFE000  }
.LBB2_4:
0xb6: {  	[tilespmem:s22], [sflag:$0x4] =	stream.indirect.gather [hbm4b:s5+s16], $0x40, s13, s16, $0xb8;
	[tilespmem:$0x1BE00] =	vst v63  }
0xb7: {  	s6 =	smov.u32 s0  }
0xb8: {  	p0 =	sne.s32 s0, $0x13000;
	s0 =	sadd.s32 $0x800, s0;
	_ =	swait.ge [sflag:s23], $0x2000  }
0xb9: {  	s13 =	sshra.s32 s6, $0x2;
	[sflag:s23] =	ssyncset.done $0x0  }
0xba: {  	s6 =	sadd.s32 $0x5000, s13;
	[sflag:s23] =	ssyncadd.s32 $0xFFFFE000  }
0xbb: {  	[spmem:s2] =	stream.indirect.scatter.add.f32 [tilespmem:s17], [sflag:$0x5], $0x40, s6, s16, $0xb8;
	[tilespmem:$0x1BE00] =	vst v63  }
0xbc: {  	_ =	swait.ge [sflag:s12], $0x2000  }
0xbd: {  	[sflag:s12] =	ssyncset.done $0x0  }
0xbe: {  	s6 =	sadd.s32 $0x200, s13;
	[sflag:s12] =	ssyncadd.s32 $0xFFFFE000  }
0xbf: {  	[tilespmem:s17], [sflag:$0x1] =	stream.indirect.gather [hbm4b:s5+s16], $0x40, s6, s16, $0xb8;
	[tilespmem:$0x1BE00] =	vst v63  }
0xc0: {  	_ =	swait.ge [sflag:s24], $0x2000  }
0xc1: {  	[sflag:s24] =	ssyncset.done $0x0  }
0xc2: {  	s6 =	sadd.s32 $0x5080, s13;
	[sflag:s24] =	ssyncadd.s32 $0xFFFFE000  }
0xc3: {  	[spmem:s2] =	stream.indirect.scatter.add.f32 [tilespmem:s18], [sflag:$0x5], $0x40, s6, s16, $0xb8;
	[tilespmem:$0x1BE00] =	vst v63  }
0xc4: {  	_ =	swait.ge [sflag:s12], $0x2000  }
0xc5: {  	[sflag:s12] =	ssyncset.done $0x0  }
0xc6: {  	s6 =	sadd.s32 $0x280, s13;
	[sflag:s12] =	ssyncadd.s32 $0xFFFFE000  }
0xc7: {  	[tilespmem:s18], [sflag:$0x2] =	stream.indirect.gather [hbm4b:s5+s16], $0x40, s6, s16, $0xb8;
	[tilespmem:$0x1BE00] =	vst v63  }
0xc8: {  	_ =	swait.ge [sflag:s25], $0x2000  }
0xc9: {  	[sflag:s25] =	ssyncset.done $0x0  }
0xca: {  	s6 =	sadd.s32 $0x5100, s13;
	[sflag:s25] =	ssyncadd.s32 $0xFFFFE000  }
0xcb: {  	[spmem:s2] =	stream.indirect.scatter.add.f32 [tilespmem:s20], [sflag:$0x5], $0x40, s6, s16, $0xb8;
	[tilespmem:$0x1BE00] =	vst v63  }
0xcc: {  	_ =	swait.ge [sflag:s12], $0x2000  }
0xcd: {  	[sflag:s12] =	ssyncset.done $0x0  }
0xce: {  	s6 =	sadd.s32 $0x300, s13;
	[sflag:s12] =	ssyncadd.s32 $0xFFFFE000  }
0xcf: {  	[tilespmem:s20], [sflag:$0x3] =	stream.indirect.gather [hbm4b:s5+s16], $0x40, s6, s16, $0xb8;
	[tilespmem:$0x1BE00] =	vst v63  }
0xd0: {  	_ =	swait.ge [sflag:s26], $0x2000  }
0xd1: {  	[sflag:s26] =	ssyncset.done $0x0  }
.Ltmp1:
0xd2: {  	s6 =	sadd.s32 $0x5180, s13;
	[sflag:s26] =	ssyncadd.s32 $0xFFFFE000;
	(pc) =	sbr.rel @p0 .LBB2_4-.Ltmp1, $4  }
0xd3: {  	[spmem:s2] =	stream.indirect.scatter.add.f32 [tilespmem:s22], [sflag:$0x5], $0x40, s6, s16, $0xb8;
	[tilespmem:$0x1BE00] =	vst v63  }
0xd4: {  	_ =	swait.ge [sflag:s12], $0x2000  }
0xd5: {  	[sflag:s12] =	ssyncset.done $0x0  }
0xd6: {  	s13 =	sadd.s32 $0x380, s13;
	[sflag:s12] =	ssyncadd.s32 $0xFFFFE000  }
0xd7: {  	[tilespmem:s22], [sflag:$0x4] =	stream.indirect.gather [hbm4b:s5+s16], $0x40, s13, s16, $0xb8;
	[tilespmem:$0x1BE00] =	vst v63  }
0xd8: {  	_ =	swait.ge [sflag:s23], $0x2000  }
0xd9: {  	[sflag:s23] =	ssyncset.done $0x0  }
0xda: {  	[sflag:s23] =	ssyncadd.s32 $0xFFFFE000  }
0xdb: {  	[spmem:s2] =	stream.indirect.scatter.add.f32 [tilespmem:s17], [sflag:$0x5], $0x40, s28, s16, $0xb8;
	[tilespmem:$0x1BE00] =	vst v63  }
0xdc: {  	_ =	swait.ge [sflag:s12], $0x2000  }
0xdd: {  	[sflag:s12] =	ssyncset.done $0x0  }
0xde: {  	[sflag:s12] =	ssyncadd.s32 $0xFFFFE000  }
0xdf: {  	_ =	swait.ge [sflag:s24], $0x2000  }
0xe0: {  	[sflag:s24] =	ssyncset.done $0x0  }
0xe1: {  	[sflag:s24] =	ssyncadd.s32 $0xFFFFE000  }
0xe2: {  	[spmem:s2] =	stream.indirect.scatter.add.f32 [tilespmem:s18], [sflag:$0x5], $0x40, s29, s16, $0xb8;
	[tilespmem:$0x1BE00] =	vst v63  }
0xe3: {  	_ =	swait.ge [sflag:s12], $0x2000  }
0xe4: {  	[sflag:s12] =	ssyncset.done $0x0  }
0xe5: {  	[sflag:s12] =	ssyncadd.s32 $0xFFFFE000  }
0xe6: {  	_ =	swait.ge [sflag:s25], $0x2000  }
0xe7: {  	[sflag:s25] =	ssyncset.done $0x0  }
0xe8: {  	[sflag:s25] =	ssyncadd.s32 $0xFFFFE000  }
0xe9: {  	[spmem:s2] =	stream.indirect.scatter.add.f32 [tilespmem:s20], [sflag:$0x5], $0x40, s30, s16, $0xb8;
	[tilespmem:$0x1BE00] =	vst v63  }
0xea: {  	_ =	swait.ge [sflag:s12], $0x2000  }
0xeb: {  	[sflag:s12] =	ssyncset.done $0x0  }
0xec: {  	[sflag:s12] =	ssyncadd.s32 $0xFFFFE000  }
0xed: {  	_ =	swait.ge [sflag:s26], $0x2000  }
0xee: {  	[sflag:s26] =	ssyncset.done $0x0  }
0xef: {  	[sflag:s26] =	ssyncadd.s32 $0xFFFFE000  }
0xf0: {  	[spmem:s2] =	stream.indirect.scatter.add.f32 [tilespmem:s22], [sflag:$0x5], $0x40, s31, s16, $0xb8;
	[tilespmem:$0x1BE00] =	vst v63  }
0xf1: {  	_ =	swait.ge [sflag:s12], $0x2000  }
0xf2: {  	[sflag:s12] =	ssyncset.done $0x0  }
0xf3: {  	s1 =	sadd.s32 $0x1, s1;
	[sflag:s12] =	ssyncadd.s32 $0xFFFFE000  }
0xf4: {  	p0 =	sne.s32 s1, s11;
	[bflag:$0x0] =	sbarrier.arrive $0xFFFF  }
0xf5: {  	[hbm:s10], [sflag:s14] =	dma.local [spmem:s15], $0x13C0  }
.Ltmp2:
0xf6: {  	_ =	swait.ge [sflag:s12], $0x13C0;
	(pc) =	sbr.rel @p0 .LBB2_1-.Ltmp2, $3  }
0xf7: {  	[sflag:s12] =	ssyncset.done $0x0  }
0xf8: {  	[sflag:s12] =	ssyncadd.s32 $0xFFFFEC40  }
0xf9: {  	[bflag:$0x0] =	sbarrier.arrive $0xFFFF;
	_ =	sdelay $0x1  }
0xfa: {  	_ =	sfence.sel $0x180000  }
0xfb: {  	[bflag:$0x0] =	sbarrier.arrive $0xFFFF  }
0xfc: {  	_ =	strace $0x9000004A  }
0xfd: {  	s0 =	stileid.u32;
	[bflag:$0x2] =	sbarrier.arrive $0xFFFF  }
0xfe: {  	p0 =	sne.s32 s0, $0x0;
	s0 =	rddreg [dreg:$0x2]  }
0xff: {  	s0 =	sadd.s32 @!p0 $0x100000, s0  }
0x100: {  	[sflag:s0] =	ssyncadd.tile.s32 @!p0 $0x1;
	_ =	shalt  }
.Lfunc_end2:
_tile_overlayer_lowered:
.L_overlay_start_2:
0x101: {  	(tag) =	ssettag $0x2  }
0x102: {  	s0 =	rddreg [dreg:$0x0];
	s2 =	stileid.u32  }
0x103: {  	s1 =	rddreg [dreg:$0x1];
	p0 =	sne.s32 s2, $0x0  }
0x104: {  	s3 =	rddreg [dreg:$0x2];
	[bflag:$0x3] =	sbarrier.arrive $0xFFFF;
	s2 =	simm.s32 @!p0 $0x1C05  }
0x105: {  	[timem:s3], [sflag:s2] =	dma.local @!p0 [hbm:s0], s1  }
0x106: {  	s0 =	simm.s32 @!p0 $0x5  }
0x107: {  	_ =	swait.ge @!p0 [sflag:s0], s1  }
0x108: {  	s1 =	ssub.s32 @!p0 $0x0, s1;
	[sflag:s0] =	ssyncset.done @!p0 $0x0  }
0x109: {  	[sflag:s0] =	ssyncadd.s32 @!p0 s1  }
0x10a: {  	[bflag:$0x3] =	sbarrier.arrive $0xFFFF  }
0x10b: {  	_ =	shalt  }

// kernel: kernel.14.cloned.1.call-start
scs
__scs_entry_jumppad:
0x0: {  	(pc) =	sbr.rel $0x88, $3  }
0x1: {  	(tag) =	ssettag $0x0;
	lr =	simm.s32 $0x1  }
0x2: {  	[smem:$0x3F90] =	sst lr;
	_ =	strace $0xD0000000  }
0x3: {  	_ = 	snop  }
0x4: {  	_ = 	snop  }
0x5: {  	_ = 	snop  }
0x6: {  	_ = 	snop  }
0x7: {  	_ = 	snop  }
__scs_overlays_trampoline_lowered:
0x8: {  	[smem:$0x3F9F] =	sst s0  }
0x9: {  	[smem:$0x3FA0] =	sst s1  }
0xa: {  	[smem:$0x3FA1] =	sst s2  }
0xb: {  	[smem:$0x3FA2] =	sst s3  }
0xc: {  	[smem:$0x3FA3] =	sst s4  }
0xd: {  	[smem:$0x3FA4] =	sst s5  }
0xe: {  	[smem:$0x3FA5] =	sst s6  }
0xf: {  	[smem:$0x3FA6] =	sst s7  }
0x10: {  	[smem:$0x3FA7] =	sst s8  }
0x11: {  	[smem:$0x3FA8] =	sst s9;
	s0 =	simm.s32 @!p0 $0x0  }
0x12: {  	s1 =	sld [smem:$0x3F8E];
	s0 =	simm.s32 @p0 $0x1  }
0x13: {  	[smem:$0x3FA9] =	sst s0;
	s0 =	simm.s32 @!p1 $0x0  }
0x14: {  	s2 =	sld [smem:$0x3F8D];
	s0 =	simm.s32 @p1 $0x1  }
0x15: {  	[smem:$0x3FAA] =	sst s0;
	s0 =	simm.s32 @!p2 $0x0  }
0x16: {  	s3 =	sld [smem:$0x3FDB];
	s0 =	simm.s32 @p2 $0x1  }
0x17: {  	s4 =	simm.s32 $0x1BF5;
	[smem:$0x3FAC] =	sst s0  }
0x18: {  	s0 =	sld [smem:$0x3F8F];
	_ =	swait.ge [sflag:s4], $0x0  }
0x19: {  	s7 =	sld [smem:$0x3F90]  }
0x1a: {  	s8 =	sadd.s32 $0xFFFFE003, lr  }
0x1b: {  	s9 =	sadd.s32 $0xFFFFFEF7, lr;
	s5 =	simm.s32 $0xFFFFFFFF;
	p2 =	slt.u32 s8, $0xFFFFF086  }
0x1c: {  	p1 =	slt.u32 s9, $0xF7A;
	s5 =	simm.s32 @!p2 $0x0  }
0x1d: {  	s5 =	simm.s32 @p1 $0x1;
	p0 =	seq.s32 s7, s2  }
0x1e: {  	s7 =	smul.u32 @!p0 $0xF7A, s2;
	p2 =	seq.s32 @!p0 s5, $0x0  }
0x1f: {  	s9 =	smul.u32 $0xF7A, s1;
	s8 =	simm.s32 @!p0 $0x1BF5;
	p2 =	por !p2, p0  }
0x20: {  	[sflag:s8] =	ssyncset.s32 @!p0 $0xFFFFF086;
	s6 =	sadd.s32 @!p0 s3, s7;
	s7 =	simm.s32 @!p0 $0x108  }
0x21: {  	s3 =	sadd.s32 s3, s9;
	s6 =	sadd.s32 @!p0 $0x88, s6;
	s7 =	simm.s32 @p2 $0x1082  }
0x22: {  	[simem:s7], [sflag:s8] =	dma.local @!p0 [hbm:s6], $0xF7A  }
0x23: {  	s9 =	sor.u32 $0xD0000000, s2;
	s6 =	simm.s32 $0x108;
	_ =	swait.ge @!p0 [sflag:s8], $0x0  }
0x24: {  	s3 =	sadd.s32 $0x88, s3;
	s6 =	simm.s32 @!p1 $0x1082;
	[sflag:s4] =	ssyncset.s32 $0xFFFFF086  }
0x25: {  	[simem:s6], [sflag:s4] =	dma.local [hbm:s3], $0xF7A  }
0x26: {  	[smem:$0x3F90] =	sst s1;
	(tag) =	ssettag s2;
	_ =	strace s9  }
0x27: {  	s1 =	sld [smem:$0x3FA0]  }
0x28: {  	s2 =	sld [smem:$0x3FA1]  }
0x29: {  	s4 =	sld [smem:$0x3FA3]  }
0x2a: {  	p0 =	seq.s32 s5, $0x0;
	s5 =	sld [smem:$0x3FA4]  }
0x2b: {  	s6 =	sld [smem:$0x3FA5]  }
0x2c: {  	s7 =	sld [smem:$0x3FA6]  }
0x2d: {  	s3 =	simm.s32 $0x108;
	s8 =	sld [smem:$0x3FA7]  }
0x2e: {  	s3 =	simm.s32 @!p0 $0x1082;
	s9 =	sld [smem:$0x3FA8]  }
0x2f: {  	lr =	sadd.s32 s0, s3;
	s0 =	sld [smem:$0x3F9F]  }
0x30: {  	s3 =	sld [smem:$0x3FA2]  }
0x31: {  	[smem:$0x3FAB] =	sst s10  }
0x32: {  	s10 =	sld [smem:$0x3FA9];
	_ =	sdelay $0x3  }
0x33: {  	p0 =	seq.s32 s10, $0x1;
	s10 =	sld [smem:$0x3FAB];
	_ =	sdelay $0x3  }
0x34: {  	[smem:$0x3FAB] =	sst s10  }
0x35: {  	s10 =	sld [smem:$0x3FAA];
	_ =	sdelay $0x3  }
0x36: {  	p1 =	seq.s32 s10, $0x1;
	s10 =	sld [smem:$0x3FAB];
	_ =	sdelay $0x3  }
0x37: {  	[smem:$0x3FAB] =	sst s10  }
0x38: {  	s10 =	sld [smem:$0x3FAC]  }
0x39: {  	_ = 	snop;
	(pc) =	sbr.ind lr, $3  }
0x3a: {  	_ = 	snop  }
0x3b: {  	_ = 	snop  }
0x3c: {  	p2 =	seq.s32 s10, $0x1;
	s10 =	sld [smem:$0x3FAB]  }
0x3d: {  	_ =	shalt  }
0x3e: {  	_ =	shalt  }
0x3f: {  	_ =	shalt  }
0x40: {  	_ =	shalt  }
0x41: {  	_ =	shalt  }
0x42: {  	_ =	shalt  }
0x43: {  	_ =	shalt  }
0x44: {  	_ =	shalt  }
0x45: {  	_ =	shalt  }
0x46: {  	_ =	shalt  }
0x47: {  	_ =	shalt  }
0x48: {  	_ =	shalt  }
0x49: {  	_ =	shalt  }
0x4a: {  	_ =	shalt  }
0x4b: {  	_ =	shalt  }
0x4c: {  	_ =	shalt  }
0x4d: {  	_ =	shalt  }
0x4e: {  	_ =	shalt  }
0x4f: {  	_ =	shalt  }
0x50: {  	_ =	shalt  }
0x51: {  	_ =	shalt  }
0x52: {  	_ =	shalt  }
0x53: {  	_ =	shalt  }
0x54: {  	_ =	shalt  }
0x55: {  	_ =	shalt  }
0x56: {  	_ =	shalt  }
0x57: {  	_ =	shalt  }
0x58: {  	_ =	shalt  }
0x59: {  	_ =	shalt  }
0x5a: {  	_ =	shalt  }
0x5b: {  	_ =	shalt  }
0x5c: {  	_ =	shalt  }
0x5d: {  	_ =	shalt  }
0x5e: {  	_ =	shalt  }
0x5f: {  	_ =	shalt  }
0x60: {  	_ =	shalt  }
0x61: {  	_ =	shalt  }
0x62: {  	_ =	shalt  }
0x63: {  	_ =	shalt  }
0x64: {  	_ =	shalt  }
0x65: {  	_ =	shalt  }
0x66: {  	_ =	shalt  }
0x67: {  	_ =	shalt  }
0x68: {  	_ =	shalt  }
0x69: {  	_ =	shalt  }
0x6a: {  	_ =	shalt  }
0x6b: {  	_ =	shalt  }
0x6c: {  	_ =	shalt  }
0x6d: {  	_ =	shalt  }
0x6e: {  	_ =	shalt  }
0x6f: {  	_ =	shalt  }
0x70: {  	_ =	shalt  }
0x71: {  	_ =	shalt  }
0x72: {  	_ =	shalt  }
0x73: {  	_ =	shalt  }
0x74: {  	_ =	shalt  }
0x75: {  	_ =	shalt  }
0x76: {  	_ =	shalt  }
0x77: {  	_ =	shalt  }
0x78: {  	_ =	shalt  }
0x79: {  	_ =	shalt  }
0x7a: {  	_ =	shalt  }
0x7b: {  	_ =	shalt  }
0x7c: {  	_ =	shalt  }
0x7d: {  	_ =	shalt  }
0x7e: {  	_ =	shalt  }
0x7f: {  	_ =	shalt  }
0x80: {  	_ =	shalt  }
0x81: {  	_ =	shalt  }
0x82: {  	_ =	shalt  }
0x83: {  	_ =	shalt  }
0x84: {  	_ =	shalt  }
0x85: {  	_ =	shalt  }
0x86: {  	_ =	shalt  }
0x87: {  	_ =	shalt  }
.Lfunc_end0:
.L_simem_size_0:
called_computation.2_lowered:
.L_overlay_start_0:
0x88: {  	s2 =	sld [smem:$0x3FD9]  }
0x89: {  	s3 =	sld [smem:$0x3FFE];
	_ =	sdelay $0x1  }
0x8a: {  	s1 =	srdreg.scid  }
0x8b: {  	s0 =	sand.u32 $0x1, s1  }
0x8c: {  	s16 =	sshll.u32 s0, $0xA;
	s2 =	sadd.s32 s3, s2  }
0x8d: {  	s2 =	sadd.s32 s2, s16  }
0x8e: {  	[smem:$0x3FB7] =	sst s2  }
0x8f: {  	_ = 	snop  }
0x90: {  	(tm) =	ssettm $0x1  }
0x91: {  	s17 =	sld [smem:$0x3FFB];
	_ =	sdelay $0x3  }
0x92: {  	_ =	strace s17  }
0x93: {  	s2 =	sld [smem:$0x3FFC];
	_ =	sdelay $0x3  }
0x94: {  	_ =	strace s2  }
0x95: {  	s2 =	sld [smem:$0x3FFD];
	_ =	sdelay $0x3  }
0x96: {  	_ =	strace s2  }
0x97: {  	_ =	strace $0x8FFFFFFF  }
0x98: {  	s18 =	sld [smem:$0x3FDB];
	_ =	sdelay $0x1  }
0x99: {  	s19 =	simm.s32 $_scs_section_size  }
0x9a: {  	s4 =	simm.s32 $_size__tile_overlayer_lowered;
	s5 =	simm.s32 $_tile_overlayer_lowered  }
0x9b: {  	s22 =	simm.s32 $0x1BFF;
	s21 =	sshll.u32 s5, $0x1;
	s2 =	sadd.s32 s19, s18  }
0x9c: {  	s6 =	simm.s32 $0x0;
	s20 =	sshll.u32 s4, $0x1;
	s4 =	sadd.s32 s21, s2  }
0x9d: {  	[timem:s6], [sflag:s22] =	dma.local [hbm:s4], s20  }
0x9e: {  	_ =	swait.ge [sflag:s22], s20  }
0x9f: {  	s3 =	ssub.s32 $0x0, s20;
	[sflag:s22] =	ssyncset.done $0x0  }
0xa0: {  	[sflag:s22] =	ssyncadd.s32 s3;
	_ =	sdelay $0x1  }
0xa1: {  	s23 =	simm.s32 $0x1B8B  }
0xa2: {  	_ =	swait.ge [sflag:s23], $0x1  }
0xa3: {  	[sflag:s23] =	ssyncset.done $0x0  }
0xa4: {  	s25 =	simm.s32 $0x1B8E;
	s24 =	sld [smem:$0x3FFE];
	[sflag:s23] =	ssyncadd.s32 $0xFFFFFFFF  }
0xa5: {  	s26 =	simm.s32 $execute0_lowered;
	[smem:$0x3FD2] =	sst s25  }
0xa6: {  	s4 =	sshll.u32 s26, $0x1;
	_ =	strace $0x8000004C;
	[dreg:$0x1] =	wrdreg $0xFFFFFFFF  }
0xa7: {  	s28 =	simm.s32 $_size_execute0_lowered;
	s2 =	sadd.s32 s2, s4;
	[dreg:$0x0] =	wrdreg $0x0  }
0xa8: {  	s4 =	sshll.u32 s28, $0x1;
	[dreg:$0x2] =	wrdreg s2  }
0xa9: {  	[dreg:$0x3] =	wrdreg s4  }
0xaa: {  	[dreg:$0x4] =	wrdreg $0xC0  }
0xab: {  	_ =	task [dreg:s6], $0x5FFFF  }
0xac: {  	[dreg:$0x1] =	wrdreg $0xFFFFFFFF  }
0xad: {  	[dreg:$0x0] =	wrdreg $0x60  }
0xae: {  	[dreg:$0x2] =	wrdreg s24  }
0xaf: {  	[dreg:$0x3] =	wrdreg $0x9  }
0xb0: {  	_ =	task.clear_ibuf [dreg:s6], $0x4FFFF;
	_ =	strace $0x9000004C  }
0xb1: {  	s29 =	simm.s32 $0x9;
	_ =	strace $0x8000004E  }
0xb2: {  	_ =	swait.ge [sflag:s29], $0x1  }
0xb3: {  	[sflag:s29] =	ssyncadd.s32 $0xFFFFFFFF  }
0xb4: {  	_ =	strace $0x9000004E  }
0xb5: {  	_ =	sfence  }
0xb6: {  	s30 =	sld [smem:$0x0];
	_ =	sdelay $0x2  }
0xb7: {  	s31 =	sshll.u32 s1, $0xD;
	s1 =	sshrl.u32 s1, $0x2  }
0xb8: {  	s3 =	sand.u32 $0x4000, s31;
	s1 =	sadd.s32 s1, s30  }
0xb9: {  	s0 =	sor.u32 s3, s0;
	s1 =	sshll.u32 s1, $0x11  }
0xba: {  	s0 =	sor.u32 s1, s0  }
0xbb: {  	s0 =	sadd.s32 $0x8F2B, s0  }
0xbc: {  	[sflag:s0] =	ssyncadd.remote.s32 $0x1  }
0xbd: {  	_ =	sfence.sel $0xFFFF  }
0xbe: {  	[dreg:$0x0] =	wrdreg $0xFFFFFFFF;
	(pc) =	sbr.abs _section_cstart, $3  }
0xbf: {  	[dreg:$0x1] =	wrdreg $0xFFFFFFFF  }
0xc0: {  	_ =	task.clear_ibuf [dreg:s6], $0x2FFFF;
	_ =	strace $0x9FFFFFFF  }
0xc1: {  	(tm) =	ssettm $0x7FFFFFFF  }
tec
execute0_lowered:
.L_overlay_start_1:
0x0: {  	(tag) =	ssettag $0x1  }
0x1: {  	s1 =	srdreg.scid  }
0x2: {  	s0 =	stileid.u32;
	s4 =	rddreg [dreg:$0x0];
	s2 =	simm.s32 $0x0  }
0x3: {  	s10 =	simm.s32 $0x80;
	s11 =	simm.s32 $0x1900;
	s12 =	simm.s32 $0x5900  }
0x4: {  	s13 =	simm.s32 $0x1;
	s14 =	simm.s32 $0x2;
	s15 =	simm.s32 $0x9900  }
0x5: {  	s3 =	sand.u32 $0x1, s1;
	s5 =	sshll.u32 s0, $0x1;
	s1 =	rddreg [dreg:$0x1]  }
0x6: {  	s16 =	simm.s32 $0x0;
	[smem:$0x7FF] =	sst s2;
	s5 =	sor.u32 s3, s5  }
0x7: {  	_ =	strace $0x8000004D;
	s7 =	ssub.s32 $0x2, s3;
	s6 =	smul.u32 $0x190, s5  }
0x8: {  	s3 =	sadd.s32 $0x3400, s4;
	s5 =	smul.u32 $0x1900, s5;
	s8 =	sshrl.u32 s7, $0x1  }
0x9: {  	s7 =	ssub.s32 s7, s8;
	s8 =	simm.s32 $0x3;
	s6 =	sadd.s32 s6, s4  }
0xa: {  	s9 =	sadd.s32 s5, s4;
	s7 =	smax.u32 s7, $0x1;
	s4 =	sadd.s32 $0xE0800, s6  }
0xb: {  	s5 =	sadd.s32 $0xE3A00, s6;
	s6 =	sadd.s32 $0x51600, s9;
	s9 =	simm.s32 $0xC80  }
.LBB2_1:
0xc: {  	[tilespmem:s2], [sflag:$0x3] =	stream.linear.gather [hbm4b:s4+s2], $0xC80, $0x38;
	[tilespmem:$0x16100] =	vst v63  }
0xd: {  	_ =	swait.ge [sflag:s8], $0xC80  }
0xe: {  	[sflag:s8] =	ssyncset.done $0x0  }
0xf: {  	[sflag:s8] =	ssyncadd.s32 $0xFFFFF380  }
0x10: {  	[tilespmem:s9], [sflag:$0x3] =	stream.linear.gather [hbm4b:s5+s2], $0xC80, $0x38;
	[tilespmem:$0x16100] =	vst v63  }
0x11: {  	_ =	swait.ge [sflag:s8], $0xC80  }
0x12: {  	[sflag:s8] =	ssyncset.done $0x0  }
0x13: {  	s17 =	simm.s32 $0x9900;
	s18 =	simm.s32 $0x0;
	[sflag:s8] =	ssyncadd.s32 $0xFFFFF380  }
.LBB2_2:
0x14: {  	s19 =	sshll.u32 s18, $0x7  }
0x15: {  	[tilespmem:s11], [sflag:$0x1] =	stream.indirect.gather [hbm4b:s3+s10], $0x80, s19, s10, $0xb8;
	[tilespmem:$0x16100] =	vst v63  }
0x16: {  	s19 =	sadd.s32 $0xC80, s19  }
0x17: {  	[tilespmem:s12], [sflag:$0x2] =	stream.indirect.gather [hbm4b:s3+s10], $0x80, s19, s10, $0xb8;
	[tilespmem:$0x16100] =	vst v63  }
0x18: {  	_ =	swait.ge [sflag:s13], $0x4000  }
0x19: {  	[sflag:s13] =	ssyncset.done $0x0  }
0x1a: {  	[sflag:s13] =	ssyncadd.s32 $0xFFFFC000  }
0x1b: {  	_ =	swait.ge [sflag:s14], $0x4000  }
0x1c: {  	[sflag:s14] =	ssyncset.done $0x0  }
0x1d: {  	s31 =	simm.s32 $0x0;
	[sflag:s14] =	ssyncadd.s32 $0xFFFFC000  }
0x1e: {  	v0 =	vld [tilespmem:s31+$0x5900]  }
0x1f: {  	v1 =	vld [tilespmem:s31+$0x1900]  }
0x20: {  	v2 =	vld [tilespmem:s31+$0x1910]  }
0x21: {  	v3 =	vld [tilespmem:s31+$0x5910]  }
0x22: {  	v4 =	vld [tilespmem:s31+$0x1920]  }
0x23: {  	v5 =	vld [tilespmem:s31+$0x5920]  }
0x24: {  	v6 =	vld [tilespmem:s31+$0x1930]  }
0x25: {  	v7 =	vld [tilespmem:s31+$0x5930]  }
0x26: {  	v0 =	vmul.f32 v0, v1;
	v1 =	vmul.f32 v3, v2;
	v2 =	vld [tilespmem:s31+$0x1940]  }
0x27: {  	v3 =	vld [tilespmem:s31+$0x5940]  }
0x28: {  	v60 =	vld [tilespmem:s31+$0x1950];
	v0 =	vadd.f32 v1, v0;
	v1 =	vmul.f32 v5, v4  }
0x29: {  	v61 =	vld [tilespmem:s31+$0x5950]  }
0x2a: {  	v62 =	vld [tilespmem:s31+$0x1960];
	v0 =	vadd.f32 v1, v0;
	v1 =	vmul.f32 v7, v6  }
0x2b: {  	v63 =	vld [tilespmem:s31+$0x5960]  }
0x2c: {  	v0 =	vadd.f32 v1, v0;
	v1 =	vmul.f32 v3, v2;
	v2 =	vld [tilespmem:s31+$0x1970]  }
0x2d: {  	v3 =	vld [tilespmem:s31+$0x5970]  }
0x2e: {  	v0 =	vadd.f32 v1, v0;
	v1 =	vmul.f32 v61, v60;
	_ =	sdelay $0x1  }
0x2f: {  	v0 =	vadd.f32 v1, v0;
	v1 =	vmul.f32 v63, v62;
	_ =	sdelay $0x1  }
0x30: {  	v0 =	vadd.f32 v1, v0;
	v1 =	vmul.f32 v3, v2;
	_ =	sdelay $0x1  }
0x31: {  	v0 =	vadd.f32 v1, v0;
	_ =	sdelay $0x1  }
0x32: {  	s20 =	simm.s32 $0x80;
	[tilespmem:s17+$0x0] =	vst v0  }
0x33: {  	v0 =	vld [tilespmem:s20+$0x5900]  }
0x34: {  	v1 =	vld [tilespmem:s20+$0x1900]  }
0x35: {  	s21 =	simm.s32 $0x400;
	s19 =	smov.u32 s17;
	v2 =	vld [tilespmem:s20+$0x1910]  }
.LBB2_3:
0x36: {  	p0 =	sne.s32 s21, $0xFE00;
	v3 =	vld [tilespmem:s20+$0x5910]  }
0x37: {  	v4 =	vld [tilespmem:s20+$0x1920]  }
0x38: {  	v5 =	vld [tilespmem:s20+$0x5920]  }
0x39: {  	v6 =	vld [tilespmem:s20+$0x1930]  }
0x3a: {  	v7 =	vld [tilespmem:s20+$0x5930]  }
0x3b: {  	v0 =	vmul.f32 v0, v1;
	v1 =	vmul.f32 v3, v2;
	v2 =	vld [tilespmem:s20+$0x1940]  }
0x3c: {  	v3 =	vld [tilespmem:s20+$0x5940]  }
0x3d: {  	v0 =	vadd.f32 v1, v0;
	v1 =	vmul.f32 v5, v4;
	v4 =	vld [tilespmem:s20+$0x1950]  }
0x3e: {  	v5 =	vld [tilespmem:s20+$0x5950]  }
0x3f: {  	v0 =	vadd.f32 v1, v0;
	v1 =	vmul.f32 v7, v6;
	v6 =	vld [tilespmem:s20+$0x1960]  }
0x40: {  	v7 =	vld [tilespmem:s20+$0x5960]  }
0x41: {  	v0 =	vadd.f32 v1, v0;
	v1 =	vmul.f32 v3, v2;
	v2 =	vld [tilespmem:s20+$0x1970]  }
0x42: {  	v3 =	vld [tilespmem:s20+$0x5970]  }
0x43: {  	v0 =	vadd.f32 v1, v0;
	v1 =	vmul.f32 v5, v4;
	_ =	sdelay $0x1  }
0x44: {  	v0 =	vadd.f32 v1, v0;
	v1 =	vmul.f32 v7, v6;
	_ =	sdelay $0x1  }
0x45: {  	v0 =	vadd.f32 v1, v0;
	v1 =	vmul.f32 v3, v2;
	_ =	sdelay $0x1  }
0x46: {  	v0 =	vadd.f32 v1, v0  }
.Ltmp0:
0x47: {  	s19 =	sadd.s32 $0x10, s19;
	(pc) =	sbr.rel @p0 .LBB2_3-.Ltmp0, $4  }
0x48: {  	s20 =	sshra.s32 s21, $0x2;
	[tilespmem:s19+$0x0] =	vst v0  }
0x49: {  	v0 =	vld [tilespmem:s20+$0x5900]  }
0x4a: {  	v1 =	vld [tilespmem:s20+$0x1900]  }
0x4b: {  	s21 =	sadd.s32 $0x200, s21;
	v2 =	vld [tilespmem:s20+$0x1910]  }
0x4c: {  	v3 =	vld [tilespmem:s20+$0x5910]  }
0x4d: {  	v4 =	vld [tilespmem:s20+$0x1920]  }
0x4e: {  	v5 =	vld [tilespmem:s20+$0x5920]  }
0x4f: {  	v6 =	vld [tilespmem:s20+$0x1930]  }
0x50: {  	v7 =	vld [tilespmem:s20+$0x5930]  }
0x51: {  	v50 =	vld [tilespmem:s20+$0x1940];
	v0 =	vmul.f32 v0, v1;
	v49 =	vmul.f32 v3, v2  }
0x52: {  	v51 =	vld [tilespmem:s20+$0x5940]  }
0x53: {  	v53 =	vld [tilespmem:s20+$0x1950];
	v52 =	vmul.f32 v5, v4;
	v0 =	vadd.f32 v49, v0  }
0x54: {  	v54 =	vld [tilespmem:s20+$0x5950]  }
0x55: {  	v56 =	vld [tilespmem:s20+$0x1960];
	v55 =	vmul.f32 v7, v6;
	v0 =	vadd.f32 v52, v0  }
0x56: {  	v57 =	vld [tilespmem:s20+$0x5960]  }
0x57: {  	v59 =	vld [tilespmem:s20+$0x1970];
	v58 =	vmul.f32 v51, v50;
	v0 =	vadd.f32 v55, v0  }
0x58: {  	v60 =	vld [tilespmem:s20+$0x5970]  }
0x59: {  	v61 =	vmul.f32 v54, v53;
	v0 =	vadd.f32 v58, v0;
	_ =	sdelay $0x1  }
0x5a: {  	s18 =	sadd.s32 $0x1, s18;
	v62 =	vmul.f32 v57, v56;
	v0 =	vadd.f32 v61, v0  }
0x5b: {  	p0 =	sne.s32 s18, $0x19  }
.Ltmp1:
0x5c: {  	v63 =	vmul.f32 v60, v59;
	v0 =	vadd.f32 v62, v0;
	(pc) =	sbr.rel @p0 .LBB2_2-.Ltmp1, $4  }
0x5d: {  	_ = 	snop  }
0x5e: {  	v0 =	vadd.f32 v63, v0  }
0x5f: {  	s19 =	sadd.s32 $0x10, s19  }
0x60: {  	s17 =	sadd.s32 $0x800, s17;
	[tilespmem:s19+$0x0] =	vst v0  }
0x61: {  	s16 =	sadd.s32 $0x1, s16  }
0x62: {  	p0 =	sne.s32 s16, s7  }
.Ltmp2:
0x63: {  	_ = 	snop;
	(pc) =	sbr.rel @p0 .LBB2_1-.Ltmp2, $4  }
0x64: {  	[hbm4b:s6+s2] =	stream.linear.scatter [tilespmem:s15], [sflag:$0x3], $0xC800, $0x38;
	[tilespmem:$0x16100] =	vst v63  }
0x65: {  	_ =	swait.ge [sflag:s8], $0xC800  }
0x66: {  	[sflag:s8] =	ssyncset.done $0x0  }
0x67: {  	[sflag:s8] =	ssyncadd.s32 $0xFFFF3800  }
0x68: {  	_ =	sfence.sel $0x180000  }
0x69: {  	[bflag:$0x0] =	sbarrier.arrive $0xFFFF  }
0x6a: {  	p0 =	sne.s32 s0, $0x0;
	_ =	strace $0x9000004D  }
0x6b: {  	s0 =	sadd.s32 @!p0 $0x100000, s1;
	[bflag:$0x2] =	sbarrier.arrive $0xFFFF  }
0x6c: {  	[sflag:s0] =	ssyncadd.tile.s32 @!p0 $0x1;
	_ =	shalt  }
.Lfunc_end2:
_tile_overlayer_lowered:
.L_overlay_start_2:
0x6d: {  	(tag) =	ssettag $0x2  }
0x6e: {  	s0 =	rddreg [dreg:$0x0];
	s2 =	stileid.u32  }
0x6f: {  	s1 =	rddreg [dreg:$0x1];
	p0 =	sne.s32 s2, $0x0  }
0x70: {  	s3 =	rddreg [dreg:$0x2];
	[bflag:$0x3] =	sbarrier.arrive $0xFFFF;
	s2 =	simm.s32 @!p0 $0x1C03  }
0x71: {  	[timem:s3], [sflag:s2] =	dma.local @!p0 [hbm:s0], s1  }
0x72: {  	s0 =	simm.s32 @!p0 $0x3  }
0x73: {  	_ =	swait.ge @!p0 [sflag:s0], s1  }
0x74: {  	s1 =	ssub.s32 @!p0 $0x0, s1;
	[sflag:s0] =	ssyncset.done @!p0 $0x0  }
0x75: {  	[sflag:s0] =	ssyncadd.s32 @!p0 s1  }
0x76: {  	[bflag:$0x3] =	sbarrier.arrive $0xFFFF  }
0x77: {  	_ =	shalt  }

// kernel: kernel.8.cloned.1.call-start
scs
__scs_entry_jumppad:
0x0: {  	(pc) =	sbr.rel $0x88, $3  }
0x1: {  	(tag) =	ssettag $0x0;
	lr =	simm.s32 $0x1  }
0x2: {  	[smem:$0x3F90] =	sst lr;
	_ =	strace $0xD0000000  }
0x3: {  	_ = 	snop  }
0x4: {  	_ = 	snop  }
0x5: {  	_ = 	snop  }
0x6: {  	_ = 	snop  }
0x7: {  	_ = 	snop  }
__scs_overlays_trampoline_lowered:
0x8: {  	[smem:$0x3F9F] =	sst s0  }
0x9: {  	[smem:$0x3FA0] =	sst s1  }
0xa: {  	[smem:$0x3FA1] =	sst s2  }
0xb: {  	[smem:$0x3FA2] =	sst s3  }
0xc: {  	[smem:$0x3FA3] =	sst s4  }
0xd: {  	[smem:$0x3FA4] =	sst s5  }
0xe: {  	[smem:$0x3FA5] =	sst s6  }
0xf: {  	[smem:$0x3FA6] =	sst s7  }
0x10: {  	[smem:$0x3FA7] =	sst s8  }
0x11: {  	[smem:$0x3FA8] =	sst s9;
	s0 =	simm.s32 @!p0 $0x0  }
0x12: {  	s1 =	sld [smem:$0x3F8E];
	s0 =	simm.s32 @p0 $0x1  }
0x13: {  	[smem:$0x3FA9] =	sst s0;
	s0 =	simm.s32 @!p1 $0x0  }
0x14: {  	s2 =	sld [smem:$0x3F8D];
	s0 =	simm.s32 @p1 $0x1  }
0x15: {  	[smem:$0x3FAA] =	sst s0;
	s0 =	simm.s32 @!p2 $0x0  }
0x16: {  	s3 =	sld [smem:$0x3FDB];
	s0 =	simm.s32 @p2 $0x1  }
0x17: {  	s4 =	simm.s32 $0x1BF5;
	[smem:$0x3FAC] =	sst s0  }
0x18: {  	s0 =	sld [smem:$0x3F8F];
	_ =	swait.ge [sflag:s4], $0x0  }
0x19: {  	s7 =	sld [smem:$0x3F90]  }
0x1a: {  	s8 =	sadd.s32 $0xFFFFE003, lr  }
0x1b: {  	s9 =	sadd.s32 $0xFFFFFEF7, lr;
	s5 =	simm.s32 $0xFFFFFFFF;
	p2 =	slt.u32 s8, $0xFFFFF086  }
0x1c: {  	p1 =	slt.u32 s9, $0xF7A;
	s5 =	simm.s32 @!p2 $0x0  }
0x1d: {  	s5 =	simm.s32 @p1 $0x1;
	p0 =	seq.s32 s7, s2  }
0x1e: {  	s7 =	smul.u32 @!p0 $0xF7A, s2;
	p2 =	seq.s32 @!p0 s5, $0x0  }
0x1f: {  	s9 =	smul.u32 $0xF7A, s1;
	s8 =	simm.s32 @!p0 $0x1BF5;
	p2 =	por !p2, p0  }
0x20: {  	[sflag:s8] =	ssyncset.s32 @!p0 $0xFFFFF086;
	s6 =	sadd.s32 @!p0 s3, s7;
	s7 =	simm.s32 @!p0 $0x108  }
0x21: {  	s3 =	sadd.s32 s3, s9;
	s6 =	sadd.s32 @!p0 $0x88, s6;
	s7 =	simm.s32 @p2 $0x1082  }
0x22: {  	[simem:s7], [sflag:s8] =	dma.local @!p0 [hbm:s6], $0xF7A  }
0x23: {  	s9 =	sor.u32 $0xD0000000, s2;
	s6 =	simm.s32 $0x108;
	_ =	swait.ge @!p0 [sflag:s8], $0x0  }
0x24: {  	s3 =	sadd.s32 $0x88, s3;
	s6 =	simm.s32 @!p1 $0x1082;
	[sflag:s4] =	ssyncset.s32 $0xFFFFF086  }
0x25: {  	[simem:s6], [sflag:s4] =	dma.local [hbm:s3], $0xF7A  }
0x26: {  	[smem:$0x3F90] =	sst s1;
	(tag) =	ssettag s2;
	_ =	strace s9  }
0x27: {  	s1 =	sld [smem:$0x3FA0]  }
0x28: {  	s2 =	sld [smem:$0x3FA1]  }
0x29: {  	s4 =	sld [smem:$0x3FA3]  }
0x2a: {  	p0 =	seq.s32 s5, $0x0;
	s5 =	sld [smem:$0x3FA4]  }
0x2b: {  	s6 =	sld [smem:$0x3FA5]  }
0x2c: {  	s7 =	sld [smem:$0x3FA6]  }
0x2d: {  	s3 =	simm.s32 $0x108;
	s8 =	sld [smem:$0x3FA7]  }
0x2e: {  	s3 =	simm.s32 @!p0 $0x1082;
	s9 =	sld [smem:$0x3FA8]  }
0x2f: {  	lr =	sadd.s32 s0, s3;
	s0 =	sld [smem:$0x3F9F]  }
0x30: {  	s3 =	sld [smem:$0x3FA2]  }
0x31: {  	[smem:$0x3FAB] =	sst s10  }
0x32: {  	s10 =	sld [smem:$0x3FA9];
	_ =	sdelay $0x3  }
0x33: {  	p0 =	seq.s32 s10, $0x1;
	s10 =	sld [smem:$0x3FAB];
	_ =	sdelay $0x3  }
0x34: {  	[smem:$0x3FAB] =	sst s10  }
0x35: {  	s10 =	sld [smem:$0x3FAA];
	_ =	sdelay $0x3  }
0x36: {  	p1 =	seq.s32 s10, $0x1;
	s10 =	sld [smem:$0x3FAB];
	_ =	sdelay $0x3  }
0x37: {  	[smem:$0x3FAB] =	sst s10  }
0x38: {  	s10 =	sld [smem:$0x3FAC]  }
0x39: {  	_ = 	snop;
	(pc) =	sbr.ind lr, $3  }
0x3a: {  	_ = 	snop  }
0x3b: {  	_ = 	snop  }
0x3c: {  	p2 =	seq.s32 s10, $0x1;
	s10 =	sld [smem:$0x3FAB]  }
0x3d: {  	_ =	shalt  }
0x3e: {  	_ =	shalt  }
0x3f: {  	_ =	shalt  }
0x40: {  	_ =	shalt  }
0x41: {  	_ =	shalt  }
0x42: {  	_ =	shalt  }
0x43: {  	_ =	shalt  }
0x44: {  	_ =	shalt  }
0x45: {  	_ =	shalt  }
0x46: {  	_ =	shalt  }
0x47: {  	_ =	shalt  }
0x48: {  	_ =	shalt  }
0x49: {  	_ =	shalt  }
0x4a: {  	_ =	shalt  }
0x4b: {  	_ =	shalt  }
0x4c: {  	_ =	shalt  }
0x4d: {  	_ =	shalt  }
0x4e: {  	_ =	shalt  }
0x4f: {  	_ =	shalt  }
0x50: {  	_ =	shalt  }
0x51: {  	_ =	shalt  }
0x52: {  	_ =	shalt  }
0x53: {  	_ =	shalt  }
0x54: {  	_ =	shalt  }
0x55: {  	_ =	shalt  }
0x56: {  	_ =	shalt  }
0x57: {  	_ =	shalt  }
0x58: {  	_ =	shalt  }
0x59: {  	_ =	shalt  }
0x5a: {  	_ =	shalt  }
0x5b: {  	_ =	shalt  }
0x5c: {  	_ =	shalt  }
0x5d: {  	_ =	shalt  }
0x5e: {  	_ =	shalt  }
0x5f: {  	_ =	shalt  }
0x60: {  	_ =	shalt  }
0x61: {  	_ =	shalt  }
0x62: {  	_ =	shalt  }
0x63: {  	_ =	shalt  }
0x64: {  	_ =	shalt  }
0x65: {  	_ =	shalt  }
0x66: {  	_ =	shalt  }
0x67: {  	_ =	shalt  }
0x68: {  	_ =	shalt  }
0x69: {  	_ =	shalt  }
0x6a: {  	_ =	shalt  }
0x6b: {  	_ =	shalt  }
0x6c: {  	_ =	shalt  }
0x6d: {  	_ =	shalt  }
0x6e: {  	_ =	shalt  }
0x6f: {  	_ =	shalt  }
0x70: {  	_ =	shalt  }
0x71: {  	_ =	shalt  }
0x72: {  	_ =	shalt  }
0x73: {  	_ =	shalt  }
0x74: {  	_ =	shalt  }
0x75: {  	_ =	shalt  }
0x76: {  	_ =	shalt  }
0x77: {  	_ =	shalt  }
0x78: {  	_ =	shalt  }
0x79: {  	_ =	shalt  }
0x7a: {  	_ =	shalt  }
0x7b: {  	_ =	shalt  }
0x7c: {  	_ =	shalt  }
0x7d: {  	_ =	shalt  }
0x7e: {  	_ =	shalt  }
0x7f: {  	_ =	shalt  }
0x80: {  	_ =	shalt  }
0x81: {  	_ =	shalt  }
0x82: {  	_ =	shalt  }
0x83: {  	_ =	shalt  }
0x84: {  	_ =	shalt  }
0x85: {  	_ =	shalt  }
0x86: {  	_ =	shalt  }
0x87: {  	_ =	shalt  }
.Lfunc_end0:
.L_simem_size_0:
called_computation_lowered:
.L_overlay_start_0:
0x88: {  	s2 =	sld [smem:$0x3FD9]  }
0x89: {  	s3 =	sld [smem:$0x3FFE];
	_ =	sdelay $0x1  }
0x8a: {  	s1 =	srdreg.scid  }
0x8b: {  	s0 =	sand.u32 $0x1, s1  }
0x8c: {  	s17 =	sshll.u32 s0, $0xA;
	s2 =	sadd.s32 s3, s2  }
0x8d: {  	s2 =	sadd.s32 s2, s17  }
0x8e: {  	[smem:$0x3FB7] =	sst s2  }
0x8f: {  	_ = 	snop  }
0x90: {  	s2 =	sld [smem:$0x3FD0];
	(tm) =	ssettm $0x1  }
0x91: {  	s18 =	sld [smem:$0x3FFB];
	_ =	sdelay $0x3  }
0x92: {  	_ =	strace s18  }
0x93: {  	s3 =	sld [smem:$0x3FFC];
	_ =	sdelay $0x3  }
0x94: {  	_ =	strace s3  }
0x95: {  	s3 =	sld [smem:$0x3FFD];
	_ =	sdelay $0x3  }
0x96: {  	_ =	strace s3  }
0x97: {  	_ =	strace $0x8FFFFFFF  }
0x98: {  	s19 =	sld [smem:$0x3FDB];
	_ =	sdelay $0x1  }
0x99: {  	s4 =	simm.s32 $_scs_section_size  }
0x9a: {  	s5 =	simm.s32 $_size__tile_overlayer_lowered;
	s6 =	simm.s32 $_tile_overlayer_lowered  }
0x9b: {  	s22 =	simm.s32 $0x1BFF;
	s21 =	sshll.u32 s6, $0x1;
	s3 =	sadd.s32 s4, s19  }
0x9c: {  	s7 =	simm.s32 $0x0;
	s20 =	sshll.u32 s5, $0x1;
	s5 =	sadd.s32 s21, s3  }
0x9d: {  	[timem:s7], [sflag:s22] =	dma.local [hbm:s5], s20  }
0x9e: {  	_ =	swait.ge [sflag:s22], s20  }
0x9f: {  	s4 =	ssub.s32 $0x0, s20;
	[sflag:s22] =	ssyncset.done $0x0  }
0xa0: {  	[sflag:s22] =	ssyncadd.s32 s4;
	_ =	sdelay $0x1  }
0xa1: {  	s23 =	simm.s32 $0x1B8B  }
0xa2: {  	_ =	swait.ge [sflag:s23], $0x1  }
0xa3: {  	[sflag:s23] =	ssyncset.done $0x0  }
0xa4: {  	s25 =	simm.s32 $0x1B8E;
	s24 =	sld [smem:$0x3FFE];
	[sflag:s23] =	ssyncadd.s32 $0xFFFFFFFF  }
0xa5: {  	s26 =	simm.s32 $execute0_lowered;
	[smem:$0x3FD2] =	sst s25  }
0xa6: {  	s5 =	sshll.u32 s26, $0x1;
	_ =	strace $0x80000046;
	[dreg:$0x1] =	wrdreg $0xFFFFFFFF  }
0xa7: {  	s28 =	simm.s32 $_size_execute0_lowered;
	s3 =	sadd.s32 s3, s5;
	[dreg:$0x0] =	wrdreg $0x0  }
0xa8: {  	s5 =	sshll.u32 s28, $0x1;
	[dreg:$0x2] =	wrdreg s3  }
0xa9: {  	[dreg:$0x3] =	wrdreg s5  }
0xaa: {  	[dreg:$0x4] =	wrdreg $0xC0  }
0xab: {  	_ =	task [dreg:s7], $0x5FFFF  }
0xac: {  	[dreg:$0x1] =	wrdreg $0xFFFFFFFF  }
0xad: {  	[dreg:$0x0] =	wrdreg $0x60  }
0xae: {  	[dreg:$0x2] =	wrdreg s24  }
0xaf: {  	[dreg:$0x3] =	wrdreg s2  }
0xb0: {  	[dreg:$0x4] =	wrdreg $0x1C6000  }
0xb1: {  	[dreg:$0x5] =	wrdreg $0x120000  }
0xb2: {  	[dreg:$0x6] =	wrdreg $0x9  }
0xb3: {  	_ =	task.clear_ibuf [dreg:s7], $0x7FFFF;
	_ =	strace $0x90000046  }
0xb4: {  	s29 =	simm.s32 $0x9;
	_ =	strace $0x80000048  }
0xb5: {  	_ =	swait.ge [sflag:s29], $0x1  }
0xb6: {  	[sflag:s29] =	ssyncadd.s32 $0xFFFFFFFF  }
0xb7: {  	_ =	strace $0x90000048  }
0xb8: {  	_ =	sfence  }
0xb9: {  	s30 =	sld [smem:$0x0];
	_ =	sdelay $0x2  }
0xba: {  	s31 =	sshll.u32 s1, $0xD;
	s1 =	sshrl.u32 s1, $0x2  }
0xbb: {  	s3 =	sand.u32 $0x4000, s31;
	s1 =	sadd.s32 s1, s30  }
0xbc: {  	s0 =	sor.u32 s3, s0;
	s1 =	sshll.u32 s1, $0x11  }
0xbd: {  	s0 =	sor.u32 s1, s0  }
0xbe: {  	s0 =	sadd.s32 $0x8F2B, s0  }
0xbf: {  	[sflag:s0] =	ssyncadd.remote.s32 $0x1  }
0xc0: {  	_ =	sfence.sel $0xFFFF  }
0xc1: {  	[dreg:$0x0] =	wrdreg $0xFFFFFFFF;
	(pc) =	sbr.abs _section_cstart, $3  }
0xc2: {  	[dreg:$0x1] =	wrdreg $0xFFFFFFFF  }
0xc3: {  	_ =	task.clear_ibuf [dreg:s7], $0x2FFFF;
	_ =	strace $0x9FFFFFFF  }
0xc4: {  	(tm) =	ssettm $0x7FFFFFFF  }
0xc5: {  	_ =	shalt  }
tec
execute0_lowered:
.L_overlay_start_1:
0x0: {  	(tag) =	ssettag $0x1  }
0x1: {  	s0 =	rddreg [dreg:$0x0]  }
0x2: {  	s2 =	rddreg [dreg:$0x2]  }
0x3: {  	s3 =	rddreg [dreg:$0x3]  }
0x4: {  	s1 =	srdreg.scid;
	s15 =	stileid.u32  }
0x5: {  	s5 =	simm.s32 $0x0;
	s18 =	simm.s32 $0x5;
	s7 =	smul.u32 $0x5000, s15  }
0x6: {  	s19 =	simm.s32 $0x1BE00;
	s28 =	simm.s32 $0x180;
	s8 =	smul.u32 $0x9E00, s15  }
0x7: {  	s29 =	simm.s32 $0x10000;
	s1 =	sand.u32 $0x1, s1;
	s9 =	smul.u32 $0x2780, s15  }
0x8: {  	s30 =	simm.s32 $0x1;
	s31 =	simm.s32 $0x2;
	s4 =	smul.u32 $0x50000, s1  }
0x9: {  	[smem:$0x7FF] =	sst s5;
	s6 =	sadd.s32 $0x3E600, s0;
	s10 =	smul.u32 $0x9E000, s1  }
0xa: {  	s22 =	sshll.u32 s15, $0x6;
	_ =	strace $0x80000047;
	s13 =	smul.u32 $0x27800, s1  }
0xb: {  	s1 =	ssub.s32 $0x2, s1;
	s11 =	sshrl.u32 s8, $0x3;
	s12 =	sshrl.u32 s9, $0x3  }
0xc: {  	s14 =	sshrl.u32 s1, $0x1;
	s20 =	sadd.s32 s9, s2;
	s24 =	sadd.s32 s8, s3  }
0xd: {  	s4 =	sadd.s32 s7, s4;
	s7 =	sadd.s32 $0x17400, s0;
	s11 =	sadd.s32 s11, s0  }
0xe: {  	s12 =	sadd.s32 s12, s0;
	s10 =	sadd.s32 s8, s10;
	s13 =	sadd.s32 s9, s13  }
0xf: {  	s1 =	ssub.s32 s1, s14;
	s9 =	sor.u32 $0x1C05, s22;
	s17 =	sshrl.u32 s20, $0x3  }
0x10: {  	s22 =	simm.s32 $0x80;
	s20 =	simm.s32 $0x9E80;
	s8 =	simm.s32 $0x9F00  }
0x11: {  	s4 =	sshrl.u32 s4, $0x3;
	s10 =	sshrl.u32 s10, $0x3;
	s13 =	sshrl.u32 s13, $0x3  }
0x12: {  	s21 =	sadd.s32 $0x79800, s12;
	s12 =	sadd.s32 $0x7E800, s11;
	s16 =	smax.u32 s1, $0x1  }
0x13: {  	s1 =	simm.s32 $0x9E00;
	s11 =	simm.s32 $0x0;
	s4 =	sadd.s32 s4, s0  }
0x14: {  	s10 =	sadd.s32 s10, s0;
	[dreg:$0x5] =	wrdreg s21;
	s23 =	sadd.s32 $0x3400, s4  }
0x15: {  	s0 =	sadd.s32 s13, s0;
	s4 =	sadd.s32 $0x65800, s4;
	[dreg:$0x6] =	wrdreg s23  }
0x16: {  	s21 =	sshrl.u32 s24, $0x3;
	s25 =	sadd.s32 $0x9C200, s10;
	[dreg:$0x7] =	wrdreg s4  }
0x17: {  	s24 =	simm.s32 $0xC000;
	s26 =	sadd.s32 $0xC3A00, s10;
	[dreg:$0x8] =	wrdreg s25  }
0x18: {  	s0 =	sadd.s32 $0x92400, s0;
	s10 =	simm.s32 $0x9F80;
	[dreg:$0x9] =	wrdreg s26  }
0x19: {  	[dreg:$0xa] =	wrdreg s0;
	s23 =	simm.s32 $0xA000;
	s25 =	simm.s32 $0x100  }
0x1a: {  	s26 =	simm.s32 $0xE000;
	s0 =	simm.s32 $0x3;
	s4 =	simm.s32 $0x4  }
.LBB2_1:
0x1b: {  	s13 =	rddreg [dreg:$0x5]  }
0x1c: {  	[spmem:s17], [sflag:s9] =	dma.local [hbm:s13], $0x4F0  }
0x1d: {  	_ =	swait.ge [sflag:s18], $0x4F0  }
0x1e: {  	[sflag:s18] =	ssyncset.done $0x0  }
0x1f: {  	[sflag:s18] =	ssyncadd.s32 $0xFFFFFB10  }
0x20: {  	s15 =	rddreg [dreg:$0x1]  }
0x21: {  	[tilespmem:s19], [sflag:$0x5] =	stream.linear.gather [hbm4b:s15+s5], $0x800, $0x38;
	[tilespmem:$0x1ED80] =	vst v63  }
0x22: {  	_ =	swait.ge [sflag:s18], $0x800  }
0x23: {  	[sflag:s18] =	ssyncset.done $0x0  }
0x24: {  	s14 =	rddreg [dreg:$0x6];
	[sflag:s18] =	ssyncadd.s32 $0xFFFFF800  }
0x25: {  	[tilespmem:s5], [sflag:$0x5] =	stream.linear.gather [hbm4b:s14+s5], $0x5000, $0x38;
	[tilespmem:$0x1ED80] =	vst v63  }
0x26: {  	_ =	swait.ge [sflag:s18], $0x5000  }
0x27: {  	[sflag:s18] =	ssyncset.done $0x0  }
0x28: {  	s14 =	simm.s32 $0x5000;
	s15 =	rddreg [dreg:$0x7];
	[sflag:s18] =	ssyncadd.s32 $0xFFFFB000  }
0x29: {  	[tilespmem:s14], [sflag:$0x5] =	stream.linear.gather [hbm4b:s15+s5], $0x5000, $0x38;
	[tilespmem:$0x1ED80] =	vst v63  }
0x2a: {  	_ =	swait.ge [sflag:s18], $0x5000  }
0x2b: {  	[sflag:s18] =	ssyncset.done $0x0  }
0x2c: {  	[sflag:s18] =	ssyncadd.s32 $0xFFFFB000  }
0x2d: {  	[spmem:s21], [sflag:s9] =	dma.local [hbm:s12], $0x13C0  }
0x2e: {  	_ =	swait.ge [sflag:s18], $0x13C0  }
0x2f: {  	[sflag:s18] =	ssyncset.done $0x0  }
0x30: {  	[sflag:s18] =	ssyncadd.s32 $0xFFFFEC40  }
0x31: {  	[bflag:$0x0] =	sbarrier.arrive $0xFFFF  }
0x32: {  	[tilespmem:s23], [sflag:$0x1] =	stream.indirect.gather [hbm4b:s6+s22], $0x40, s5, s22, $0xb8;
	[tilespmem:$0x1ED80] =	vst v63  }
0x33: {  	_ = 	snop  }
0x34: {  	[tilespmem:s24], [sflag:$0x2] =	stream.indirect.gather [hbm4b:s6+s22], $0x40, s22, s22, $0xb8;
	[tilespmem:$0x1ED80] =	vst v63  }
0x35: {  	_ = 	snop  }
0x36: {  	[tilespmem:s26], [sflag:$0x3] =	stream.indirect.gather [hbm4b:s6+s22], $0x40, s25, s22, $0xb8;
	[tilespmem:$0x1ED80] =	vst v63  }
0x37: {  	_ = 	snop  }
0x38: {  	[tilespmem:s29], [sflag:$0x4] =	stream.indirect.gather [hbm4b:s6+s22], $0x40, s28, s22, $0xb8;
	[tilespmem:$0x1ED80] =	vst v63  }
0x39: {  	_ =	swait.ge [sflag:s30], $0x2000  }
0x3a: {  	[sflag:s30] =	ssyncset.done $0x0  }
0x3b: {  	s15 =	simm.s32 $0x5000;
	[sflag:s30] =	ssyncadd.s32 $0xFFFFE000  }
0x3c: {  	[spmem:s3] =	stream.indirect.scatter.add.f32 [tilespmem:s23], [sflag:$0x5], $0x40, s15, s22, $0xb8;
	[tilespmem:$0x1ED80] =	vst v63  }
0x3d: {  	_ =	swait.ge [sflag:s18], $0x2000  }
0x3e: {  	[sflag:s18] =	ssyncset.done $0x0  }
0x3f: {  	[sflag:s18] =	ssyncadd.s32 $0xFFFFE000  }
0x40: {  	[spmem:s2] =	stream.indirect.scatter.add.f32 [tilespmem:s19], [sflag:$0x5], $0x10, s15, s22, $0xb8;
	[tilespmem:$0x1ED80] =	vst v63  }
0x41: {  	_ =	swait.ge [sflag:s18], $0x800  }
0x42: {  	[sflag:s18] =	ssyncset.done $0x0  }
0x43: {  	s14 =	simm.s32 $0x200;
	[sflag:s18] =	ssyncadd.s32 $0xFFFFF800  }
0x44: {  	[tilespmem:s23], [sflag:$0x1] =	stream.indirect.gather [hbm4b:s6+s22], $0x40, s14, s22, $0xb8;
	[tilespmem:$0x1ED80] =	vst v63  }
0x45: {  	_ =	swait.ge [sflag:s31], $0x2000  }
0x46: {  	[sflag:s31] =	ssyncset.done $0x0  }
0x47: {  	s15 =	simm.s32 $0x5080;
	[sflag:s31] =	ssyncadd.s32 $0xFFFFE000  }
0x48: {  	[spmem:s3] =	stream.indirect.scatter.add.f32 [tilespmem:s24], [sflag:$0x5], $0x40, s15, s22, $0xb8;
	[tilespmem:$0x1ED80] =	vst v63  }
0x49: {  	_ =	swait.ge [sflag:s18], $0x2000  }
0x4a: {  	[sflag:s18] =	ssyncset.done $0x0  }
0x4b: {  	[sflag:s18] =	ssyncadd.s32 $0xFFFFE000  }
0x4c: {  	[spmem:s2] =	stream.indirect.scatter.add.f32 [tilespmem:s19], [sflag:$0x5], $0x10, s15, s22, $0xb8;
	[tilespmem:$0x1ED80] =	vst v63  }
0x4d: {  	_ =	swait.ge [sflag:s18], $0x800  }
0x4e: {  	[sflag:s18] =	ssyncset.done $0x0  }
0x4f: {  	s14 =	simm.s32 $0x280;
	[sflag:s18] =	ssyncadd.s32 $0xFFFFF800  }
0x50: {  	[tilespmem:s24], [sflag:$0x2] =	stream.indirect.gather [hbm4b:s6+s22], $0x40, s14, s22, $0xb8;
	[tilespmem:$0x1ED80] =	vst v63  }
0x51: {  	_ =	swait.ge [sflag:s0], $0x2000  }
0x52: {  	[sflag:s0] =	ssyncset.done $0x0  }
0x53: {  	s15 =	simm.s32 $0x5100;
	[sflag:s0] =	ssyncadd.s32 $0xFFFFE000  }
0x54: {  	[spmem:s3] =	stream.indirect.scatter.add.f32 [tilespmem:s26], [sflag:$0x5], $0x40, s15, s22, $0xb8;
	[tilespmem:$0x1ED80] =	vst v63  }
0x55: {  	_ =	swait.ge [sflag:s18], $0x2000  }
0x56: {  	[sflag:s18] =	ssyncset.done $0x0  }
0x57: {  	[sflag:s18] =	ssyncadd.s32 $0xFFFFE000  }
0x58: {  	[spmem:s2] =	stream.indirect.scatter.add.f32 [tilespmem:s19], [sflag:$0x5], $0x10, s15, s22, $0xb8;
	[tilespmem:$0x1ED80] =	vst v63  }
0x59: {  	_ =	swait.ge [sflag:s18], $0x800  }
0x5a: {  	[sflag:s18] =	ssyncset.done $0x0  }
0x5b: {  	s14 =	simm.s32 $0x300;
	[sflag:s18] =	ssyncadd.s32 $0xFFFFF800  }
0x5c: {  	[tilespmem:s26], [sflag:$0x3] =	stream.indirect.gather [hbm4b:s6+s22], $0x40, s14, s22, $0xb8;
	[tilespmem:$0x1ED80] =	vst v63  }
0x5d: {  	_ =	swait.ge [sflag:s4], $0x2000  }
0x5e: {  	[sflag:s4] =	ssyncset.done $0x0  }
0x5f: {  	s15 =	simm.s32 $0x5180;
	[sflag:s4] =	ssyncadd.s32 $0xFFFFE000  }
0x60: {  	[spmem:s3] =	stream.indirect.scatter.add.f32 [tilespmem:s29], [sflag:$0x5], $0x40, s15, s22, $0xb8;
	[tilespmem:$0x1ED80] =	vst v63  }
0x61: {  	_ =	swait.ge [sflag:s18], $0x2000  }
0x62: {  	[sflag:s18] =	ssyncset.done $0x0  }
0x63: {  	[sflag:s18] =	ssyncadd.s32 $0xFFFFE000  }
0x64: {  	[spmem:s2] =	stream.indirect.scatter.add.f32 [tilespmem:s19], [sflag:$0x5], $0x10, s15, s22, $0xb8;
	[tilespmem:$0x1ED80] =	vst v63  }
0x65: {  	_ =	swait.ge [sflag:s18], $0x800  }
0x66: {  	[sflag:s18] =	ssyncset.done $0x0  }
0x67: {  	s13 =	simm.s32 $0x800;
	s14 =	simm.s32 $0x380;
	[sflag:s18] =	ssyncadd.s32 $0xFFFFF800  }
.LBB2_2:
0x68: {  	[tilespmem:s29], [sflag:$0x4] =	stream.indirect.gather [hbm4b:s6+s22], $0x40, s14, s22, $0xb8;
	[tilespmem:$0x1ED80] =	vst v63  }
0x69: {  	s14 =	smov.u32 s13  }
0x6a: {  	p0 =	sne.s32 s13, $0x13000;
	s13 =	sadd.s32 $0x800, s13;
	_ =	swait.ge [sflag:s30], $0x2000  }
0x6b: {  	s14 =	sshra.s32 s14, $0x2;
	[sflag:s30] =	ssyncset.done $0x0  }
0x6c: {  	s15 =	sadd.s32 $0x5000, s14;
	[sflag:s30] =	ssyncadd.s32 $0xFFFFE000  }
0x6d: {  	[spmem:s3] =	stream.indirect.scatter.add.f32 [tilespmem:s23], [sflag:$0x5], $0x40, s15, s22, $0xb8;
	[tilespmem:$0x1ED80] =	vst v63  }
0x6e: {  	_ =	swait.ge [sflag:s18], $0x2000  }
0x6f: {  	[sflag:s18] =	ssyncset.done $0x0  }
0x70: {  	[sflag:s18] =	ssyncadd.s32 $0xFFFFE000  }
0x71: {  	[spmem:s2] =	stream.indirect.scatter.add.f32 [tilespmem:s19], [sflag:$0x5], $0x10, s15, s22, $0xb8;
	[tilespmem:$0x1ED80] =	vst v63  }
0x72: {  	_ =	swait.ge [sflag:s18], $0x800  }
0x73: {  	[sflag:s18] =	ssyncset.done $0x0  }
0x74: {  	s15 =	sadd.s32 $0x200, s14;
	[sflag:s18] =	ssyncadd.s32 $0xFFFFF800  }
0x75: {  	[tilespmem:s23], [sflag:$0x1] =	stream.indirect.gather [hbm4b:s6+s22], $0x40, s15, s22, $0xb8;
	[tilespmem:$0x1ED80] =	vst v63  }
0x76: {  	_ =	swait.ge [sflag:s31], $0x2000  }
0x77: {  	[sflag:s31] =	ssyncset.done $0x0  }
0x78: {  	s15 =	sadd.s32 $0x5080, s14;
	[sflag:s31] =	ssyncadd.s32 $0xFFFFE000  }
0x79: {  	[spmem:s3] =	stream.indirect.scatter.add.f32 [tilespmem:s24], [sflag:$0x5], $0x40, s15, s22, $0xb8;
	[tilespmem:$0x1ED80] =	vst v63  }
0x7a: {  	_ =	swait.ge [sflag:s18], $0x2000  }
0x7b: {  	[sflag:s18] =	ssyncset.done $0x0  }
0x7c: {  	[sflag:s18] =	ssyncadd.s32 $0xFFFFE000  }
0x7d: {  	[spmem:s2] =	stream.indirect.scatter.add.f32 [tilespmem:s19], [sflag:$0x5], $0x10, s15, s22, $0xb8;
	[tilespmem:$0x1ED80] =	vst v63  }
0x7e: {  	_ =	swait.ge [sflag:s18], $0x800  }
0x7f: {  	[sflag:s18] =	ssyncset.done $0x0  }
0x80: {  	s15 =	sadd.s32 $0x280, s14;
	[sflag:s18] =	ssyncadd.s32 $0xFFFFF800  }
0x81: {  	[tilespmem:s24], [sflag:$0x2] =	stream.indirect.gather [hbm4b:s6+s22], $0x40, s15, s22, $0xb8;
	[tilespmem:$0x1ED80] =	vst v63  }
0x82: {  	_ =	swait.ge [sflag:s0], $0x2000  }
0x83: {  	[sflag:s0] =	ssyncset.done $0x0  }
0x84: {  	s15 =	sadd.s32 $0x5100, s14;
	[sflag:s0] =	ssyncadd.s32 $0xFFFFE000  }
0x85: {  	[spmem:s3] =	stream.indirect.scatter.add.f32 [tilespmem:s26], [sflag:$0x5], $0x40, s15, s22, $0xb8;
	[tilespmem:$0x1ED80] =	vst v63  }
0x86: {  	_ =	swait.ge [sflag:s18], $0x2000  }
0x87: {  	[sflag:s18] =	ssyncset.done $0x0  }
0x88: {  	[sflag:s18] =	ssyncadd.s32 $0xFFFFE000  }
0x89: {  	[spmem:s2] =	stream.indirect.scatter.add.f32 [tilespmem:s19], [sflag:$0x5], $0x10, s15, s22, $0xb8;
	[tilespmem:$0x1ED80] =	vst v63  }
0x8a: {  	_ =	swait.ge [sflag:s18], $0x800  }
0x8b: {  	[sflag:s18] =	ssyncset.done $0x0  }
0x8c: {  	s15 =	sadd.s32 $0x300, s14;
	[sflag:s18] =	ssyncadd.s32 $0xFFFFF800  }
0x8d: {  	[tilespmem:s26], [sflag:$0x3] =	stream.indirect.gather [hbm4b:s6+s22], $0x40, s15, s22, $0xb8;
	[tilespmem:$0x1ED80] =	vst v63  }
0x8e: {  	_ =	swait.ge [sflag:s4], $0x2000  }
0x8f: {  	[sflag:s4] =	ssyncset.done $0x0  }
0x90: {  	s15 =	sadd.s32 $0x5180, s14;
	[sflag:s4] =	ssyncadd.s32 $0xFFFFE000  }
0x91: {  	[spmem:s3] =	stream.indirect.scatter.add.f32 [tilespmem:s29], [sflag:$0x5], $0x40, s15, s22, $0xb8;
	[tilespmem:$0x1ED80] =	vst v63  }
0x92: {  	_ =	swait.ge [sflag:s18], $0x2000  }
0x93: {  	[sflag:s18] =	ssyncset.done $0x0  }
.Ltmp0:
0x94: {  	[sflag:s18] =	ssyncadd.s32 $0xFFFFE000;
	(pc) =	sbr.rel @p0 .LBB2_2-.Ltmp0, $4  }
0x95: {  	[spmem:s2] =	stream.indirect.scatter.add.f32 [tilespmem:s19], [sflag:$0x5], $0x10, s15, s22, $0xb8;
	[tilespmem:$0x1ED80] =	vst v63  }
0x96: {  	_ =	swait.ge [sflag:s18], $0x800  }
0x97: {  	[sflag:s18] =	ssyncset.done $0x0  }
0x98: {  	s14 =	sadd.s32 $0x380, s14;
	[sflag:s18] =	ssyncadd.s32 $0xFFFFF800  }
0x99: {  	[tilespmem:s29], [sflag:$0x4] =	stream.indirect.gather [hbm4b:s6+s22], $0x40, s14, s22, $0xb8;
	[tilespmem:$0x1ED80] =	vst v63  }
0x9a: {  	_ =	swait.ge [sflag:s30], $0x2000  }
0x9b: {  	[sflag:s30] =	ssyncset.done $0x0  }
0x9c: {  	[sflag:s30] =	ssyncadd.s32 $0xFFFFE000  }
0x9d: {  	[spmem:s3] =	stream.indirect.scatter.add.f32 [tilespmem:s23], [sflag:$0x5], $0x40, s1, s22, $0xb8;
	[tilespmem:$0x1ED80] =	vst v63  }
0x9e: {  	_ =	swait.ge [sflag:s18], $0x2000  }
0x9f: {  	[sflag:s18] =	ssyncset.done $0x0  }
0xa0: {  	[sflag:s18] =	ssyncadd.s32 $0xFFFFE000  }
0xa1: {  	[spmem:s2] =	stream.indirect.scatter.add.f32 [tilespmem:s19], [sflag:$0x5], $0x10, s1, s22, $0xb8;
	[tilespmem:$0x1ED80] =	vst v63  }
0xa2: {  	_ =	swait.ge [sflag:s18], $0x800  }
0xa3: {  	[sflag:s18] =	ssyncset.done $0x0  }
0xa4: {  	[sflag:s18] =	ssyncadd.s32 $0xFFFFF800  }
0xa5: {  	_ =	swait.ge [sflag:s31], $0x2000  }
0xa6: {  	[sflag:s31] =	ssyncset.done $0x0  }
0xa7: {  	[sflag:s31] =	ssyncadd.s32 $0xFFFFE000  }
0xa8: {  	[spmem:s3] =	stream.indirect.scatter.add.f32 [tilespmem:s24], [sflag:$0x5], $0x40, s20, s22, $0xb8;
	[tilespmem:$0x1ED80] =	vst v63  }
0xa9: {  	_ =	swait.ge [sflag:s18], $0x2000  }
0xaa: {  	[sflag:s18] =	ssyncset.done $0x0  }
0xab: {  	[sflag:s18] =	ssyncadd.s32 $0xFFFFE000  }
0xac: {  	[spmem:s2] =	stream.indirect.scatter.add.f32 [tilespmem:s19], [sflag:$0x5], $0x10, s20, s22, $0xb8;
	[tilespmem:$0x1ED80] =	vst v63  }
0xad: {  	_ =	swait.ge [sflag:s18], $0x800  }
0xae: {  	[sflag:s18] =	ssyncset.done $0x0  }
0xaf: {  	[sflag:s18] =	ssyncadd.s32 $0xFFFFF800  }
0xb0: {  	_ =	swait.ge [sflag:s0], $0x2000  }
0xb1: {  	[sflag:s0] =	ssyncset.done $0x0  }
0xb2: {  	[sflag:s0] =	ssyncadd.s32 $0xFFFFE000  }
0xb3: {  	[spmem:s3] =	stream.indirect.scatter.add.f32 [tilespmem:s26], [sflag:$0x5], $0x40, s8, s22, $0xb8;
	[tilespmem:$0x1ED80] =	vst v63  }
0xb4: {  	_ =	swait.ge [sflag:s18], $0x2000  }
0xb5: {  	[sflag:s18] =	ssyncset.done $0x0  }
0xb6: {  	[sflag:s18] =	ssyncadd.s32 $0xFFFFE000  }
0xb7: {  	[spmem:s2] =	stream.indirect.scatter.add.f32 [tilespmem:s19], [sflag:$0x5], $0x10, s8, s22, $0xb8;
	[tilespmem:$0x1ED80] =	vst v63  }
0xb8: {  	_ =	swait.ge [sflag:s18], $0x800  }
0xb9: {  	[sflag:s18] =	ssyncset.done $0x0  }
0xba: {  	[sflag:s18] =	ssyncadd.s32 $0xFFFFF800  }
0xbb: {  	_ =	swait.ge [sflag:s4], $0x2000  }
0xbc: {  	[sflag:s4] =	ssyncset.done $0x0  }
0xbd: {  	[sflag:s4] =	ssyncadd.s32 $0xFFFFE000  }
0xbe: {  	[spmem:s3] =	stream.indirect.scatter.add.f32 [tilespmem:s29], [sflag:$0x5], $0x40, s10, s22, $0xb8;
	[tilespmem:$0x1ED80] =	vst v63  }
0xbf: {  	_ =	swait.ge [sflag:s18], $0x2000  }
0xc0: {  	[sflag:s18] =	ssyncset.done $0x0  }
0xc1: {  	[sflag:s18] =	ssyncadd.s32 $0xFFFFE000  }
0xc2: {  	[spmem:s2] =	stream.indirect.scatter.add.f32 [tilespmem:s19], [sflag:$0x5], $0x10, s10, s22, $0xb8;
	[tilespmem:$0x1ED80] =	vst v63  }
0xc3: {  	_ =	swait.ge [sflag:s18], $0x800  }
0xc4: {  	[sflag:s18] =	ssyncset.done $0x0  }
0xc5: {  	[sflag:s18] =	ssyncadd.s32 $0xFFFFF800  }
0xc6: {  	[bflag:$0x0] =	sbarrier.arrive $0xFFFF  }
0xc7: {  	s13 =	rddreg [dreg:$0x8]  }
0xc8: {  	[hbm:s13], [sflag:s9] =	dma.local [spmem:s21], $0x13C0  }
0xc9: {  	_ =	swait.ge [sflag:s18], $0x13C0  }
0xca: {  	[sflag:s18] =	ssyncset.done $0x0  }
0xcb: {  	[sflag:s18] =	ssyncadd.s32 $0xFFFFEC40  }
0xcc: {  	[bflag:$0x0] =	sbarrier.arrive $0xFFFF  }
0xcd: {  	[spmem:s21], [sflag:s9] =	dma.local [hbm:s12], $0x13C0  }
0xce: {  	_ =	swait.ge [sflag:s18], $0x13C0  }
0xcf: {  	[sflag:s18] =	ssyncset.done $0x0  }
0xd0: {  	[sflag:s18] =	ssyncadd.s32 $0xFFFFEC40  }
0xd1: {  	s14 =	simm.s32 $0x0;
	[bflag:$0x0] =	sbarrier.arrive $0xFFFF  }
0xd2: {  	[tilespmem:s23], [sflag:$0x1] =	stream.indirect.gather [hbm4b:s7+s22], $0x40, s14, s22, $0xb8;
	[tilespmem:$0x1ED80] =	vst v63  }
0xd3: {  	_ = 	snop  }
0xd4: {  	[tilespmem:s24], [sflag:$0x2] =	stream.indirect.gather [hbm4b:s7+s22], $0x40, s22, s22, $0xb8;
	[tilespmem:$0x1ED80] =	vst v63  }
0xd5: {  	_ = 	snop  }
0xd6: {  	[tilespmem:s26], [sflag:$0x3] =	stream.indirect.gather [hbm4b:s7+s22], $0x40, s25, s22, $0xb8;
	[tilespmem:$0x1ED80] =	vst v63  }
0xd7: {  	_ = 	snop  }
0xd8: {  	[tilespmem:s29], [sflag:$0x4] =	stream.indirect.gather [hbm4b:s7+s22], $0x40, s28, s22, $0xb8;
	[tilespmem:$0x1ED80] =	vst v63  }
0xd9: {  	_ =	swait.ge [sflag:s30], $0x2000  }
0xda: {  	[sflag:s30] =	ssyncset.done $0x0  }
0xdb: {  	s15 =	simm.s32 $0x5000;
	[sflag:s30] =	ssyncadd.s32 $0xFFFFE000  }
0xdc: {  	[spmem:s3] =	stream.indirect.scatter.add.f32 [tilespmem:s23], [sflag:$0x5], $0x40, s15, s22, $0xb8;
	[tilespmem:$0x1ED80] =	vst v63  }
0xdd: {  	_ =	swait.ge [sflag:s18], $0x2000  }
0xde: {  	[sflag:s18] =	ssyncset.done $0x0  }
0xdf: {  	s14 =	simm.s32 $0x200;
	[sflag:s18] =	ssyncadd.s32 $0xFFFFE000  }
0xe0: {  	[tilespmem:s23], [sflag:$0x1] =	stream.indirect.gather [hbm4b:s7+s22], $0x40, s14, s22, $0xb8;
	[tilespmem:$0x1ED80] =	vst v63  }
0xe1: {  	_ =	swait.ge [sflag:s31], $0x2000  }
0xe2: {  	[sflag:s31] =	ssyncset.done $0x0  }
0xe3: {  	s15 =	simm.s32 $0x5080;
	[sflag:s31] =	ssyncadd.s32 $0xFFFFE000  }
0xe4: {  	[spmem:s3] =	stream.indirect.scatter.add.f32 [tilespmem:s24], [sflag:$0x5], $0x40, s15, s22, $0xb8;
	[tilespmem:$0x1ED80] =	vst v63  }
0xe5: {  	_ =	swait.ge [sflag:s18], $0x2000  }
0xe6: {  	[sflag:s18] =	ssyncset.done $0x0  }
0xe7: {  	s14 =	simm.s32 $0x280;
	[sflag:s18] =	ssyncadd.s32 $0xFFFFE000  }
0xe8: {  	[tilespmem:s24], [sflag:$0x2] =	stream.indirect.gather [hbm4b:s7+s22], $0x40, s14, s22, $0xb8;
	[tilespmem:$0x1ED80] =	vst v63  }
0xe9: {  	_ =	swait.ge [sflag:s0], $0x2000  }
0xea: {  	[sflag:s0] =	ssyncset.done $0x0  }
0xeb: {  	s15 =	simm.s32 $0x5100;
	[sflag:s0] =	ssyncadd.s32 $0xFFFFE000  }
0xec: {  	[spmem:s3] =	stream.indirect.scatter.add.f32 [tilespmem:s26], [sflag:$0x5], $0x40, s15, s22, $0xb8;
	[tilespmem:$0x1ED80] =	vst v63  }
0xed: {  	_ =	swait.ge [sflag:s18], $0x2000  }
0xee: {  	[sflag:s18] =	ssyncset.done $0x0  }
0xef: {  	s14 =	simm.s32 $0x300;
	[sflag:s18] =	ssyncadd.s32 $0xFFFFE000  }
0xf0: {  	[tilespmem:s26], [sflag:$0x3] =	stream.indirect.gather [hbm4b:s7+s22], $0x40, s14, s22, $0xb8;
	[tilespmem:$0x1ED80] =	vst v63  }
0xf1: {  	_ =	swait.ge [sflag:s4], $0x2000  }
0xf2: {  	[sflag:s4] =	ssyncset.done $0x0  }
0xf3: {  	s15 =	simm.s32 $0x5180;
	[sflag:s4] =	ssyncadd.s32 $0xFFFFE000  }
0xf4: {  	[spmem:s3] =	stream.indirect.scatter.add.f32 [tilespmem:s29], [sflag:$0x5], $0x40, s15, s22, $0xb8;
	[tilespmem:$0x1ED80] =	vst v63  }
0xf5: {  	_ =	swait.ge [sflag:s18], $0x2000  }
0xf6: {  	[sflag:s18] =	ssyncset.done $0x0  }
0xf7: {  	s13 =	simm.s32 $0x800;
	s14 =	simm.s32 $0x380;
	[sflag:s18] =	ssyncadd.s32 $0xFFFFE000  }
.LBB2_4:
0xf8: {  	[tilespmem:s29], [sflag:$0x4] =	stream.indirect.gather [hbm4b:s7+s22], $0x40, s14, s22, $0xb8;
	[tilespmem:$0x1ED80] =	vst v63  }
0xf9: {  	s14 =	smov.u32 s13  }
0xfa: {  	p0 =	sne.s32 s13, $0x13000;
	s13 =	sadd.s32 $0x800, s13;
	_ =	swait.ge [sflag:s30], $0x2000  }
0xfb: {  	s14 =	sshra.s32 s14, $0x2;
	[sflag:s30] =	ssyncset.done $0x0  }
0xfc: {  	s15 =	sadd.s32 $0x5000, s14;
	[sflag:s30] =	ssyncadd.s32 $0xFFFFE000  }
0xfd: {  	[spmem:s3] =	stream.indirect.scatter.add.f32 [tilespmem:s23], [sflag:$0x5], $0x40, s15, s22, $0xb8;
	[tilespmem:$0x1ED80] =	vst v63  }
0xfe: {  	_ =	swait.ge [sflag:s18], $0x2000  }
0xff: {  	[sflag:s18] =	ssyncset.done $0x0  }
0x100: {  	s15 =	sadd.s32 $0x200, s14;
	[sflag:s18] =	ssyncadd.s32 $0xFFFFE000  }
0x101: {  	[tilespmem:s23], [sflag:$0x1] =	stream.indirect.gather [hbm4b:s7+s22], $0x40, s15, s22, $0xb8;
	[tilespmem:$0x1ED80] =	vst v63  }
0x102: {  	_ =	swait.ge [sflag:s31], $0x2000  }
0x103: {  	[sflag:s31] =	ssyncset.done $0x0  }
0x104: {  	s15 =	sadd.s32 $0x5080, s14;
	[sflag:s31] =	ssyncadd.s32 $0xFFFFE000  }
0x105: {  	[spmem:s3] =	stream.indirect.scatter.add.f32 [tilespmem:s24], [sflag:$0x5], $0x40, s15, s22, $0xb8;
	[tilespmem:$0x1ED80] =	vst v63  }
0x106: {  	_ =	swait.ge [sflag:s18], $0x2000  }
0x107: {  	[sflag:s18] =	ssyncset.done $0x0  }
0x108: {  	s15 =	sadd.s32 $0x280, s14;
	[sflag:s18] =	ssyncadd.s32 $0xFFFFE000  }
0x109: {  	[tilespmem:s24], [sflag:$0x2] =	stream.indirect.gather [hbm4b:s7+s22], $0x40, s15, s22, $0xb8;
	[tilespmem:$0x1ED80] =	vst v63  }
0x10a: {  	_ =	swait.ge [sflag:s0], $0x2000  }
0x10b: {  	[sflag:s0] =	ssyncset.done $0x0  }
0x10c: {  	s15 =	sadd.s32 $0x5100, s14;
	[sflag:s0] =	ssyncadd.s32 $0xFFFFE000  }
0x10d: {  	[spmem:s3] =	stream.indirect.scatter.add.f32 [tilespmem:s26], [sflag:$0x5], $0x40, s15, s22, $0xb8;
	[tilespmem:$0x1ED80] =	vst v63  }
0x10e: {  	_ =	swait.ge [sflag:s18], $0x2000  }
0x10f: {  	[sflag:s18] =	ssyncset.done $0x0  }
0x110: {  	s15 =	sadd.s32 $0x300, s14;
	[sflag:s18] =	ssyncadd.s32 $0xFFFFE000  }
0x111: {  	[tilespmem:s26], [sflag:$0x3] =	stream.indirect.gather [hbm4b:s7+s22], $0x40, s15, s22, $0xb8;
	[tilespmem:$0x1ED80] =	vst v63  }
0x112: {  	_ =	swait.ge [sflag:s4], $0x2000  }
0x113: {  	[sflag:s4] =	ssyncset.done $0x0  }
.Ltmp1:
0x114: {  	s15 =	sadd.s32 $0x5180, s14;
	[sflag:s4] =	ssyncadd.s32 $0xFFFFE000;
	(pc) =	sbr.rel @p0 .LBB2_4-.Ltmp1, $4  }
0x115: {  	[spmem:s3] =	stream.indirect.scatter.add.f32 [tilespmem:s29], [sflag:$0x5], $0x40, s15, s22, $0xb8;
	[tilespmem:$0x1ED80] =	vst v63  }
0x116: {  	_ =	swait.ge [sflag:s18], $0x2000  }
0x117: {  	[sflag:s18] =	ssyncset.done $0x0  }
0x118: {  	s14 =	sadd.s32 $0x380, s14;
	[sflag:s18] =	ssyncadd.s32 $0xFFFFE000  }
0x119: {  	[tilespmem:s29], [sflag:$0x4] =	stream.indirect.gather [hbm4b:s7+s22], $0x40, s14, s22, $0xb8;
	[tilespmem:$0x1ED80] =	vst v63  }
0x11a: {  	_ =	swait.ge [sflag:s30], $0x2000  }
0x11b: {  	[sflag:s30] =	ssyncset.done $0x0  }
0x11c: {  	[sflag:s30] =	ssyncadd.s32 $0xFFFFE000  }
0x11d: {  	[spmem:s3] =	stream.indirect.scatter.add.f32 [tilespmem:s23], [sflag:$0x5], $0x40, s1, s22, $0xb8;
	[tilespmem:$0x1ED80] =	vst v63  }
0x11e: {  	_ =	swait.ge [sflag:s18], $0x2000  }
0x11f: {  	[sflag:s18] =	ssyncset.done $0x0  }
0x120: {  	[sflag:s18] =	ssyncadd.s32 $0xFFFFE000  }
0x121: {  	_ =	swait.ge [sflag:s31], $0x2000  }
0x122: {  	[sflag:s31] =	ssyncset.done $0x0  }
0x123: {  	[sflag:s31] =	ssyncadd.s32 $0xFFFFE000  }
0x124: {  	[spmem:s3] =	stream.indirect.scatter.add.f32 [tilespmem:s24], [sflag:$0x5], $0x40, s20, s22, $0xb8;
	[tilespmem:$0x1ED80] =	vst v63  }
0x125: {  	_ =	swait.ge [sflag:s18], $0x2000  }
0x126: {  	[sflag:s18] =	ssyncset.done $0x0  }
0x127: {  	[sflag:s18] =	ssyncadd.s32 $0xFFFFE000  }
0x128: {  	_ =	swait.ge [sflag:s0], $0x2000  }
0x129: {  	[sflag:s0] =	ssyncset.done $0x0  }
0x12a: {  	[sflag:s0] =	ssyncadd.s32 $0xFFFFE000  }
0x12b: {  	[spmem:s3] =	stream.indirect.scatter.add.f32 [tilespmem:s26], [sflag:$0x5], $0x40, s8, s22, $0xb8;
	[tilespmem:$0x1ED80] =	vst v63  }
0x12c: {  	_ =	swait.ge [sflag:s18], $0x2000  }
0x12d: {  	[sflag:s18] =	ssyncset.done $0x0  }
0x12e: {  	[sflag:s18] =	ssyncadd.s32 $0xFFFFE000  }
0x12f: {  	_ =	swait.ge [sflag:s4], $0x2000  }
0x130: {  	[sflag:s4] =	ssyncset.done $0x0  }
0x131: {  	[sflag:s4] =	ssyncadd.s32 $0xFFFFE000  }
0x132: {  	[spmem:s3] =	stream.indirect.scatter.add.f32 [tilespmem:s29], [sflag:$0x5], $0x40, s10, s22, $0xb8;
	[tilespmem:$0x1ED80] =	vst v63  }
0x133: {  	_ =	swait.ge [sflag:s18], $0x2000  }
0x134: {  	[sflag:s18] =	ssyncset.done $0x0  }
0x135: {  	[sflag:s18] =	ssyncadd.s32 $0xFFFFE000  }
0x136: {  	[bflag:$0x0] =	sbarrier.arrive $0xFFFF  }
0x137: {  	s13 =	rddreg [dreg:$0x9]  }
0x138: {  	[hbm:s13], [sflag:s9] =	dma.local [spmem:s21], $0x13C0  }
0x139: {  	_ =	swait.ge [sflag:s18], $0x13C0  }
0x13a: {  	[sflag:s18] =	ssyncset.done $0x0  }
0x13b: {  	s11 =	sadd.s32 $0x1, s11;
	[sflag:s18] =	ssyncadd.s32 $0xFFFFEC40  }
0x13c: {  	p0 =	sne.s32 s11, s16;
	[bflag:$0x0] =	sbarrier.arrive $0xFFFF  }
.Ltmp2:
0x13d: {  	s15 =	rddreg [dreg:$0xa];
	(pc) =	sbr.rel @p0 .LBB2_1-.Ltmp2, $4  }
0x13e: {  	[hbm:s15], [sflag:s9] =	dma.local [spmem:s17], $0x4F0  }
0x13f: {  	_ =	swait.ge [sflag:s18], $0x4F0  }
0x140: {  	[sflag:s18] =	ssyncset.done $0x0  }
0x141: {  	[sflag:s18] =	ssyncadd.s32 $0xFFFFFB10  }
0x142: {  	_ =	sfence.sel $0x180000  }
0x143: {  	[bflag:$0x0] =	sbarrier.arrive $0xFFFF  }
0x144: {  	_ =	strace $0x90000047  }
0x145: {  	s0 =	stileid.u32;
	[bflag:$0x2] =	sbarrier.arrive $0xFFFF  }
0x146: {  	p0 =	sne.s32 s0, $0x0;
	s0 =	rddreg [dreg:$0x4]  }
0x147: {  	s0 =	sadd.s32 @!p0 $0x100000, s0  }
0x148: {  	[sflag:s0] =	ssyncadd.tile.s32 @!p0 $0x1;
	_ =	shalt  }
.Lfunc_end2:
_tile_overlayer_lowered:
.L_overlay_start_2:
0x149: {  	(tag) =	ssettag $0x2  }
0x14a: {  	s0 =	rddreg [dreg:$0x0];
	s2 =	stileid.u32  }
0x14b: {  	s1 =	rddreg [dreg:$0x1];
	p0 =	sne.s32 s2, $0x0  }
0x14c: {  	s3 =	rddreg [dreg:$0x2];
	[bflag:$0x3] =	sbarrier.arrive $0xFFFF;
	s2 =	simm.s32 @!p0 $0x1C05  }
0x14d: {  	[timem:s3], [sflag:s2] =	dma.local @!p0 [hbm:s0], s1  }
0x14e: {  	s0 =	simm.s32 @!p0 $0x5  }
0x14f: {  	_ =	swait.ge @!p0 [sflag:s0], s1  }
0x150: {  	s1 =	ssub.s32 @!p0 $0x0, s1;
	[sflag:s0] =	ssyncset.done @!p0 $0x0  }
0x151: {  	[sflag:s0] =	ssyncadd.s32 @!p0 s1  }
0x152: {  	[bflag:$0x3] =	sbarrier.arrive $0xFFFF  }
0x153: {  	_ =	shalt  }

</sc_bundles>
